<compile_context>
chip_gen: v7x
topology: tpu7x:2x2x1
jax: 0.10.2.dev20260603
libtpu: 0.0.44.dev20260713+nightly
codegen_flags: <defaults>
</compile_context>

<pallas_src>
import functools

import jax
import jax.numpy as jnp
from jax import lax
from jax.experimental import pallas as pl
from jax.experimental.pallas import tpu as pltpu
from jax.experimental.pallas import tpu_sc as plsc

_NC = 2
_NS = 16
_NW = _NC * _NS


def _sdiff_body(tab_ref, wd_ref, bd_ref, s_ref):
    x = tab_ref[...]
    w = wd_ref[...]
    s_ref[...] = jnp.sum(x * w, axis=0) + bd_ref[0, 0]


@functools.lru_cache(maxsize=None)
def _make_sdiff(V, D, blk):
    return pl.pallas_call(
        _sdiff_body,
        grid=(pl.cdiv(V, blk),),
        in_specs=[
            pl.BlockSpec((D, blk), lambda i: (0, i)),
            pl.BlockSpec((D, 1), lambda i: (0, 0)),
            pl.BlockSpec(memory_space=pltpu.SMEM),
        ],
        out_specs=pl.BlockSpec((blk,), lambda i: (i,)),
        out_shape=jax.ShapeDtypeStruct((V,), jnp.float32),
    )


@functools.lru_cache(maxsize=None)
def _make_gather(V, N, CH, NJ):
    NB = N // _NW
    NCH = NB // CH
    SPC = CH // 1024
    mesh = plsc.VectorSubcoreMesh(core_axis_name="c", subcore_axis_name="s")

    @functools.partial(
        pl.kernel,
        out_type=jax.ShapeDtypeStruct((N,), jnp.float32),
        mesh=mesh,
        compiler_params=pltpu.CompilerParams(needs_layout_passes=False),
        scratch_types=[
            pltpu.VMEM((V,), jnp.float32),
            pltpu.VMEM((CH,), jnp.int32),
            pltpu.VMEM((1024,), jnp.float32),
            pltpu.VMEM((1024,), jnp.float32),
            pltpu.SemaphoreType.DMA,
            pltpu.SemaphoreType.DMA,
        ],
    )
    def gather_k(s_hbm, idx_hbm, g_hbm, s_v, idx_v, g0_v, g1_v, sem0, sem1):
        wid = lax.axis_index("s") * _NC + lax.axis_index("c")
        base = wid * NB
        pltpu.sync_copy(s_hbm, s_v)
        g_bufs = (g0_v, g1_v)
        sems = (sem0, sem1)

        def chunk(c, carry):
            pltpu.sync_copy(idx_hbm.at[pl.ds(base + c * CH, CH)], idx_v)
            for sub in range(SPC):
                par = sub % 2
                g_v, sem = g_bufs[par], sems[par]
                scc = c * SPC + sub
                G0 = wid * (NB // 128) + scc * 8
                lt = G0 // (8 * NJ)
                bt = (G0 // 8) % NJ
                obase = lt * (1024 * NJ) + bt * 128

                @pl.when(scc >= 2)
                def _drain():
                    for lp in range(8):
                        pltpu.make_async_copy(
                            g_v.at[pl.ds(lp * 128, 128)],
                            g_hbm.at[pl.ds(lp * 128, 128)], sem).wait()

                @plsc.parallel_loop(0, 8, unroll=4)
                def vec(lp):
                    for p in range(8):
                        iv = idx_v[pl.ds(sub * 1024 + lp * 128 + p * 16, 16)]
                        vals = plsc.load_gather(s_v, [iv])
                        g_v[pl.ds(lp * 128 + p * 16, 16)] = vals

                for lp in range(8):
                    pltpu.async_copy(
                        g_v.at[pl.ds(lp * 128, 128)],
                        g_hbm.at[pl.ds(obase + lp * (128 * NJ), 128)],
                        sem)
            return carry

        lax.fori_loop(0, NCH, chunk, 0)
        for par in range(2):
            g_v, sem = g_bufs[par], sems[par]
            for lp in range(8):
                pltpu.make_async_copy(
                    g_v.at[pl.ds(lp * 128, 128)],
                    g_hbm.at[pl.ds(lp * 128, 128)], sem).wait()

    return gather_k


def _softplus_body(g_ref, o_ref):
    g = g_ref[...]
    u1 = -(jnp.maximum(g, 0.0) + jnp.log1p(jnp.exp(-jnp.abs(g))))
    blk = g.shape[0]
    o_ref[...] = jnp.stack([u1 + g, u1], axis=1).reshape(2 * blk, 128)


@functools.lru_cache(maxsize=None)
def _make_softplus(R, blk):
    return pl.pallas_call(
        _softplus_body,
        grid=(R // blk,),
        in_specs=[pl.BlockSpec((blk, 128), lambda i: (i, 0))],
        out_specs=pl.BlockSpec((2 * blk, 128), lambda i: (i, 0)),
        out_shape=jax.ShapeDtypeStruct((2 * R, 128), jnp.float32),
    )


def kernel(input, table, W, b):
    B, L = input.shape
    V, D = table.shape
    N = B * L
    NJ = B // 128

    wd = (W[0] - W[1]).reshape(D, 1).astype(jnp.float32)
    bd = (b[0] - b[1]).reshape(1, 1).astype(jnp.float32)

    LT = L // 8
    s = _make_sdiff(V, D, 8192)(table.T, wd, bd)
    idx_raw = (input.T.reshape(LT, 8, NJ, 128).transpose(0, 2, 1, 3)
               .reshape(N).astype(jnp.int32))
    g1 = _make_gather(V, N, 5120, NJ)(s, idx_raw)
    o = _make_softplus(N // 128, 800)(g1.reshape(N // 128, 128))
    return (o.reshape(L, NJ, 2, 128).transpose(1, 3, 0, 2).reshape(B, L, 2))

# --- scband reference (transcript-rebuilt; emitter-appended) ---
"""Pipeline reference for scband-my-model-84774064489234 (READ-ONLY COPY).

The authoritative reference and input builder live on the scoring server;
editing this copy changes nothing except your own understanding.
"""

import jax, jax.numpy as jnp
import numpy as np

VOCAB = 100000
DIM = 200
B = 4096
L = 200


def setup_inputs(seed: int = 0) -> dict:
    key = jax.random.key(seed)
    k1, k2, k3 = jax.random.split(key, 3)
    indices = jax.random.randint(k1, (B, L), 0, VOCAB)
    # learned parameters
    table = jax.random.normal(k2, (VOCAB, DIM), dtype=jnp.float32)
    W = jax.random.normal(k3, (2, DIM), dtype=jnp.float32) * 0.05
    b = jnp.zeros((2,), dtype=jnp.float32)
    return {"input": indices, "table": table, "W": W, "b": b}


def reference(input, table, W, b):
    # nn.Embedding lookup -> gather rows from the table
    x = jnp.take(table, input, axis=0)  # [B, L, DIM]
    # NOTE: the original torch code calls x.view(...) without assignment -> no-op
    # nn.Linear(200, 2)
    out = x @ W.T + b  # [B, L, 2]
    # F.log_softmax(out, dim=-1)
    return jax.nn.log_softmax(out, axis=-1)

if __name__ == "__main__":
    import jax
    _d = setup_inputs()
    print(jax.jit(kernel)(*tuple(_d.values())))

</pallas_src>

<mosaic_0001>
#map = affine_map<(d0, d1) -> (0)>
module attributes {stable_mosaic.version = 14 : i64} {
  func.func @gather_k(%arg0: i32, %arg1: i32, %arg2: memref<100000xf32, #tpu.memory_space<hbm>>, %arg3: memref<819200xi32, #tpu.memory_space<hbm>>, %arg4: memref<819200xf32, #tpu.memory_space<hbm>>, %arg5: memref<100000xf32, #tpu.memory_space<vmem>>, %arg6: memref<5120xi32, #tpu.memory_space<vmem>>, %arg7: memref<1024xf32, #tpu.memory_space<vmem>>, %arg8: memref<1024xf32, #tpu.memory_space<vmem>>, %arg9: memref<!tpu.dma_semaphore, #tpu.memory_space<semaphore_mem>>, %arg10: memref<!tpu.dma_semaphore, #tpu.memory_space<semaphore_mem>>) attributes {dimension_semantics = [#tpu.dimension_semantics<core_parallel>, #tpu.dimension_semantics<subcore_parallel>], iteration_bounds = array<i64: 2, 16>, scalar_prefetch = 0 : i64, scratch_operands = 6 : i64, tpu.core_type = #tpu.core_type<sc_vector_subcore>, window_params = [{transform_indices = #map}, {transform_indices = #map}, {transform_indices = #map}]} {
    %mul3A = arith.constant 2 : i32
    %mul3A_0 = arith.muli %arg1, %mul3A : i32
    %add3A = arith.addi %mul3A_0, %arg0 : i32
    %mul3A_1 = arith.constant 25600 : i32
    %mul3A_2 = arith.muli %add3A, %mul3A_1 : i32
    "tpu.region"() ({
      %run_scoped3A = tpu.sem_alloc : memref<!tpu.dma_semaphore, #tpu.memory_space<semaphore_mem>>
      tpu.enqueue_dma source(%arg2 : memref<100000xf32, #tpu.memory_space<hbm>>) target(%arg5 : memref<100000xf32, #tpu.memory_space<vmem>>) target_semaphore(%run_scoped3A : memref<!tpu.dma_semaphore, #tpu.memory_space<semaphore_mem>>)
      tpu.wait_dma2 semaphore(%run_scoped3A : memref<!tpu.dma_semaphore, #tpu.memory_space<semaphore_mem>>) src(%arg2 : memref<100000xf32, #tpu.memory_space<hbm>>) dst(%arg5 : memref<100000xf32, #tpu.memory_space<vmem>>)
      tpu.yield
    }) : () -> ()
    %scan3A = arith.constant 0 : i32
    %scan3A_3 = arith.constant 0 : i32
    %scan3A_4 = arith.constant 5 : i32
    %scan3A_5 = arith.addi %scan3A_3, %scan3A_4 : i32
    %scan3A_6 = arith.constant 1 : i32
    scf.for %scan3A_135 = %scan3A_3 to %scan3A_5 step %scan3A_6  : i32 {
      %mul3A_136 = arith.constant 5120 : i32
      %mul3A_137 = arith.muli %scan3A_135, %mul3A_136 : i32
      %add3A_138 = arith.addi %mul3A_2, %mul3A_137 : i32
      "tpu.region"() ({
        %run_scoped3A = tpu.sem_alloc : memref<!tpu.dma_semaphore, #tpu.memory_space<semaphore_mem>>
        %dma_start3A_874 = tpu.memref_slice %arg3[%add3A_138] : memref<819200xi32, #tpu.memory_space<hbm>> -> memref<5120xi32, #tpu.memory_space<hbm>>
        %dma_start3A_875 = tpu.memref_slice %arg3[%add3A_138] : memref<819200xi32, #tpu.memory_space<hbm>> -> memref<5120xi32, #tpu.memory_space<hbm>>
        tpu.enqueue_dma source(%dma_start3A_875 : memref<5120xi32, #tpu.memory_space<hbm>>) target(%arg6 : memref<5120xi32, #tpu.memory_space<vmem>>) target_semaphore(%run_scoped3A : memref<!tpu.dma_semaphore, #tpu.memory_space<semaphore_mem>>)
        %dma_wait3A_876 = tpu.memref_slice %arg3[%add3A_138] : memref<819200xi32, #tpu.memory_space<hbm>> -> memref<5120xi32, #tpu.memory_space<hbm>>
        %dma_wait3A_877 = tpu.memref_slice %arg3[%add3A_138] : memref<819200xi32, #tpu.memory_space<hbm>> -> memref<5120xi32, #tpu.memory_space<hbm>>
        tpu.wait_dma2 semaphore(%run_scoped3A : memref<!tpu.dma_semaphore, #tpu.memory_space<semaphore_mem>>) src(%dma_wait3A_877 : memref<5120xi32, #tpu.memory_space<hbm>>) dst(%arg6 : memref<5120xi32, #tpu.memory_space<vmem>>)
        tpu.yield
      }) : () -> ()
      %mul3A_139 = arith.constant 5 : i32
      %mul3A_140 = arith.muli %scan3A_135, %mul3A_139 : i32
      %add3A_141 = arith.constant 0 : i32
      %add3A_142 = arith.addi %mul3A_140, %add3A_141 : i32
      %mul3A_143 = arith.constant 200 : i32
      %mul3A_144 = arith.muli %add3A, %mul3A_143 : i32
      %mul3A_145 = arith.constant 8 : i32
      %mul3A_146 = arith.muli %add3A_142, %mul3A_145 : i32
      %add3A_147 = arith.addi %mul3A_144, %mul3A_146 : i32
      %jit3A = arith.constant 256 : i32
      %div3A = arith.divsi %add3A_147, %jit3A : i32
      %sign3A = arith.constant 0 : i32
      %sign3A_148 = arith.cmpi sgt, %add3A_147, %sign3A : i32
      %sign3A_149 = arith.extui %sign3A_148 : i1 to i32
      %sign3A_150 = arith.constant 0 : i32
      %sign3A_151 = arith.cmpi slt, %add3A_147, %sign3A_150 : i32
      %sign3A_152 = arith.extui %sign3A_151 : i1 to i32
      %sign3A_153 = arith.subi %sign3A_149, %sign3A_152 : i32
      %sign3A_154 = arith.constant 0 : i32
      %sign3A_155 = arith.cmpi sgt, %jit3A, %sign3A_154 : i32
      %sign3A_156 = arith.extui %sign3A_155 : i1 to i32
      %sign3A_157 = arith.constant 0 : i32
      %sign3A_158 = arith.cmpi slt, %jit3A, %sign3A_157 : i32
      %sign3A_159 = arith.extui %sign3A_158 : i1 to i32
      %sign3A_160 = arith.subi %sign3A_156, %sign3A_159 : i32
      %ne3A = arith.cmpi ne, %sign3A_153, %sign3A_160 : i32
      %rem3A = arith.remsi %add3A_147, %jit3A : i32
      %ne3A_161 = arith.constant 0 : i32
      %ne3A_162 = arith.cmpi ne, %rem3A, %ne3A_161 : i32
      %and3A = arith.andi %ne3A, %ne3A_162 : i1
      %sub3A = arith.constant 1 : i32
      %sub3A_163 = arith.subi %div3A, %sub3A : i32
      %select_n3A = arith.select %and3A, %sub3A_163, %div3A : i32
      %jit3A_164 = arith.constant 8 : i32
      %div3A_165 = arith.divsi %add3A_147, %jit3A_164 : i32
      %sign3A_166 = arith.constant 0 : i32
      %sign3A_167 = arith.cmpi sgt, %add3A_147, %sign3A_166 : i32
      %sign3A_168 = arith.extui %sign3A_167 : i1 to i32
      %sign3A_169 = arith.constant 0 : i32
      %sign3A_170 = arith.cmpi slt, %add3A_147, %sign3A_169 : i32
      %sign3A_171 = arith.extui %sign3A_170 : i1 to i32
      %sign3A_172 = arith.subi %sign3A_168, %sign3A_171 : i32
      %sign3A_173 = arith.constant 0 : i32
      %sign3A_174 = arith.cmpi sgt, %jit3A_164, %sign3A_173 : i32
      %sign3A_175 = arith.extui %sign3A_174 : i1 to i32
      %sign3A_176 = arith.constant 0 : i32
      %sign3A_177 = arith.cmpi slt, %jit3A_164, %sign3A_176 : i32
      %sign3A_178 = arith.extui %sign3A_177 : i1 to i32
      %sign3A_179 = arith.subi %sign3A_175, %sign3A_178 : i32
      %ne3A_180 = arith.cmpi ne, %sign3A_172, %sign3A_179 : i32
      %rem3A_181 = arith.remsi %add3A_147, %jit3A_164 : i32
      %ne3A_182 = arith.constant 0 : i32
      %ne3A_183 = arith.cmpi ne, %rem3A_181, %ne3A_182 : i32
      %and3A_184 = arith.andi %ne3A_180, %ne3A_183 : i1
      %sub3A_185 = arith.constant 1 : i32
      %sub3A_186 = arith.subi %div3A_165, %sub3A_185 : i32
      %select_n3A_187 = arith.select %and3A_184, %sub3A_186, %div3A_165 : i32
      %jit3A_188 = arith.constant 32 : i32
      %eq3A = arith.constant 0 : i32
      %eq3A_189 = arith.cmpi eq, %jit3A_188, %eq3A : i32
      %jit3A_190 = arith.constant 1 : i32
      %select_n3A_191 = arith.select %eq3A_189, %jit3A_190, %jit3A_188 : i32
      %rem3A_192 = arith.remsi %select_n3A_187, %select_n3A_191 : i32
      %ne3A_193 = arith.constant 0 : i32
      %ne3A_194 = arith.cmpi ne, %rem3A_192, %ne3A_193 : i32
      %lt3A = arith.constant 0 : i32
      %lt3A_195 = arith.cmpi slt, %rem3A_192, %lt3A : i32
      %lt3A_196 = arith.constant 0 : i32
      %lt3A_197 = arith.cmpi slt, %select_n3A_191, %lt3A_196 : i32
      %ne3A_198 = arith.xori %lt3A_195, %lt3A_197 : i1
      %and3A_199 = arith.andi %ne3A_198, %ne3A_194 : i1
      %add3A_200 = arith.addi %rem3A_192, %select_n3A_191 : i32
      %select_n3A_201 = arith.select %and3A_199, %add3A_200, %rem3A_192 : i32
      %mul3A_202 = arith.constant 32768 : i32
      %mul3A_203 = arith.muli %select_n3A, %mul3A_202 : i32
      %mul3A_204 = arith.constant 128 : i32
      %mul3A_205 = arith.muli %select_n3A_201, %mul3A_204 : i32
      %add3A_206 = arith.addi %mul3A_203, %mul3A_205 : i32
      %ge3A = arith.constant 2 : i32
      %ge3A_207 = arith.cmpi sge, %add3A_142, %ge3A : i32
      %convert_element_type3A = arith.extui %ge3A_207 : i1 to i32
      %cond3A = arith.constant 0 : i32
      %cond3A_208 = arith.cmpi ne, %convert_element_type3A, %cond3A : i32
      scf.if %cond3A_208 {
        %dma_wait3A_874 = arith.constant 0 : i32
        %dma_wait3A_875 = tpu.memref_slice %arg7[%dma_wait3A_874] : memref<1024xf32, #tpu.memory_space<vmem>> -> memref<128xf32, #tpu.memory_space<vmem>>
        %dma_wait3A_876 = arith.constant 0 : i32
        %dma_wait3A_877 = tpu.memref_slice %arg4[%dma_wait3A_876] : memref<819200xf32, #tpu.memory_space<hbm>> -> memref<128xf32, #tpu.memory_space<hbm>>
        %dma_wait3A_878 = arith.constant 0 : i32
        %dma_wait3A_879 = tpu.memref_slice %arg4[%dma_wait3A_878] : memref<819200xf32, #tpu.memory_space<hbm>> -> memref<128xf32, #tpu.memory_space<hbm>>
        %dma_wait3A_880 = arith.constant 0 : i32
        %dma_wait3A_881 = tpu.memref_slice %arg7[%dma_wait3A_880] : memref<1024xf32, #tpu.memory_space<vmem>> -> memref<128xf32, #tpu.memory_space<vmem>>
        tpu.wait_dma2 semaphore(%arg9 : memref<!tpu.dma_semaphore, #tpu.memory_space<semaphore_mem>>) src(%dma_wait3A_881 : memref<128xf32, #tpu.memory_space<vmem>>) dst(%dma_wait3A_879 : memref<128xf32, #tpu.memory_space<hbm>>)
        %dma_wait3A_882 = arith.constant 128 : i32
        %dma_wait3A_883 = tpu.memref_slice %arg7[%dma_wait3A_882] : memref<1024xf32, #tpu.memory_space<vmem>> -> memref<128xf32, #tpu.memory_space<vmem>>
        %dma_wait3A_884 = arith.constant 128 : i32
        %dma_wait3A_885 = tpu.memref_slice %arg4[%dma_wait3A_884] : memref<819200xf32, #tpu.memory_space<hbm>> -> memref<128xf32, #tpu.memory_space<hbm>>
        %dma_wait3A_886 = arith.constant 128 : i32
        %dma_wait3A_887 = tpu.memref_slice %arg4[%dma_wait3A_886] : memref<819200xf32, #tpu.memory_space<hbm>> -> memref<128xf32, #tpu.memory_space<hbm>>
        %dma_wait3A_888 = arith.constant 128 : i32
        %dma_wait3A_889 = tpu.memref_slice %arg7[%dma_wait3A_888] : memref<1024xf32, #tpu.memory_space<vmem>> -> memref<128xf32, #tpu.memory_space<vmem>>
        tpu.wait_dma2 semaphore(%arg9 : memref<!tpu.dma_semaphore, #tpu.memory_space<semaphore_mem>>) src(%dma_wait3A_889 : memref<128xf32, #tpu.memory_space<vmem>>) dst(%dma_wait3A_887 : memref<128xf32, #tpu.memory_space<hbm>>)
        %dma_wait3A_890 = arith.constant 256 : i32
        %dma_wait3A_891 = tpu.memref_slice %arg7[%dma_wait3A_890] : memref<1024xf32, #tpu.memory_space<vmem>> -> memref<128xf32, #tpu.memory_space<vmem>>
        %dma_wait3A_892 = arith.constant 256 : i32
        %dma_wait3A_893 = tpu.memref_slice %arg4[%dma_wait3A_892] : memref<819200xf32, #tpu.memory_space<hbm>> -> memref<128xf32, #tpu.memory_space<hbm>>
        %dma_wait3A_894 = arith.constant 256 : i32
        %dma_wait3A_895 = tpu.memref_slice %arg4[%dma_wait3A_894] : memref<819200xf32, #tpu.memory_space<hbm>> -> memref<128xf32, #tpu.memory_space<hbm>>
        %dma_wait3A_896 = arith.constant 256 : i32
        %dma_wait3A_897 = tpu.memref_slice %arg7[%dma_wait3A_896] : memref<1024xf32, #tpu.memory_space<vmem>> -> memref<128xf32, #tpu.memory_space<vmem>>
        tpu.wait_dma2 semaphore(%arg9 : memref<!tpu.dma_semaphore, #tpu.memory_space<semaphore_mem>>) src(%dma_wait3A_897 : memref<128xf32, #tpu.memory_space<vmem>>) dst(%dma_wait3A_895 : memref<128xf32, #tpu.memory_space<hbm>>)
        %dma_wait3A_898 = arith.constant 384 : i32
        %dma_wait3A_899 = tpu.memref_slice %arg7[%dma_wait3A_898] : memref<1024xf32, #tpu.memory_space<vmem>> -> memref<128xf32, #tpu.memory_space<vmem>>
        %dma_wait3A_900 = arith.constant 384 : i32
        %dma_wait3A_901 = tpu.memref_slice %arg4[%dma_wait3A_900] : memref<819200xf32, #tpu.memory_space<hbm>> -> memref<128xf32, #tpu.memory_space<hbm>>
        %dma_wait3A_902 = arith.constant 384 : i32
        %dma_wait3A_903 = tpu.memref_slice %arg4[%dma_wait3A_902] : memref<819200xf32, #tpu.memory_space<hbm>> -> memref<128xf32, #tpu.memory_space<hbm>>
        %dma_wait3A_904 = arith.constant 384 : i32
        %dma_wait3A_905 = tpu.memref_slice %arg7[%dma_wait3A_904] : memref<1024xf32, #tpu.memory_space<vmem>> -> memref<128xf32, #tpu.memory_space<vmem>>
        tpu.wait_dma2 semaphore(%arg9 : memref<!tpu.dma_semaphore, #tpu.memory_space<semaphore_mem>>) src(%dma_wait3A_905 : memref<128xf32, #tpu.memory_space<vmem>>) dst(%dma_wait3A_903 : memref<128xf32, #tpu.memory_space<hbm>>)
        %dma_wait3A_906 = arith.constant 512 : i32
        %dma_wait3A_907 = tpu.memref_slice %arg7[%dma_wait3A_906] : memref<1024xf32, #tpu.memory_space<vmem>> -> memref<128xf32, #tpu.memory_space<vmem>>
        %dma_wait3A_908 = arith.constant 512 : i32
        %dma_wait3A_909 = tpu.memref_slice %arg4[%dma_wait3A_908] : memref<819200xf32, #tpu.memory_space<hbm>> -> memref<128xf32, #tpu.memory_space<hbm>>
        %dma_wait3A_910 = arith.constant 512 : i32
        %dma_wait3A_911 = tpu.memref_slice %arg4[%dma_wait3A_910] : memref<819200xf32, #tpu.memory_space<hbm>> -> memref<128xf32, #tpu.memory_space<hbm>>
        %dma_wait3A_912 = arith.constant 512 : i32
        %dma_wait3A_913 = tpu.memref_slice %arg7[%dma_wait3A_912] : memref<1024xf32, #tpu.memory_space<vmem>> -> memref<128xf32, #tpu.memory_space<vmem>>
        tpu.wait_dma2 semaphore(%arg9 : memref<!tpu.dma_semaphore, #tpu.memory_space<semaphore_mem>>) src(%dma_wait3A_913 : memref<128xf32, #tpu.memory_space<vmem>>) dst(%dma_wait3A_911 : memref<128xf32, #tpu.memory_space<hbm>>)
        %dma_wait3A_914 = arith.constant 640 : i32
        %dma_wait3A_915 = tpu.memref_slice %arg7[%dma_wait3A_914] : memref<1024xf32, #tpu.memory_space<vmem>> -> memref<128xf32, #tpu.memory_space<vmem>>
        %dma_wait3A_916 = arith.constant 640 : i32
        %dma_wait3A_917 = tpu.memref_slice %arg4[%dma_wait3A_916] : memref<819200xf32, #tpu.memory_space<hbm>> -> memref<128xf32, #tpu.memory_space<hbm>>
        %dma_wait3A_918 = arith.constant 640 : i32
        %dma_wait3A_919 = tpu.memref_slice %arg4[%dma_wait3A_918] : memref<819200xf32, #tpu.memory_space<hbm>> -> memref<128xf32, #tpu.memory_space<hbm>>
        %dma_wait3A_920 = arith.constant 640 : i32
        %dma_wait3A_921 = tpu.memref_slice %arg7[%dma_wait3A_920] : memref<1024xf32, #tpu.memory_space<vmem>> -> memref<128xf32, #tpu.memory_space<vmem>>
        tpu.wait_dma2 semaphore(%arg9 : memref<!tpu.dma_semaphore, #tpu.memory_space<semaphore_mem>>) src(%dma_wait3A_921 : memref<128xf32, #tpu.memory_space<vmem>>) dst(%dma_wait3A_919 : memref<128xf32, #tpu.memory_space<hbm>>)
        %dma_wait3A_922 = arith.constant 768 : i32
        %dma_wait3A_923 = tpu.memref_slice %arg7[%dma_wait3A_922] : memref<1024xf32, #tpu.memory_space<vmem>> -> memref<128xf32, #tpu.memory_space<vmem>>
        %dma_wait3A_924 = arith.constant 768 : i32
        %dma_wait3A_925 = tpu.memref_slice %arg4[%dma_wait3A_924] : memref<819200xf32, #tpu.memory_space<hbm>> -> memref<128xf32, #tpu.memory_space<hbm>>
        %dma_wait3A_926 = arith.constant 768 : i32
        %dma_wait3A_927 = tpu.memref_slice %arg4[%dma_wait3A_926] : memref<819200xf32, #tpu.memory_space<hbm>> -> memref<128xf32, #tpu.memory_space<hbm>>
        %dma_wait3A_928 = arith.constant 768 : i32
        %dma_wait3A_929 = tpu.memref_slice %arg7[%dma_wait3A_928] : memref<1024xf32, #tpu.memory_space<vmem>> -> memref<128xf32, #tpu.memory_space<vmem>>
        tpu.wait_dma2 semaphore(%arg9 : memref<!tpu.dma_semaphore, #tpu.memory_space<semaphore_mem>>) src(%dma_wait3A_929 : memref<128xf32, #tpu.memory_space<vmem>>) dst(%dma_wait3A_927 : memref<128xf32, #tpu.memory_space<hbm>>)
        %dma_wait3A_930 = arith.constant 896 : i32
        %dma_wait3A_931 = tpu.memref_slice %arg7[%dma_wait3A_930] : memref<1024xf32, #tpu.memory_space<vmem>> -> memref<128xf32, #tpu.memory_space<vmem>>
        %dma_wait3A_932 = arith.constant 896 : i32
        %dma_wait3A_933 = tpu.memref_slice %arg4[%dma_wait3A_932] : memref<819200xf32, #tpu.memory_space<hbm>> -> memref<128xf32, #tpu.memory_space<hbm>>
        %dma_wait3A_934 = arith.constant 896 : i32
        %dma_wait3A_935 = tpu.memref_slice %arg4[%dma_wait3A_934] : memref<819200xf32, #tpu.memory_space<hbm>> -> memref<128xf32, #tpu.memory_space<hbm>>
        %dma_wait3A_936 = arith.constant 896 : i32
        %dma_wait3A_937 = tpu.memref_slice %arg7[%dma_wait3A_936] : memref<1024xf32, #tpu.memory_space<vmem>> -> memref<128xf32, #tpu.memory_space<vmem>>
        tpu.wait_dma2 semaphore(%arg9 : memref<!tpu.dma_semaphore, #tpu.memory_space<semaphore_mem>>) src(%dma_wait3A_937 : memref<128xf32, #tpu.memory_space<vmem>>) dst(%dma_wait3A_935 : memref<128xf32, #tpu.memory_space<hbm>>)
      } else {
      }
      %parallel_loop3A = arith.constant 0 : i32
      %parallel_loop3A_209 = arith.constant 8 : i32
      %parallel_loop3A_210 = arith.constant 1 : i32
      scf.for %parallel_loop3A_874 = %parallel_loop3A to %parallel_loop3A_209 step %parallel_loop3A_210  : i32 {
        %parallel_loop3A_875 = arith.constant 128 : i32
        %parallel_loop3A_876 = arith.muli %parallel_loop3A_874, %parallel_loop3A_875 : i32
        %parallel_loop3A_877 = arith.constant 0 : i32
        %parallel_loop3A_878 = arith.addi %parallel_loop3A_877, %parallel_loop3A_876 : i32
        %parallel_loop3A_879 = arith.constant 0 : i32
        %parallel_loop3A_880 = arith.addi %parallel_loop3A_878, %parallel_loop3A_879 : i32
        %parallel_loop3A_881 = arith.index_cast %parallel_loop3A_880 : i32 to index
        %parallel_loop3A_882 = tpu.vector_load %arg6[%parallel_loop3A_881] {strides = array<i32>} : memref<5120xi32, #tpu.memory_space<vmem>>, vector<16xi32>,
        %parallel_loop3A_883 = tpu.vector_load_idx %arg5[%parallel_loop3A_882] : memref<100000xf32, #tpu.memory_space<vmem>>[vector<16xi32>], vector<16xf32>,
        %parallel_loop3A_884 = arith.constant 128 : i32
        %parallel_loop3A_885 = arith.muli %parallel_loop3A_874, %parallel_loop3A_884 : i32
        %parallel_loop3A_886 = arith.constant 0 : i32
        %parallel_loop3A_887 = arith.addi %parallel_loop3A_885, %parallel_loop3A_886 : i32
        %parallel_loop3A_888 = arith.index_cast %parallel_loop3A_887 : i32 to index
        %parallel_loop3A_889 = tpu.vector_load %arg7[%parallel_loop3A_888] {strides = array<i32>} : memref<1024xf32, #tpu.memory_space<vmem>>, vector<16xf32>,
        tpu.vector_store %arg7[%parallel_loop3A_888], %parallel_loop3A_883 {strides = array<i32>} : memref<1024xf32, #tpu.memory_space<vmem>>, vector<16xf32>,
        %parallel_loop3A_890 = arith.constant 128 : i32
        %parallel_loop3A_891 = arith.muli %parallel_loop3A_874, %parallel_loop3A_890 : i32
        %parallel_loop3A_892 = arith.constant 0 : i32
        %parallel_loop3A_893 = arith.addi %parallel_loop3A_892, %parallel_loop3A_891 : i32
        %parallel_loop3A_894 = arith.constant 16 : i32
        %parallel_loop3A_895 = arith.addi %parallel_loop3A_893, %parallel_loop3A_894 : i32
        %parallel_loop3A_896 = arith.index_cast %parallel_loop3A_895 : i32 to index
        %parallel_loop3A_897 = tpu.vector_load %arg6[%parallel_loop3A_896] {strides = array<i32>} : memref<5120xi32, #tpu.memory_space<vmem>>, vector<16xi32>,
        %parallel_loop3A_898 = tpu.vector_load_idx %arg5[%parallel_loop3A_897] : memref<100000xf32, #tpu.memory_space<vmem>>[vector<16xi32>], vector<16xf32>,
        %parallel_loop3A_899 = arith.constant 128 : i32
        %parallel_loop3A_900 = arith.muli %parallel_loop3A_874, %parallel_loop3A_899 : i32
        %parallel_loop3A_901 = arith.constant 16 : i32
        %parallel_loop3A_902 = arith.addi %parallel_loop3A_900, %parallel_loop3A_901 : i32
        %parallel_loop3A_903 = arith.index_cast %parallel_loop3A_902 : i32 to index
        %parallel_loop3A_904 = tpu.vector_load %arg7[%parallel_loop3A_903] {strides = array<i32>} : memref<1024xf32, #tpu.memory_space<vmem>>, vector<16xf32>,
        tpu.vector_store %arg7[%parallel_loop3A_903], %parallel_loop3A_898 {strides = array<i32>} : memref<1024xf32, #tpu.memory_space<vmem>>, vector<16xf32>,
        %parallel_loop3A_905 = arith.constant 128 : i32
        %parallel_loop3A_906 = arith.muli %parallel_loop3A_874, %parallel_loop3A_905 : i32
        %parallel_loop3A_907 = arith.constant 0 : i32
        %parallel_loop3A_908 = arith.addi %parallel_loop3A_907, %parallel_loop3A_906 : i32
        %parallel_loop3A_909 = arith.constant 32 : i32
        %parallel_loop3A_910 = arith.addi %parallel_loop3A_908, %parallel_loop3A_909 : i32
        %parallel_loop3A_911 = arith.index_cast %parallel_loop3A_910 : i32 to index
        %parallel_loop3A_912 = tpu.vector_load %arg6[%parallel_loop3A_911] {strides = array<i32>} : memref<5120xi32, #tpu.memory_space<vmem>>, vector<16xi32>,
        %parallel_loop3A_913 = tpu.vector_load_idx %arg5[%parallel_loop3A_912] : memref<100000xf32, #tpu.memory_space<vmem>>[vector<16xi32>], vector<16xf32>,
        %parallel_loop3A_914 = arith.constant 128 : i32
        %parallel_loop3A_915 = arith.muli %parallel_loop3A_874, %parallel_loop3A_914 : i32
        %parallel_loop3A_916 = arith.constant 32 : i32
        %parallel_loop3A_917 = arith.addi %parallel_loop3A_915, %parallel_loop3A_916 : i32
        %parallel_loop3A_918 = arith.index_cast %parallel_loop3A_917 : i32 to index
        %parallel_loop3A_919 = tpu.vector_load %arg7[%parallel_loop3A_918] {strides = array<i32>} : memref<1024xf32, #tpu.memory_space<vmem>>, vector<16xf32>,
        tpu.vector_store %arg7[%parallel_loop3A_918], %parallel_loop3A_913 {strides = array<i32>} : memref<1024xf32, #tpu.memory_space<vmem>>, vector<16xf32>,
        %parallel_loop3A_920 = arith.constant 128 : i32
        %parallel_loop3A_921 = arith.muli %parallel_loop3A_874, %parallel_loop3A_920 : i32
        %parallel_loop3A_922 = arith.constant 0 : i32
        %parallel_loop3A_923 = arith.addi %parallel_loop3A_922, %parallel_loop3A_921 : i32
        %parallel_loop3A_924 = arith.constant 48 : i32
        %parallel_loop3A_925 = arith.addi %parallel_loop3A_923, %parallel_loop3A_924 : i32
        %parallel_loop3A_926 = arith.index_cast %parallel_loop3A_925 : i32 to index
        %parallel_loop3A_927 = tpu.vector_load %arg6[%parallel_loop3A_926] {strides = array<i32>} : memref<5120xi32, #tpu.memory_space<vmem>>, vector<16xi32>,
        %parallel_loop3A_928 = tpu.vector_load_idx %arg5[%parallel_loop3A_927] : memref<100000xf32, #tpu.memory_space<vmem>>[vector<16xi32>], vector<16xf32>,
        %parallel_loop3A_929 = arith.constant 128 : i32
        %parallel_loop3A_930 = arith.muli %parallel_loop3A_874, %parallel_loop3A_929 : i32
        %parallel_loop3A_931 = arith.constant 48 : i32
        %parallel_loop3A_932 = arith.addi %parallel_loop3A_930, %parallel_loop3A_931 : i32
        %parallel_loop3A_933 = arith.index_cast %parallel_loop3A_932 : i32 to index
        %parallel_loop3A_934 = tpu.vector_load %arg7[%parallel_loop3A_933] {strides = array<i32>} : memref<1024xf32, #tpu.memory_space<vmem>>, vector<16xf32>,
        tpu.vector_store %arg7[%parallel_loop3A_933], %parallel_loop3A_928 {strides = array<i32>} : memref<1024xf32, #tpu.memory_space<vmem>>, vector<16xf32>,
        %parallel_loop3A_935 = arith.constant 128 : i32
        %parallel_loop3A_936 = arith.muli %parallel_loop3A_874, %parallel_loop3A_935 : i32
        %parallel_loop3A_937 = arith.constant 0 : i32
        %parallel_loop3A_938 = arith.addi %parallel_loop3A_937, %parallel_loop3A_936 : i32
        %parallel_loop3A_939 = arith.constant 64 : i32
        %parallel_loop3A_940 = arith.addi %parallel_loop3A_938, %parallel_loop3A_939 : i32
        %parallel_loop3A_941 = arith.index_cast %parallel_loop3A_940 : i32 to index
        %parallel_loop3A_942 = tpu.vector_load %arg6[%parallel_loop3A_941] {strides = array<i32>} : memref<5120xi32, #tpu.memory_space<vmem>>, vector<16xi32>,
        %parallel_loop3A_943 = tpu.vector_load_idx %arg5[%parallel_loop3A_942] : memref<100000xf32, #tpu.memory_space<vmem>>[vector<16xi32>], vector<16xf32>,
        %parallel_loop3A_944 = arith.constant 128 : i32
        %parallel_loop3A_945 = arith.muli %parallel_loop3A_874, %parallel_loop3A_944 : i32
        %parallel_loop3A_946 = arith.constant 64 : i32
        %parallel_loop3A_947 = arith.addi %parallel_loop3A_945, %parallel_loop3A_946 : i32
        %parallel_loop3A_948 = arith.index_cast %parallel_loop3A_947 : i32 to index
        %parallel_loop3A_949 = tpu.vector_load %arg7[%parallel_loop3A_948] {strides = array<i32>} : memref<1024xf32, #tpu.memory_space<vmem>>, vector<16xf32>,
        tpu.vector_store %arg7[%parallel_loop3A_948], %parallel_loop3A_943 {strides = array<i32>} : memref<1024xf32, #tpu.memory_space<vmem>>, vector<16xf32>,
        %parallel_loop3A_950 = arith.constant 128 : i32
        %parallel_loop3A_951 = arith.muli %parallel_loop3A_874, %parallel_loop3A_950 : i32
        %parallel_loop3A_952 = arith.constant 0 : i32
        %parallel_loop3A_953 = arith.addi %parallel_loop3A_952, %parallel_loop3A_951 : i32
        %parallel_loop3A_954 = arith.constant 80 : i32
        %parallel_loop3A_955 = arith.addi %parallel_loop3A_953, %parallel_loop3A_954 : i32
        %parallel_loop3A_956 = arith.index_cast %parallel_loop3A_955 : i32 to index
        %parallel_loop3A_957 = tpu.vector_load %arg6[%parallel_loop3A_956] {strides = array<i32>} : memref<5120xi32, #tpu.memory_space<vmem>>, vector<16xi32>,
        %parallel_loop3A_958 = tpu.vector_load_idx %arg5[%parallel_loop3A_957] : memref<100000xf32, #tpu.memory_space<vmem>>[vector<16xi32>], vector<16xf32>,
        %parallel_loop3A_959 = arith.constant 128 : i32
        %parallel_loop3A_960 = arith.muli %parallel_loop3A_874, %parallel_loop3A_959 : i32
        %parallel_loop3A_961 = arith.constant 80 : i32
        %parallel_loop3A_962 = arith.addi %parallel_loop3A_960, %parallel_loop3A_961 : i32
        %parallel_loop3A_963 = arith.index_cast %parallel_loop3A_962 : i32 to index
        %parallel_loop3A_964 = tpu.vector_load %arg7[%parallel_loop3A_963] {strides = array<i32>} : memref<1024xf32, #tpu.memory_space<vmem>>, vector<16xf32>,
        tpu.vector_store %arg7[%parallel_loop3A_963], %parallel_loop3A_958 {strides = array<i32>} : memref<1024xf32, #tpu.memory_space<vmem>>, vector<16xf32>,
        %parallel_loop3A_965 = arith.constant 128 : i32
        %parallel_loop3A_966 = arith.muli %parallel_loop3A_874, %parallel_loop3A_965 : i32
        %parallel_loop3A_967 = arith.constant 0 : i32
        %parallel_loop3A_968 = arith.addi %parallel_loop3A_967, %parallel_loop3A_966 : i32
        %parallel_loop3A_969 = arith.constant 96 : i32
        %parallel_loop3A_970 = arith.addi %parallel_loop3A_968, %parallel_loop3A_969 : i32
        %parallel_loop3A_971 = arith.index_cast %parallel_loop3A_970 : i32 to index
        %parallel_loop3A_972 = tpu.vector_load %arg6[%parallel_loop3A_971] {strides = array<i32>} : memref<5120xi32, #tpu.memory_space<vmem>>, vector<16xi32>,
        %parallel_loop3A_973 = tpu.vector_load_idx %arg5[%parallel_loop3A_972] : memref<100000xf32, #tpu.memory_space<vmem>>[vector<16xi32>], vector<16xf32>,
        %parallel_loop3A_974 = arith.constant 128 : i32
        %parallel_loop3A_975 = arith.muli %parallel_loop3A_874, %parallel_loop3A_974 : i32
        %parallel_loop3A_976 = arith.constant 96 : i32
        %parallel_loop3A_977 = arith.addi %parallel_loop3A_975, %parallel_loop3A_976 : i32
        %parallel_loop3A_978 = arith.index_cast %parallel_loop3A_977 : i32 to index
        %parallel_loop3A_979 = tpu.vector_load %arg7[%parallel_loop3A_978] {strides = array<i32>} : memref<1024xf32, #tpu.memory_space<vmem>>, vector<16xf32>,
        tpu.vector_store %arg7[%parallel_loop3A_978], %parallel_loop3A_973 {strides = array<i32>} : memref<1024xf32, #tpu.memory_space<vmem>>, vector<16xf32>,
        %parallel_loop3A_980 = arith.constant 128 : i32
        %parallel_loop3A_981 = arith.muli %parallel_loop3A_874, %parallel_loop3A_980 : i32
        %parallel_loop3A_982 = arith.constant 0 : i32
        %parallel_loop3A_983 = arith.addi %parallel_loop3A_982, %parallel_loop3A_981 : i32
        %parallel_loop3A_984 = arith.constant 112 : i32
        %parallel_loop3A_985 = arith.addi %parallel_loop3A_983, %parallel_loop3A_984 : i32
        %parallel_loop3A_986 = arith.index_cast %parallel_loop3A_985 : i32 to index
        %parallel_loop3A_987 = tpu.vector_load %arg6[%parallel_loop3A_986] {strides = array<i32>} : memref<5120xi32, #tpu.memory_space<vmem>>, vector<16xi32>,
        %parallel_loop3A_988 = tpu.vector_load_idx %arg5[%parallel_loop3A_987] : memref<100000xf32, #tpu.memory_space<vmem>>[vector<16xi32>], vector<16xf32>,
        %parallel_loop3A_989 = arith.constant 128 : i32
        %parallel_loop3A_990 = arith.muli %parallel_loop3A_874, %parallel_loop3A_989 : i32
        %parallel_loop3A_991 = arith.constant 112 : i32
        %parallel_loop3A_992 = arith.addi %parallel_loop3A_990, %parallel_loop3A_991 : i32
        %parallel_loop3A_993 = arith.index_cast %parallel_loop3A_992 : i32 to index
        %parallel_loop3A_994 = tpu.vector_load %arg7[%parallel_loop3A_993] {strides = array<i32>} : memref<1024xf32, #tpu.memory_space<vmem>>, vector<16xf32>,
        tpu.vector_store %arg7[%parallel_loop3A_993], %parallel_loop3A_988 {strides = array<i32>} : memref<1024xf32, #tpu.memory_space<vmem>>, vector<16xf32>,
      } {sc.loop_unroll_factor = 4 : i64, sc.parallel_access}
      %add3A_211 = arith.constant 0 : i32
      %add3A_212 = arith.addi %add3A_206, %add3A_211 : i32
      %dma_start3A = arith.constant 0 : i32
      %dma_start3A_213 = tpu.memref_slice %arg7[%dma_start3A] : memref<1024xf32, #tpu.memory_space<vmem>> -> memref<128xf32, #tpu.memory_space<vmem>>
      %dma_start3A_214 = tpu.memref_slice %arg4[%add3A_212] : memref<819200xf32, #tpu.memory_space<hbm>> -> memref<128xf32, #tpu.memory_space<hbm>>
      %dma_start3A_215 = tpu.memref_slice %arg4[%add3A_212] : memref<819200xf32, #tpu.memory_space<hbm>> -> memref<128xf32, #tpu.memory_space<hbm>>
      %dma_start3A_216 = arith.constant 0 : i32
      %dma_start3A_217 = tpu.memref_slice %arg7[%dma_start3A_216] : memref<1024xf32, #tpu.memory_space<vmem>> -> memref<128xf32, #tpu.memory_space<vmem>>
      tpu.enqueue_dma source(%dma_start3A_217 : memref<128xf32, #tpu.memory_space<vmem>>) target(%dma_start3A_215 : memref<128xf32, #tpu.memory_space<hbm>>) target_semaphore(%arg9 : memref<!tpu.dma_semaphore, #tpu.memory_space<semaphore_mem>>)
      %add3A_218 = arith.constant 4096 : i32
      %add3A_219 = arith.addi %add3A_206, %add3A_218 : i32
      %dma_start3A_220 = arith.constant 128 : i32
      %dma_start3A_221 = tpu.memref_slice %arg7[%dma_start3A_220] : memref<1024xf32, #tpu.memory_space<vmem>> -> memref<128xf32, #tpu.memory_space<vmem>>
      %dma_start3A_222 = tpu.memref_slice %arg4[%add3A_219] : memref<819200xf32, #tpu.memory_space<hbm>> -> memref<128xf32, #tpu.memory_space<hbm>>
      %dma_start3A_223 = tpu.memref_slice %arg4[%add3A_219] : memref<819200xf32, #tpu.memory_space<hbm>> -> memref<128xf32, #tpu.memory_space<hbm>>
      %dma_start3A_224 = arith.constant 128 : i32
      %dma_start3A_225 = tpu.memref_slice %arg7[%dma_start3A_224] : memref<1024xf32, #tpu.memory_space<vmem>> -> memref<128xf32, #tpu.memory_space<vmem>>
      tpu.enqueue_dma source(%dma_start3A_225 : memref<128xf32, #tpu.memory_space<vmem>>) target(%dma_start3A_223 : memref<128xf32, #tpu.memory_space<hbm>>) target_semaphore(%arg9 : memref<!tpu.dma_semaphore, #tpu.memory_space<semaphore_mem>>)
      %add3A_226 = arith.constant 8192 : i32
      %add3A_227 = arith.addi %add3A_206, %add3A_226 : i32
      %dma_start3A_228 = arith.constant 256 : i32
      %dma_start3A_229 = tpu.memref_slice %arg7[%dma_start3A_228] : memref<1024xf32, #tpu.memory_space<vmem>> -> memref<128xf32, #tpu.memory_space<vmem>>
      %dma_start3A_230 = tpu.memref_slice %arg4[%add3A_227] : memref<819200xf32, #tpu.memory_space<hbm>> -> memref<128xf32, #tpu.memory_space<hbm>>
      %dma_start3A_231 = tpu.memref_slice %arg4[%add3A_227] : memref<819200xf32, #tpu.memory_space<hbm>> -> memref<128xf32, #tpu.memory_space<hbm>>
      %dma_start3A_232 = arith.constant 256 : i32
      %dma_start3A_233 = tpu.memref_slice %arg7[%dma_start3A_232] : memref<1024xf32, #tpu.memory_space<vmem>> -> memref<128xf32, #tpu.memory_space<vmem>>
      tpu.enqueue_dma source(%dma_start3A_233 : memref<128xf32, #tpu.memory_space<vmem>>) target(%dma_start3A_231 : memref<128xf32, #tpu.memory_space<hbm>>) target_semaphore(%arg9 : memref<!tpu.dma_semaphore, #tpu.memory_space<semaphore_mem>>)
      %add3A_234 = arith.constant 12288 : i32
      %add3A_235 = arith.addi %add3A_206, %add3A_234 : i32
      %dma_start3A_236 = arith.constant 384 : i32
      %dma_start3A_237 = tpu.memref_slice %arg7[%dma_start3A_236] : memref<1024xf32, #tpu.memory_space<vmem>> -> memref<128xf32, #tpu.memory_space<vmem>>
      %dma_start3A_238 = tpu.memref_slice %arg4[%add3A_235] : memref<819200xf32, #tpu.memory_space<hbm>> -> memref<128xf32, #tpu.memory_space<hbm>>
      %dma_start3A_239 = tpu.memref_slice %arg4[%add3A_235] : memref<819200xf32, #tpu.memory_space<hbm>> -> memref<128xf32, #tpu.memory_space<hbm>>
      %dma_start3A_240 = arith.constant 384 : i32
      %dma_start3A_241 = tpu.memref_slice %arg7[%dma_start3A_240] : memref<1024xf32, #tpu.memory_space<vmem>> -> memref<128xf32, #tpu.memory_space<vmem>>
      tpu.enqueue_dma source(%dma_start3A_241 : memref<128xf32, #tpu.memory_space<vmem>>) target(%dma_start3A_239 : memref<128xf32, #tpu.memory_space<hbm>>) target_semaphore(%arg9 : memref<!tpu.dma_semaphore, #tpu.memory_space<semaphore_mem>>)
      %add3A_242 = arith.constant 16384 : i32
      %add3A_243 = arith.addi %add3A_206, %add3A_242 : i32
      %dma_start3A_244 = arith.constant 512 : i32
      %dma_start3A_245 = tpu.memref_slice %arg7[%dma_start3A_244] : memref<1024xf32, #tpu.memory_space<vmem>> -> memref<128xf32, #tpu.memory_space<vmem>>
      %dma_start3A_246 = tpu.memref_slice %arg4[%add3A_243] : memref<819200xf32, #tpu.memory_space<hbm>> -> memref<128xf32, #tpu.memory_space<hbm>>
      %dma_start3A_247 = tpu.memref_slice %arg4[%add3A_243] : memref<819200xf32, #tpu.memory_space<hbm>> -> memref<128xf32, #tpu.memory_space<hbm>>
      %dma_start3A_248 = arith.constant 512 : i32
      %dma_start3A_249 = tpu.memref_slice %arg7[%dma_start3A_248] : memref<1024xf32, #tpu.memory_space<vmem>> -> memref<128xf32, #tpu.memory_space<vmem>>
      tpu.enqueue_dma source(%dma_start3A_249 : memref<128xf32, #tpu.memory_space<vmem>>) target(%dma_start3A_247 : memref<128xf32, #tpu.memory_space<hbm>>) target_semaphore(%arg9 : memref<!tpu.dma_semaphore, #tpu.memory_space<semaphore_mem>>)
      %add3A_250 = arith.constant 20480 : i32
      %add3A_251 = arith.addi %add3A_206, %add3A_250 : i32
      %dma_start3A_252 = arith.constant 640 : i32
      %dma_start3A_253 = tpu.memref_slice %arg7[%dma_start3A_252] : memref<1024xf32, #tpu.memory_space<vmem>> -> memref<128xf32, #tpu.memory_space<vmem>>
      %dma_start3A_254 = tpu.memref_slice %arg4[%add3A_251] : memref<819200xf32, #tpu.memory_space<hbm>> -> memref<128xf32, #tpu.memory_space<hbm>>
      %dma_start3A_255 = tpu.memref_slice %arg4[%add3A_251] : memref<819200xf32, #tpu.memory_space<hbm>> -> memref<128xf32, #tpu.memory_space<hbm>>
      %dma_start3A_256 = arith.constant 640 : i32
      %dma_start3A_257 = tpu.memref_slice %arg7[%dma_start3A_256] : memref<1024xf32, #tpu.memory_space<vmem>> -> memref<128xf32, #tpu.memory_space<vmem>>
      tpu.enqueue_dma source(%dma_start3A_257 : memref<128xf32, #tpu.memory_space<vmem>>) target(%dma_start3A_255 : memref<128xf32, #tpu.memory_space<hbm>>) target_semaphore(%arg9 : memref<!tpu.dma_semaphore, #tpu.memory_space<semaphore_mem>>)
      %add3A_258 = arith.constant 24576 : i32
      %add3A_259 = arith.addi %add3A_206, %add3A_258 : i32
      %dma_start3A_260 = arith.constant 768 : i32
      %dma_start3A_261 = tpu.memref_slice %arg7[%dma_start3A_260] : memref<1024xf32, #tpu.memory_space<vmem>> -> memref<128xf32, #tpu.memory_space<vmem>>
      %dma_start3A_262 = tpu.memref_slice %arg4[%add3A_259] : memref<819200xf32, #tpu.memory_space<hbm>> -> memref<128xf32, #tpu.memory_space<hbm>>
      %dma_start3A_263 = tpu.memref_slice %arg4[%add3A_259] : memref<819200xf32, #tpu.memory_space<hbm>> -> memref<128xf32, #tpu.memory_space<hbm>>
      %dma_start3A_264 = arith.constant 768 : i32
      %dma_start3A_265 = tpu.memref_slice %arg7[%dma_start3A_264] : memref<1024xf32, #tpu.memory_space<vmem>> -> memref<128xf32, #tpu.memory_space<vmem>>
      tpu.enqueue_dma source(%dma_start3A_265 : memref<128xf32, #tpu.memory_space<vmem>>) target(%dma_start3A_263 : memref<128xf32, #tpu.memory_space<hbm>>) target_semaphore(%arg9 : memref<!tpu.dma_semaphore, #tpu.memory_space<semaphore_mem>>)
      %add3A_266 = arith.constant 28672 : i32
      %add3A_267 = arith.addi %add3A_206, %add3A_266 : i32
      %dma_start3A_268 = arith.constant 896 : i32
      %dma_start3A_269 = tpu.memref_slice %arg7[%dma_start3A_268] : memref<1024xf32, #tpu.memory_space<vmem>> -> memref<128xf32, #tpu.memory_space<vmem>>
      %dma_start3A_270 = tpu.memref_slice %arg4[%add3A_267] : memref<819200xf32, #tpu.memory_space<hbm>> -> memref<128xf32, #tpu.memory_space<hbm>>
      %dma_start3A_271 = tpu.memref_slice %arg4[%add3A_267] : memref<819200xf32, #tpu.memory_space<hbm>> -> memref<128xf32, #tpu.memory_space<hbm>>
      %dma_start3A_272 = arith.constant 896 : i32
      %dma_start3A_273 = tpu.memref_slice %arg7[%dma_start3A_272] : memref<1024xf32, #tpu.memory_space<vmem>> -> memref<128xf32, #tpu.memory_space<vmem>>
      tpu.enqueue_dma source(%dma_start3A_273 : memref<128xf32, #tpu.memory_space<vmem>>) target(%dma_start3A_271 : memref<128xf32, #tpu.memory_space<hbm>>) target_semaphore(%arg9 : memref<!tpu.dma_semaphore, #tpu.memory_space<semaphore_mem>>)
      %mul3A_274 = arith.constant 5 : i32
      %mul3A_275 = arith.muli %scan3A_135, %mul3A_274 : i32
      %add3A_276 = arith.constant 1 : i32
      %add3A_277 = arith.addi %mul3A_275, %add3A_276 : i32
      %mul3A_278 = arith.constant 200 : i32
      %mul3A_279 = arith.muli %add3A, %mul3A_278 : i32
      %mul3A_280 = arith.constant 8 : i32
      %mul3A_281 = arith.muli %add3A_277, %mul3A_280 : i32
      %add3A_282 = arith.addi %mul3A_279, %mul3A_281 : i32
      %jit3A_283 = arith.constant 256 : i32
      %div3A_284 = arith.divsi %add3A_282, %jit3A_283 : i32
      %sign3A_285 = arith.constant 0 : i32
      %sign3A_286 = arith.cmpi sgt, %add3A_282, %sign3A_285 : i32
      %sign3A_287 = arith.extui %sign3A_286 : i1 to i32
      %sign3A_288 = arith.constant 0 : i32
      %sign3A_289 = arith.cmpi slt, %add3A_282, %sign3A_288 : i32
      %sign3A_290 = arith.extui %sign3A_289 : i1 to i32
      %sign3A_291 = arith.subi %sign3A_287, %sign3A_290 : i32
      %sign3A_292 = arith.constant 0 : i32
      %sign3A_293 = arith.cmpi sgt, %jit3A_283, %sign3A_292 : i32
      %sign3A_294 = arith.extui %sign3A_293 : i1 to i32
      %sign3A_295 = arith.constant 0 : i32
      %sign3A_296 = arith.cmpi slt, %jit3A_283, %sign3A_295 : i32
      %sign3A_297 = arith.extui %sign3A_296 : i1 to i32
      %sign3A_298 = arith.subi %sign3A_294, %sign3A_297 : i32
      %ne3A_299 = arith.cmpi ne, %sign3A_291, %sign3A_298 : i32
      %rem3A_300 = arith.remsi %add3A_282, %jit3A_283 : i32
      %ne3A_301 = arith.constant 0 : i32
      %ne3A_302 = arith.cmpi ne, %rem3A_300, %ne3A_301 : i32
      %and3A_303 = arith.andi %ne3A_299, %ne3A_302 : i1
      %sub3A_304 = arith.constant 1 : i32
      %sub3A_305 = arith.subi %div3A_284, %sub3A_304 : i32
      %select_n3A_306 = arith.select %and3A_303, %sub3A_305, %div3A_284 : i32
      %jit3A_307 = arith.constant 8 : i32
      %div3A_308 = arith.divsi %add3A_282, %jit3A_307 : i32
      %sign3A_309 = arith.constant 0 : i32
      %sign3A_310 = arith.cmpi sgt, %add3A_282, %sign3A_309 : i32
      %sign3A_311 = arith.extui %sign3A_310 : i1 to i32
      %sign3A_312 = arith.constant 0 : i32
      %sign3A_313 = arith.cmpi slt, %add3A_282, %sign3A_312 : i32
      %sign3A_314 = arith.extui %sign3A_313 : i1 to i32
      %sign3A_315 = arith.subi %sign3A_311, %sign3A_314 : i32
      %sign3A_316 = arith.constant 0 : i32
      %sign3A_317 = arith.cmpi sgt, %jit3A_307, %sign3A_316 : i32
      %sign3A_318 = arith.extui %sign3A_317 : i1 to i32
      %sign3A_319 = arith.constant 0 : i32
      %sign3A_320 = arith.cmpi slt, %jit3A_307, %sign3A_319 : i32
      %sign3A_321 = arith.extui %sign3A_320 : i1 to i32
      %sign3A_322 = arith.subi %sign3A_318, %sign3A_321 : i32
      %ne3A_323 = arith.cmpi ne, %sign3A_315, %sign3A_322 : i32
      %rem3A_324 = arith.remsi %add3A_282, %jit3A_307 : i32
      %ne3A_325 = arith.constant 0 : i32
      %ne3A_326 = arith.cmpi ne, %rem3A_324, %ne3A_325 : i32
      %and3A_327 = arith.andi %ne3A_323, %ne3A_326 : i1
      %sub3A_328 = arith.constant 1 : i32
      %sub3A_329 = arith.subi %div3A_308, %sub3A_328 : i32
      %select_n3A_330 = arith.select %and3A_327, %sub3A_329, %div3A_308 : i32
      %jit3A_331 = arith.constant 32 : i32
      %eq3A_332 = arith.constant 0 : i32
      %eq3A_333 = arith.cmpi eq, %jit3A_331, %eq3A_332 : i32
      %jit3A_334 = arith.constant 1 : i32
      %select_n3A_335 = arith.select %eq3A_333, %jit3A_334, %jit3A_331 : i32
      %rem3A_336 = arith.remsi %select_n3A_330, %select_n3A_335 : i32
      %ne3A_337 = arith.constant 0 : i32
      %ne3A_338 = arith.cmpi ne, %rem3A_336, %ne3A_337 : i32
      %lt3A_339 = arith.constant 0 : i32
      %lt3A_340 = arith.cmpi slt, %rem3A_336, %lt3A_339 : i32
      %lt3A_341 = arith.constant 0 : i32
      %lt3A_342 = arith.cmpi slt, %select_n3A_335, %lt3A_341 : i32
      %ne3A_343 = arith.xori %lt3A_340, %lt3A_342 : i1
      %and3A_344 = arith.andi %ne3A_343, %ne3A_338 : i1
      %add3A_345 = arith.addi %rem3A_336, %select_n3A_335 : i32
      %select_n3A_346 = arith.select %and3A_344, %add3A_345, %rem3A_336 : i32
      %mul3A_347 = arith.constant 32768 : i32
      %mul3A_348 = arith.muli %select_n3A_306, %mul3A_347 : i32
      %mul3A_349 = arith.constant 128 : i32
      %mul3A_350 = arith.muli %select_n3A_346, %mul3A_349 : i32
      %add3A_351 = arith.addi %mul3A_348, %mul3A_350 : i32
      %ge3A_352 = arith.constant 2 : i32
      %ge3A_353 = arith.cmpi sge, %add3A_277, %ge3A_352 : i32
      %convert_element_type3A_354 = arith.extui %ge3A_353 : i1 to i32
      %cond3A_355 = arith.constant 0 : i32
      %cond3A_356 = arith.cmpi ne, %convert_element_type3A_354, %cond3A_355 : i32
      scf.if %cond3A_356 {
        %dma_wait3A_874 = arith.constant 0 : i32
        %dma_wait3A_875 = tpu.memref_slice %arg8[%dma_wait3A_874] : memref<1024xf32, #tpu.memory_space<vmem>> -> memref<128xf32, #tpu.memory_space<vmem>>
        %dma_wait3A_876 = arith.constant 0 : i32
        %dma_wait3A_877 = tpu.memref_slice %arg4[%dma_wait3A_876] : memref<819200xf32, #tpu.memory_space<hbm>> -> memref<128xf32, #tpu.memory_space<hbm>>
        %dma_wait3A_878 = arith.constant 0 : i32
        %dma_wait3A_879 = tpu.memref_slice %arg4[%dma_wait3A_878] : memref<819200xf32, #tpu.memory_space<hbm>> -> memref<128xf32, #tpu.memory_space<hbm>>
        %dma_wait3A_880 = arith.constant 0 : i32
        %dma_wait3A_881 = tpu.memref_slice %arg8[%dma_wait3A_880] : memref<1024xf32, #tpu.memory_space<vmem>> -> memref<128xf32, #tpu.memory_space<vmem>>
        tpu.wait_dma2 semaphore(%arg10 : memref<!tpu.dma_semaphore, #tpu.memory_space<semaphore_mem>>) src(%dma_wait3A_881 : memref<128xf32, #tpu.memory_space<vmem>>) dst(%dma_wait3A_879 : memref<128xf32, #tpu.memory_space<hbm>>)
        %dma_wait3A_882 = arith.constant 128 : i32
        %dma_wait3A_883 = tpu.memref_slice %arg8[%dma_wait3A_882] : memref<1024xf32, #tpu.memory_space<vmem>> -> memref<128xf32, #tpu.memory_space<vmem>>
        %dma_wait3A_884 = arith.constant 128 : i32
        %dma_wait3A_885 = tpu.memref_slice %arg4[%dma_wait3A_884] : memref<819200xf32, #tpu.memory_space<hbm>> -> memref<128xf32, #tpu.memory_space<hbm>>
        %dma_wait3A_886 = arith.constant 128 : i32
        %dma_wait3A_887 = tpu.memref_slice %arg4[%dma_wait3A_886] : memref<819200xf32, #tpu.memory_space<hbm>> -> memref<128xf32, #tpu.memory_space<hbm>>
        %dma_wait3A_888 = arith.constant 128 : i32
        %dma_wait3A_889 = tpu.memref_slice %arg8[%dma_wait3A_888] : memref<1024xf32, #tpu.memory_space<vmem>> -> memref<128xf32, #tpu.memory_space<vmem>>
        tpu.wait_dma2 semaphore(%arg10 : memref<!tpu.dma_semaphore, #tpu.memory_space<semaphore_mem>>) src(%dma_wait3A_889 : memref<128xf32, #tpu.memory_space<vmem>>) dst(%dma_wait3A_887 : memref<128xf32, #tpu.memory_space<hbm>>)
        %dma_wait3A_890 = arith.constant 256 : i32
        %dma_wait3A_891 = tpu.memref_slice %arg8[%dma_wait3A_890] : memref<1024xf32, #tpu.memory_space<vmem>> -> memref<128xf32, #tpu.memory_space<vmem>>
        %dma_wait3A_892 = arith.constant 256 : i32
        %dma_wait3A_893 = tpu.memref_slice %arg4[%dma_wait3A_892] : memref<819200xf32, #tpu.memory_space<hbm>> -> memref<128xf32, #tpu.memory_space<hbm>>
        %dma_wait3A_894 = arith.constant 256 : i32
        %dma_wait3A_895 = tpu.memref_slice %arg4[%dma_wait3A_894] : memref<819200xf32, #tpu.memory_space<hbm>> -> memref<128xf32, #tpu.memory_space<hbm>>
        %dma_wait3A_896 = arith.constant 256 : i32
        %dma_wait3A_897 = tpu.memref_slice %arg8[%dma_wait3A_896] : memref<1024xf32, #tpu.memory_space<vmem>> -> memref<128xf32, #tpu.memory_space<vmem>>
        tpu.wait_dma2 semaphore(%arg10 : memref<!tpu.dma_semaphore, #tpu.memory_space<semaphore_mem>>) src(%dma_wait3A_897 : memref<128xf32, #tpu.memory_space<vmem>>) dst(%dma_wait3A_895 : memref<128xf32, #tpu.memory_space<hbm>>)
        %dma_wait3A_898 = arith.constant 384 : i32
        %dma_wait3A_899 = tpu.memref_slice %arg8[%dma_wait3A_898] : memref<1024xf32, #tpu.memory_space<vmem>> -> memref<128xf32, #tpu.memory_space<vmem>>
        %dma_wait3A_900 = arith.constant 384 : i32
        %dma_wait3A_901 = tpu.memref_slice %arg4[%dma_wait3A_900] : memref<819200xf32, #tpu.memory_space<hbm>> -> memref<128xf32, #tpu.memory_space<hbm>>
        %dma_wait3A_902 = arith.constant 384 : i32
        %dma_wait3A_903 = tpu.memref_slice %arg4[%dma_wait3A_902] : memref<819200xf32, #tpu.memory_space<hbm>> -> memref<128xf32, #tpu.memory_space<hbm>>
        %dma_wait3A_904 = arith.constant 384 : i32
        %dma_wait3A_905 = tpu.memref_slice %arg8[%dma_wait3A_904] : memref<1024xf32, #tpu.memory_space<vmem>> -> memref<128xf32, #tpu.memory_space<vmem>>
        tpu.wait_dma2 semaphore(%arg10 : memref<!tpu.dma_semaphore, #tpu.memory_space<semaphore_mem>>) src(%dma_wait3A_905 : memref<128xf32, #tpu.memory_space<vmem>>) dst(%dma_wait3A_903 : memref<128xf32, #tpu.memory_space<hbm>>)
        %dma_wait3A_906 = arith.constant 512 : i32
        %dma_wait3A_907 = tpu.memref_slice %arg8[%dma_wait3A_906] : memref<1024xf32, #tpu.memory_space<vmem>> -> memref<128xf32, #tpu.memory_space<vmem>>
        %dma_wait3A_908 = arith.constant 512 : i32
        %dma_wait3A_909 = tpu.memref_slice %arg4[%dma_wait3A_908] : memref<819200xf32, #tpu.memory_space<hbm>> -> memref<128xf32, #tpu.memory_space<hbm>>
        %dma_wait3A_910 = arith.constant 512 : i32
        %dma_wait3A_911 = tpu.memref_slice %arg4[%dma_wait3A_910] : memref<819200xf32, #tpu.memory_space<hbm>> -> memref<128xf32, #tpu.memory_space<hbm>>
        %dma_wait3A_912 = arith.constant 512 : i32
        %dma_wait3A_913 = tpu.memref_slice %arg8[%dma_wait3A_912] : memref<1024xf32, #tpu.memory_space<vmem>> -> memref<128xf32, #tpu.memory_space<vmem>>
        tpu.wait_dma2 semaphore(%arg10 : memref<!tpu.dma_semaphore, #tpu.memory_space<semaphore_mem>>) src(%dma_wait3A_913 : memref<128xf32, #tpu.memory_space<vmem>>) dst(%dma_wait3A_911 : memref<128xf32, #tpu.memory_space<hbm>>)
        %dma_wait3A_914 = arith.constant 640 : i32
        %dma_wait3A_915 = tpu.memref_slice %arg8[%dma_wait3A_914] : memref<1024xf32, #tpu.memory_space<vmem>> -> memref<128xf32, #tpu.memory_space<vmem>>
        %dma_wait3A_916 = arith.constant 640 : i32
        %dma_wait3A_917 = tpu.memref_slice %arg4[%dma_wait3A_916] : memref<819200xf32, #tpu.memory_space<hbm>> -> memref<128xf32, #tpu.memory_space<hbm>>
        %dma_wait3A_918 = arith.constant 640 : i32
        %dma_wait3A_919 = tpu.memref_slice %arg4[%dma_wait3A_918] : memref<819200xf32, #tpu.memory_space<hbm>> -> memref<128xf32, #tpu.memory_space<hbm>>
        %dma_wait3A_920 = arith.constant 640 : i32
        %dma_wait3A_921 = tpu.memref_slice %arg8[%dma_wait3A_920] : memref<1024xf32, #tpu.memory_space<vmem>> -> memref<128xf32, #tpu.memory_space<vmem>>
        tpu.wait_dma2 semaphore(%arg10 : memref<!tpu.dma_semaphore, #tpu.memory_space<semaphore_mem>>) src(%dma_wait3A_921 : memref<128xf32, #tpu.memory_space<vmem>>) dst(%dma_wait3A_919 : memref<128xf32, #tpu.memory_space<hbm>>)
        %dma_wait3A_922 = arith.constant 768 : i32
        %dma_wait3A_923 = tpu.memref_slice %arg8[%dma_wait3A_922] : memref<1024xf32, #tpu.memory_space<vmem>> -> memref<128xf32, #tpu.memory_space<vmem>>
        %dma_wait3A_924 = arith.constant 768 : i32
        %dma_wait3A_925 = tpu.memref_slice %arg4[%dma_wait3A_924] : memref<819200xf32, #tpu.memory_space<hbm>> -> memref<128xf32, #tpu.memory_space<hbm>>
        %dma_wait3A_926 = arith.constant 768 : i32
        %dma_wait3A_927 = tpu.memref_slice %arg4[%dma_wait3A_926] : memref<819200xf32, #tpu.memory_space<hbm>> -> memref<128xf32, #tpu.memory_space<hbm>>
        %dma_wait3A_928 = arith.constant 768 : i32
        %dma_wait3A_929 = tpu.memref_slice %arg8[%dma_wait3A_928] : memref<1024xf32, #tpu.memory_space<vmem>> -> memref<128xf32, #tpu.memory_space<vmem>>
        tpu.wait_dma2 semaphore(%arg10 : memref<!tpu.dma_semaphore, #tpu.memory_space<semaphore_mem>>) src(%dma_wait3A_929 : memref<128xf32, #tpu.memory_space<vmem>>) dst(%dma_wait3A_927 : memref<128xf32, #tpu.memory_space<hbm>>)
        %dma_wait3A_930 = arith.constant 896 : i32
        %dma_wait3A_931 = tpu.memref_slice %arg8[%dma_wait3A_930] : memref<1024xf32, #tpu.memory_space<vmem>> -> memref<128xf32, #tpu.memory_space<vmem>>
        %dma_wait3A_932 = arith.constant 896 : i32
        %dma_wait3A_933 = tpu.memref_slice %arg4[%dma_wait3A_932] : memref<819200xf32, #tpu.memory_space<hbm>> -> memref<128xf32, #tpu.memory_space<hbm>>
        %dma_wait3A_934 = arith.constant 896 : i32
        %dma_wait3A_935 = tpu.memref_slice %arg4[%dma_wait3A_934] : memref<819200xf32, #tpu.memory_space<hbm>> -> memref<128xf32, #tpu.memory_space<hbm>>
        %dma_wait3A_936 = arith.constant 896 : i32
        %dma_wait3A_937 = tpu.memref_slice %arg8[%dma_wait3A_936] : memref<1024xf32, #tpu.memory_space<vmem>> -> memref<128xf32, #tpu.memory_space<vmem>>
        tpu.wait_dma2 semaphore(%arg10 : memref<!tpu.dma_semaphore, #tpu.memory_space<semaphore_mem>>) src(%dma_wait3A_937 : memref<128xf32, #tpu.memory_space<vmem>>) dst(%dma_wait3A_935 : memref<128xf32, #tpu.memory_space<hbm>>)
      } else {
      }
      %parallel_loop3A_357 = arith.constant 0 : i32
      %parallel_loop3A_358 = arith.constant 8 : i32
      %parallel_loop3A_359 = arith.constant 1 : i32
      scf.for %parallel_loop3A_874 = %parallel_loop3A_357 to %parallel_loop3A_358 step %parallel_loop3A_359  : i32 {
        %parallel_loop3A_875 = arith.constant 128 : i32
        %parallel_loop3A_876 = arith.muli %parallel_loop3A_874, %parallel_loop3A_875 : i32
        %parallel_loop3A_877 = arith.constant 1024 : i32
        %parallel_loop3A_878 = arith.addi %parallel_loop3A_877, %parallel_loop3A_876 : i32
        %parallel_loop3A_879 = arith.constant 0 : i32
        %parallel_loop3A_880 = arith.addi %parallel_loop3A_878, %parallel_loop3A_879 : i32
        %parallel_loop3A_881 = arith.index_cast %parallel_loop3A_880 : i32 to index
        %parallel_loop3A_882 = tpu.vector_load %arg6[%parallel_loop3A_881] {strides = array<i32>} : memref<5120xi32, #tpu.memory_space<vmem>>, vector<16xi32>,
        %parallel_loop3A_883 = tpu.vector_load_idx %arg5[%parallel_loop3A_882] : memref<100000xf32, #tpu.memory_space<vmem>>[vector<16xi32>], vector<16xf32>,
        %parallel_loop3A_884 = arith.constant 128 : i32
        %parallel_loop3A_885 = arith.muli %parallel_loop3A_874, %parallel_loop3A_884 : i32
        %parallel_loop3A_886 = arith.constant 0 : i32
        %parallel_loop3A_887 = arith.addi %parallel_loop3A_885, %parallel_loop3A_886 : i32
        %parallel_loop3A_888 = arith.index_cast %parallel_loop3A_887 : i32 to index
        %parallel_loop3A_889 = tpu.vector_load %arg8[%parallel_loop3A_888] {strides = array<i32>} : memref<1024xf32, #tpu.memory_space<vmem>>, vector<16xf32>,
        tpu.vector_store %arg8[%parallel_loop3A_888], %parallel_loop3A_883 {strides = array<i32>} : memref<1024xf32, #tpu.memory_space<vmem>>, vector<16xf32>,
        %parallel_loop3A_890 = arith.constant 128 : i32
        %parallel_loop3A_891 = arith.muli %parallel_loop3A_874, %parallel_loop3A_890 : i32
        %parallel_loop3A_892 = arith.constant 1024 : i32
        %parallel_loop3A_893 = arith.addi %parallel_loop3A_892, %parallel_loop3A_891 : i32
        %parallel_loop3A_894 = arith.constant 16 : i32
        %parallel_loop3A_895 = arith.addi %parallel_loop3A_893, %parallel_loop3A_894 : i32
        %parallel_loop3A_896 = arith.index_cast %parallel_loop3A_895 : i32 to index
        %parallel_loop3A_897 = tpu.vector_load %arg6[%parallel_loop3A_896] {strides = array<i32>} : memref<5120xi32, #tpu.memory_space<vmem>>, vector<16xi32>,
        %parallel_loop3A_898 = tpu.vector_load_idx %arg5[%parallel_loop3A_897] : memref<100000xf32, #tpu.memory_space<vmem>>[vector<16xi32>], vector<16xf32>,
        %parallel_loop3A_899 = arith.constant 128 : i32
        %parallel_loop3A_900 = arith.muli %parallel_loop3A_874, %parallel_loop3A_899 : i32
        %parallel_loop3A_901 = arith.constant 16 : i32
        %parallel_loop3A_902 = arith.addi %parallel_loop3A_900, %parallel_loop3A_901 : i32
        %parallel_loop3A_903 = arith.index_cast %parallel_loop3A_902 : i32 to index
        %parallel_loop3A_904 = tpu.vector_load %arg8[%parallel_loop3A_903] {strides = array<i32>} : memref<1024xf32, #tpu.memory_space<vmem>>, vector<16xf32>,
        tpu.vector_store %arg8[%parallel_loop3A_903], %parallel_loop3A_898 {strides = array<i32>} : memref<1024xf32, #tpu.memory_space<vmem>>, vector<16xf32>,
        %parallel_loop3A_905 = arith.constant 128 : i32
        %parallel_loop3A_906 = arith.muli %parallel_loop3A_874, %parallel_loop3A_905 : i32
        %parallel_loop3A_907 = arith.constant 1024 : i32
        %parallel_loop3A_908 = arith.addi %parallel_loop3A_907, %parallel_loop3A_906 : i32
        %parallel_loop3A_909 = arith.constant 32 : i32
        %parallel_loop3A_910 = arith.addi %parallel_loop3A_908, %parallel_loop3A_909 : i32
        %parallel_loop3A_911 = arith.index_cast %parallel_loop3A_910 : i32 to index
        %parallel_loop3A_912 = tpu.vector_load %arg6[%parallel_loop3A_911] {strides = array<i32>} : memref<5120xi32, #tpu.memory_space<vmem>>, vector<16xi32>,
        %parallel_loop3A_913 = tpu.vector_load_idx %arg5[%parallel_loop3A_912] : memref<100000xf32, #tpu.memory_space<vmem>>[vector<16xi32>], vector<16xf32>,
        %parallel_loop3A_914 = arith.constant 128 : i32
        %parallel_loop3A_915 = arith.muli %parallel_loop3A_874, %parallel_loop3A_914 : i32
        %parallel_loop3A_916 = arith.constant 32 : i32
        %parallel_loop3A_917 = arith.addi %parallel_loop3A_915, %parallel_loop3A_916 : i32
        %parallel_loop3A_918 = arith.index_cast %parallel_loop3A_917 : i32 to index
        %parallel_loop3A_919 = tpu.vector_load %arg8[%parallel_loop3A_918] {strides = array<i32>} : memref<1024xf32, #tpu.memory_space<vmem>>, vector<16xf32>,
        tpu.vector_store %arg8[%parallel_loop3A_918], %parallel_loop3A_913 {strides = array<i32>} : memref<1024xf32, #tpu.memory_space<vmem>>, vector<16xf32>,
        %parallel_loop3A_920 = arith.constant 128 : i32
        %parallel_loop3A_921 = arith.muli %parallel_loop3A_874, %parallel_loop3A_920 : i32
        %parallel_loop3A_922 = arith.constant 1024 : i32
        %parallel_loop3A_923 = arith.addi %parallel_loop3A_922, %parallel_loop3A_921 : i32
        %parallel_loop3A_924 = arith.constant 48 : i32
        %parallel_loop3A_925 = arith.addi %parallel_loop3A_923, %parallel_loop3A_924 : i32
        %parallel_loop3A_926 = arith.index_cast %parallel_loop3A_925 : i32 to index
        %parallel_loop3A_927 = tpu.vector_load %arg6[%parallel_loop3A_926] {strides = array<i32>} : memref<5120xi32, #tpu.memory_space<vmem>>, vector<16xi32>,
        %parallel_loop3A_928 = tpu.vector_load_idx %arg5[%parallel_loop3A_927] : memref<100000xf32, #tpu.memory_space<vmem>>[vector<16xi32>], vector<16xf32>,
        %parallel_loop3A_929 = arith.constant 128 : i32
        %parallel_loop3A_930 = arith.muli %parallel_loop3A_874, %parallel_loop3A_929 : i32
        %parallel_loop3A_931 = arith.constant 48 : i32
        %parallel_loop3A_932 = arith.addi %parallel_loop3A_930, %parallel_loop3A_931 : i32
        %parallel_loop3A_933 = arith.index_cast %parallel_loop3A_932 : i32 to index
        %parallel_loop3A_934 = tpu.vector_load %arg8[%parallel_loop3A_933] {strides = array<i32>} : memref<1024xf32, #tpu.memory_space<vmem>>, vector<16xf32>,
        tpu.vector_store %arg8[%parallel_loop3A_933], %parallel_loop3A_928 {strides = array<i32>} : memref<1024xf32, #tpu.memory_space<vmem>>, vector<16xf32>,
        %parallel_loop3A_935 = arith.constant 128 : i32
        %parallel_loop3A_936 = arith.muli %parallel_loop3A_874, %parallel_loop3A_935 : i32
        %parallel_loop3A_937 = arith.constant 1024 : i32
        %parallel_loop3A_938 = arith.addi %parallel_loop3A_937, %parallel_loop3A_936 : i32
        %parallel_loop3A_939 = arith.constant 64 : i32
        %parallel_loop3A_940 = arith.addi %parallel_loop3A_938, %parallel_loop3A_939 : i32
        %parallel_loop3A_941 = arith.index_cast %parallel_loop3A_940 : i32 to index
        %parallel_loop3A_942 = tpu.vector_load %arg6[%parallel_loop3A_941] {strides = array<i32>} : memref<5120xi32, #tpu.memory_space<vmem>>, vector<16xi32>,
        %parallel_loop3A_943 = tpu.vector_load_idx %arg5[%parallel_loop3A_942] : memref<100000xf32, #tpu.memory_space<vmem>>[vector<16xi32>], vector<16xf32>,
        %parallel_loop3A_944 = arith.constant 128 : i32
        %parallel_loop3A_945 = arith.muli %parallel_loop3A_874, %parallel_loop3A_944 : i32
        %parallel_loop3A_946 = arith.constant 64 : i32
        %parallel_loop3A_947 = arith.addi %parallel_loop3A_945, %parallel_loop3A_946 : i32
        %parallel_loop3A_948 = arith.index_cast %parallel_loop3A_947 : i32 to index
        %parallel_loop3A_949 = tpu.vector_load %arg8[%parallel_loop3A_948] {strides = array<i32>} : memref<1024xf32, #tpu.memory_space<vmem>>, vector<16xf32>,
        tpu.vector_store %arg8[%parallel_loop3A_948], %parallel_loop3A_943 {strides = array<i32>} : memref<1024xf32, #tpu.memory_space<vmem>>, vector<16xf32>,
        %parallel_loop3A_950 = arith.constant 128 : i32
        %parallel_loop3A_951 = arith.muli %parallel_loop3A_874, %parallel_loop3A_950 : i32
        %parallel_loop3A_952 = arith.constant 1024 : i32
        %parallel_loop3A_953 = arith.addi %parallel_loop3A_952, %parallel_loop3A_951 : i32
        %parallel_loop3A_954 = arith.constant 80 : i32
        %parallel_loop3A_955 = arith.addi %parallel_loop3A_953, %parallel_loop3A_954 : i32
        %parallel_loop3A_956 = arith.index_cast %parallel_loop3A_955 : i32 to index
        %parallel_loop3A_957 = tpu.vector_load %arg6[%parallel_loop3A_956] {strides = array<i32>} : memref<5120xi32, #tpu.memory_space<vmem>>, vector<16xi32>,
        %parallel_loop3A_958 = tpu.vector_load_idx %arg5[%parallel_loop3A_957] : memref<100000xf32, #tpu.memory_space<vmem>>[vector<16xi32>], vector<16xf32>,
        %parallel_loop3A_959 = arith.constant 128 : i32
        %parallel_loop3A_960 = arith.muli %parallel_loop3A_874, %parallel_loop3A_959 : i32
        %parallel_loop3A_961 = arith.constant 80 : i32
        %parallel_loop3A_962 = arith.addi %parallel_loop3A_960, %parallel_loop3A_961 : i32
        %parallel_loop3A_963 = arith.index_cast %parallel_loop3A_962 : i32 to index
        %parallel_loop3A_964 = tpu.vector_load %arg8[%parallel_loop3A_963] {strides = array<i32>} : memref<1024xf32, #tpu.memory_space<vmem>>, vector<16xf32>,
        tpu.vector_store %arg8[%parallel_loop3A_963], %parallel_loop3A_958 {strides = array<i32>} : memref<1024xf32, #tpu.memory_space<vmem>>, vector<16xf32>,
        %parallel_loop3A_965 = arith.constant 128 : i32
        %parallel_loop3A_966 = arith.muli %parallel_loop3A_874, %parallel_loop3A_965 : i32
        %parallel_loop3A_967 = arith.constant 1024 : i32
        %parallel_loop3A_968 = arith.addi %parallel_loop3A_967, %parallel_loop3A_966 : i32
        %parallel_loop3A_969 = arith.constant 96 : i32
        %parallel_loop3A_970 = arith.addi %parallel_loop3A_968, %parallel_loop3A_969 : i32
        %parallel_loop3A_971 = arith.index_cast %parallel_loop3A_970 : i32 to index
        %parallel_loop3A_972 = tpu.vector_load %arg6[%parallel_loop3A_971] {strides = array<i32>} : memref<5120xi32, #tpu.memory_space<vmem>>, vector<16xi32>,
        %parallel_loop3A_973 = tpu.vector_load_idx %arg5[%parallel_loop3A_972] : memref<100000xf32, #tpu.memory_space<vmem>>[vector<16xi32>], vector<16xf32>,
        %parallel_loop3A_974 = arith.constant 128 : i32
        %parallel_loop3A_975 = arith.muli %parallel_loop3A_874, %parallel_loop3A_974 : i32
        %parallel_loop3A_976 = arith.constant 96 : i32
        %parallel_loop3A_977 = arith.addi %parallel_loop3A_975, %parallel_loop3A_976 : i32
        %parallel_loop3A_978 = arith.index_cast %parallel_loop3A_977 : i32 to index
        %parallel_loop3A_979 = tpu.vector_load %arg8[%parallel_loop3A_978] {strides = array<i32>} : memref<1024xf32, #tpu.memory_space<vmem>>, vector<16xf32>,
        tpu.vector_store %arg8[%parallel_loop3A_978], %parallel_loop3A_973 {strides = array<i32>} : memref<1024xf32, #tpu.memory_space<vmem>>, vector<16xf32>,
        %parallel_loop3A_980 = arith.constant 128 : i32
        %parallel_loop3A_981 = arith.muli %parallel_loop3A_874, %parallel_loop3A_980 : i32
        %parallel_loop3A_982 = arith.constant 1024 : i32
        %parallel_loop3A_983 = arith.addi %parallel_loop3A_982, %parallel_loop3A_981 : i32
        %parallel_loop3A_984 = arith.constant 112 : i32
        %parallel_loop3A_985 = arith.addi %parallel_loop3A_983, %parallel_loop3A_984 : i32
        %parallel_loop3A_986 = arith.index_cast %parallel_loop3A_985 : i32 to index
        %parallel_loop3A_987 = tpu.vector_load %arg6[%parallel_loop3A_986] {strides = array<i32>} : memref<5120xi32, #tpu.memory_space<vmem>>, vector<16xi32>,
        %parallel_loop3A_988 = tpu.vector_load_idx %arg5[%parallel_loop3A_987] : memref<100000xf32, #tpu.memory_space<vmem>>[vector<16xi32>], vector<16xf32>,
        %parallel_loop3A_989 = arith.constant 128 : i32
        %parallel_loop3A_990 = arith.muli %parallel_loop3A_874, %parallel_loop3A_989 : i32
        %parallel_loop3A_991 = arith.constant 112 : i32
        %parallel_loop3A_992 = arith.addi %parallel_loop3A_990, %parallel_loop3A_991 : i32
        %parallel_loop3A_993 = arith.index_cast %parallel_loop3A_992 : i32 to index
        %parallel_loop3A_994 = tpu.vector_load %arg8[%parallel_loop3A_993] {strides = array<i32>} : memref<1024xf32, #tpu.memory_space<vmem>>, vector<16xf32>,
        tpu.vector_store %arg8[%parallel_loop3A_993], %parallel_loop3A_988 {strides = array<i32>} : memref<1024xf32, #tpu.memory_space<vmem>>, vector<16xf32>,
      } {sc.loop_unroll_factor = 4 : i64, sc.parallel_access}
      %add3A_360 = arith.constant 0 : i32
      %add3A_361 = arith.addi %add3A_351, %add3A_360 : i32
      %dma_start3A_362 = arith.constant 0 : i32
      %dma_start3A_363 = tpu.memref_slice %arg8[%dma_start3A_362] : memref<1024xf32, #tpu.memory_space<vmem>> -> memref<128xf32, #tpu.memory_space<vmem>>
      %dma_start3A_364 = tpu.memref_slice %arg4[%add3A_361] : memref<819200xf32, #tpu.memory_space<hbm>> -> memref<128xf32, #tpu.memory_space<hbm>>
      %dma_start3A_365 = tpu.memref_slice %arg4[%add3A_361] : memref<819200xf32, #tpu.memory_space<hbm>> -> memref<128xf32, #tpu.memory_space<hbm>>
      %dma_start3A_366 = arith.constant 0 : i32
      %dma_start3A_367 = tpu.memref_slice %arg8[%dma_start3A_366] : memref<1024xf32, #tpu.memory_space<vmem>> -> memref<128xf32, #tpu.memory_space<vmem>>
      tpu.enqueue_dma source(%dma_start3A_367 : memref<128xf32, #tpu.memory_space<vmem>>) target(%dma_start3A_365 : memref<128xf32, #tpu.memory_space<hbm>>) target_semaphore(%arg10 : memref<!tpu.dma_semaphore, #tpu.memory_space<semaphore_mem>>)
      %add3A_368 = arith.constant 4096 : i32
      %add3A_369 = arith.addi %add3A_351, %add3A_368 : i32
      %dma_start3A_370 = arith.constant 128 : i32
      %dma_start3A_371 = tpu.memref_slice %arg8[%dma_start3A_370] : memref<1024xf32, #tpu.memory_space<vmem>> -> memref<128xf32, #tpu.memory_space<vmem>>
      %dma_start3A_372 = tpu.memref_slice %arg4[%add3A_369] : memref<819200xf32, #tpu.memory_space<hbm>> -> memref<128xf32, #tpu.memory_space<hbm>>
      %dma_start3A_373 = tpu.memref_slice %arg4[%add3A_369] : memref<819200xf32, #tpu.memory_space<hbm>> -> memref<128xf32, #tpu.memory_space<hbm>>
      %dma_start3A_374 = arith.constant 128 : i32
      %dma_start3A_375 = tpu.memref_slice %arg8[%dma_start3A_374] : memref<1024xf32, #tpu.memory_space<vmem>> -> memref<128xf32, #tpu.memory_space<vmem>>
      tpu.enqueue_dma source(%dma_start3A_375 : memref<128xf32, #tpu.memory_space<vmem>>) target(%dma_start3A_373 : memref<128xf32, #tpu.memory_space<hbm>>) target_semaphore(%arg10 : memref<!tpu.dma_semaphore, #tpu.memory_space<semaphore_mem>>)
      %add3A_376 = arith.constant 8192 : i32
      %add3A_377 = arith.addi %add3A_351, %add3A_376 : i32
      %dma_start3A_378 = arith.constant 256 : i32
      %dma_start3A_379 = tpu.memref_slice %arg8[%dma_start3A_378] : memref<1024xf32, #tpu.memory_space<vmem>> -> memref<128xf32, #tpu.memory_space<vmem>>
      %dma_start3A_380 = tpu.memref_slice %arg4[%add3A_377] : memref<819200xf32, #tpu.memory_space<hbm>> -> memref<128xf32, #tpu.memory_space<hbm>>
      %dma_start3A_381 = tpu.memref_slice %arg4[%add3A_377] : memref<819200xf32, #tpu.memory_space<hbm>> -> memref<128xf32, #tpu.memory_space<hbm>>
      %dma_start3A_382 = arith.constant 256 : i32
      %dma_start3A_383 = tpu.memref_slice %arg8[%dma_start3A_382] : memref<1024xf32, #tpu.memory_space<vmem>> -> memref<128xf32, #tpu.memory_space<vmem>>
      tpu.enqueue_dma source(%dma_start3A_383 : memref<128xf32, #tpu.memory_space<vmem>>) target(%dma_start3A_381 : memref<128xf32, #tpu.memory_space<hbm>>) target_semaphore(%arg10 : memref<!tpu.dma_semaphore, #tpu.memory_space<semaphore_mem>>)
      %add3A_384 = arith.constant 12288 : i32
      %add3A_385 = arith.addi %add3A_351, %add3A_384 : i32
      %dma_start3A_386 = arith.constant 384 : i32
      %dma_start3A_387 = tpu.memref_slice %arg8[%dma_start3A_386] : memref<1024xf32, #tpu.memory_space<vmem>> -> memref<128xf32, #tpu.memory_space<vmem>>
      %dma_start3A_388 = tpu.memref_slice %arg4[%add3A_385] : memref<819200xf32, #tpu.memory_space<hbm>> -> memref<128xf32, #tpu.memory_space<hbm>>
      %dma_start3A_389 = tpu.memref_slice %arg4[%add3A_385] : memref<819200xf32, #tpu.memory_space<hbm>> -> memref<128xf32, #tpu.memory_space<hbm>>
      %dma_start3A_390 = arith.constant 384 : i32
      %dma_start3A_391 = tpu.memref_slice %arg8[%dma_start3A_390] : memref<1024xf32, #tpu.memory_space<vmem>> -> memref<128xf32, #tpu.memory_space<vmem>>
      tpu.enqueue_dma source(%dma_start3A_391 : memref<128xf32, #tpu.memory_space<vmem>>) target(%dma_start3A_389 : memref<128xf32, #tpu.memory_space<hbm>>) target_semaphore(%arg10 : memref<!tpu.dma_semaphore, #tpu.memory_space<semaphore_mem>>)
      %add3A_392 = arith.constant 16384 : i32
      %add3A_393 = arith.addi %add3A_351, %add3A_392 : i32
      %dma_start3A_394 = arith.constant 512 : i32
      %dma_start3A_395 = tpu.memref_slice %arg8[%dma_start3A_394] : memref<1024xf32, #tpu.memory_space<vmem>> -> memref<128xf32, #tpu.memory_space<vmem>>
      %dma_start3A_396 = tpu.memref_slice %arg4[%add3A_393] : memref<819200xf32, #tpu.memory_space<hbm>> -> memref<128xf32, #tpu.memory_space<hbm>>
      %dma_start3A_397 = tpu.memref_slice %arg4[%add3A_393] : memref<819200xf32, #tpu.memory_space<hbm>> -> memref<128xf32, #tpu.memory_space<hbm>>
      %dma_start3A_398 = arith.constant 512 : i32
      %dma_start3A_399 = tpu.memref_slice %arg8[%dma_start3A_398] : memref<1024xf32, #tpu.memory_space<vmem>> -> memref<128xf32, #tpu.memory_space<vmem>>
      tpu.enqueue_dma source(%dma_start3A_399 : memref<128xf32, #tpu.memory_space<vmem>>) target(%dma_start3A_397 : memref<128xf32, #tpu.memory_space<hbm>>) target_semaphore(%arg10 : memref<!tpu.dma_semaphore, #tpu.memory_space<semaphore_mem>>)
      %add3A_400 = arith.constant 20480 : i32
      %add3A_401 = arith.addi %add3A_351, %add3A_400 : i32
      %dma_start3A_402 = arith.constant 640 : i32
      %dma_start3A_403 = tpu.memref_slice %arg8[%dma_start3A_402] : memref<1024xf32, #tpu.memory_space<vmem>> -> memref<128xf32, #tpu.memory_space<vmem>>
      %dma_start3A_404 = tpu.memref_slice %arg4[%add3A_401] : memref<819200xf32, #tpu.memory_space<hbm>> -> memref<128xf32, #tpu.memory_space<hbm>>
      %dma_start3A_405 = tpu.memref_slice %arg4[%add3A_401] : memref<819200xf32, #tpu.memory_space<hbm>> -> memref<128xf32, #tpu.memory_space<hbm>>
      %dma_start3A_406 = arith.constant 640 : i32
      %dma_start3A_407 = tpu.memref_slice %arg8[%dma_start3A_406] : memref<1024xf32, #tpu.memory_space<vmem>> -> memref<128xf32, #tpu.memory_space<vmem>>
      tpu.enqueue_dma source(%dma_start3A_407 : memref<128xf32, #tpu.memory_space<vmem>>) target(%dma_start3A_405 : memref<128xf32, #tpu.memory_space<hbm>>) target_semaphore(%arg10 : memref<!tpu.dma_semaphore, #tpu.memory_space<semaphore_mem>>)
      %add3A_408 = arith.constant 24576 : i32
      %add3A_409 = arith.addi %add3A_351, %add3A_408 : i32
      %dma_start3A_410 = arith.constant 768 : i32
      %dma_start3A_411 = tpu.memref_slice %arg8[%dma_start3A_410] : memref<1024xf32, #tpu.memory_space<vmem>> -> memref<128xf32, #tpu.memory_space<vmem>>
      %dma_start3A_412 = tpu.memref_slice %arg4[%add3A_409] : memref<819200xf32, #tpu.memory_space<hbm>> -> memref<128xf32, #tpu.memory_space<hbm>>
      %dma_start3A_413 = tpu.memref_slice %arg4[%add3A_409] : memref<819200xf32, #tpu.memory_space<hbm>> -> memref<128xf32, #tpu.memory_space<hbm>>
      %dma_start3A_414 = arith.constant 768 : i32
      %dma_start3A_415 = tpu.memref_slice %arg8[%dma_start3A_414] : memref<1024xf32, #tpu.memory_space<vmem>> -> memref<128xf32, #tpu.memory_space<vmem>>
      tpu.enqueue_dma source(%dma_start3A_415 : memref<128xf32, #tpu.memory_space<vmem>>) target(%dma_start3A_413 : memref<128xf32, #tpu.memory_space<hbm>>) target_semaphore(%arg10 : memref<!tpu.dma_semaphore, #tpu.memory_space<semaphore_mem>>)
      %add3A_416 = arith.constant 28672 : i32
      %add3A_417 = arith.addi %add3A_351, %add3A_416 : i32
      %dma_start3A_418 = arith.constant 896 : i32
      %dma_start3A_419 = tpu.memref_slice %arg8[%dma_start3A_418] : memref<1024xf32, #tpu.memory_space<vmem>> -> memref<128xf32, #tpu.memory_space<vmem>>
      %dma_start3A_420 = tpu.memref_slice %arg4[%add3A_417] : memref<819200xf32, #tpu.memory_space<hbm>> -> memref<128xf32, #tpu.memory_space<hbm>>
      %dma_start3A_421 = tpu.memref_slice %arg4[%add3A_417] : memref<819200xf32, #tpu.memory_space<hbm>> -> memref<128xf32, #tpu.memory_space<hbm>>
      %dma_start3A_422 = arith.constant 896 : i32
      %dma_start3A_423 = tpu.memref_slice %arg8[%dma_start3A_422] : memref<1024xf32, #tpu.memory_space<vmem>> -> memref<128xf32, #tpu.memory_space<vmem>>
      tpu.enqueue_dma source(%dma_start3A_423 : memref<128xf32, #tpu.memory_space<vmem>>) target(%dma_start3A_421 : memref<128xf32, #tpu.memory_space<hbm>>) target_semaphore(%arg10 : memref<!tpu.dma_semaphore, #tpu.memory_space<semaphore_mem>>)
      %mul3A_424 = arith.constant 5 : i32
      %mul3A_425 = arith.muli %scan3A_135, %mul3A_424 : i32
      %add3A_426 = arith.constant 2 : i32
      %add3A_427 = arith.addi %mul3A_425, %add3A_426 : i32
      %mul3A_428 = arith.constant 200 : i32
      %mul3A_429 = arith.muli %add3A, %mul3A_428 : i32
      %mul3A_430 = arith.constant 8 : i32
      %mul3A_431 = arith.muli %add3A_427, %mul3A_430 : i32
      %add3A_432 = arith.addi %mul3A_429, %mul3A_431 : i32
      %jit3A_433 = arith.constant 256 : i32
      %div3A_434 = arith.divsi %add3A_432, %jit3A_433 : i32
      %sign3A_435 = arith.constant 0 : i32
      %sign3A_436 = arith.cmpi sgt, %add3A_432, %sign3A_435 : i32
      %sign3A_437 = arith.extui %sign3A_436 : i1 to i32
      %sign3A_438 = arith.constant 0 : i32
      %sign3A_439 = arith.cmpi slt, %add3A_432, %sign3A_438 : i32
      %sign3A_440 = arith.extui %sign3A_439 : i1 to i32
      %sign3A_441 = arith.subi %sign3A_437, %sign3A_440 : i32
      %sign3A_442 = arith.constant 0 : i32
      %sign3A_443 = arith.cmpi sgt, %jit3A_433, %sign3A_442 : i32
      %sign3A_444 = arith.extui %sign3A_443 : i1 to i32
      %sign3A_445 = arith.constant 0 : i32
      %sign3A_446 = arith.cmpi slt, %jit3A_433, %sign3A_445 : i32
      %sign3A_447 = arith.extui %sign3A_446 : i1 to i32
      %sign3A_448 = arith.subi %sign3A_444, %sign3A_447 : i32
      %ne3A_449 = arith.cmpi ne, %sign3A_441, %sign3A_448 : i32
      %rem3A_450 = arith.remsi %add3A_432, %jit3A_433 : i32
      %ne3A_451 = arith.constant 0 : i32
      %ne3A_452 = arith.cmpi ne, %rem3A_450, %ne3A_451 : i32
      %and3A_453 = arith.andi %ne3A_449, %ne3A_452 : i1
      %sub3A_454 = arith.constant 1 : i32
      %sub3A_455 = arith.subi %div3A_434, %sub3A_454 : i32
      %select_n3A_456 = arith.select %and3A_453, %sub3A_455, %div3A_434 : i32
      %jit3A_457 = arith.constant 8 : i32
      %div3A_458 = arith.divsi %add3A_432, %jit3A_457 : i32
      %sign3A_459 = arith.constant 0 : i32
      %sign3A_460 = arith.cmpi sgt, %add3A_432, %sign3A_459 : i32
      %sign3A_461 = arith.extui %sign3A_460 : i1 to i32
      %sign3A_462 = arith.constant 0 : i32
      %sign3A_463 = arith.cmpi slt, %add3A_432, %sign3A_462 : i32
      %sign3A_464 = arith.extui %sign3A_463 : i1 to i32
      %sign3A_465 = arith.subi %sign3A_461, %sign3A_464 : i32
      %sign3A_466 = arith.constant 0 : i32
      %sign3A_467 = arith.cmpi sgt, %jit3A_457, %sign3A_466 : i32
      %sign3A_468 = arith.extui %sign3A_467 : i1 to i32
      %sign3A_469 = arith.constant 0 : i32
      %sign3A_470 = arith.cmpi slt, %jit3A_457, %sign3A_469 : i32
      %sign3A_471 = arith.extui %sign3A_470 : i1 to i32
      %sign3A_472 = arith.subi %sign3A_468, %sign3A_471 : i32
      %ne3A_473 = arith.cmpi ne, %sign3A_465, %sign3A_472 : i32
      %rem3A_474 = arith.remsi %add3A_432, %jit3A_457 : i32
      %ne3A_475 = arith.constant 0 : i32
      %ne3A_476 = arith.cmpi ne, %rem3A_474, %ne3A_475 : i32
      %and3A_477 = arith.andi %ne3A_473, %ne3A_476 : i1
      %sub3A_478 = arith.constant 1 : i32
      %sub3A_479 = arith.subi %div3A_458, %sub3A_478 : i32
      %select_n3A_480 = arith.select %and3A_477, %sub3A_479, %div3A_458 : i32
      %jit3A_481 = arith.constant 32 : i32
      %eq3A_482 = arith.constant 0 : i32
      %eq3A_483 = arith.cmpi eq, %jit3A_481, %eq3A_482 : i32
      %jit3A_484 = arith.constant 1 : i32
      %select_n3A_485 = arith.select %eq3A_483, %jit3A_484, %jit3A_481 : i32
      %rem3A_486 = arith.remsi %select_n3A_480, %select_n3A_485 : i32
      %ne3A_487 = arith.constant 0 : i32
      %ne3A_488 = arith.cmpi ne, %rem3A_486, %ne3A_487 : i32
      %lt3A_489 = arith.constant 0 : i32
      %lt3A_490 = arith.cmpi slt, %rem3A_486, %lt3A_489 : i32
      %lt3A_491 = arith.constant 0 : i32
      %lt3A_492 = arith.cmpi slt, %select_n3A_485, %lt3A_491 : i32
      %ne3A_493 = arith.xori %lt3A_490, %lt3A_492 : i1
      %and3A_494 = arith.andi %ne3A_493, %ne3A_488 : i1
      %add3A_495 = arith.addi %rem3A_486, %select_n3A_485 : i32
      %select_n3A_496 = arith.select %and3A_494, %add3A_495, %rem3A_486 : i32
      %mul3A_497 = arith.constant 32768 : i32
      %mul3A_498 = arith.muli %select_n3A_456, %mul3A_497 : i32
      %mul3A_499 = arith.constant 128 : i32
      %mul3A_500 = arith.muli %select_n3A_496, %mul3A_499 : i32
      %add3A_501 = arith.addi %mul3A_498, %mul3A_500 : i32
      %ge3A_502 = arith.constant 2 : i32
      %ge3A_503 = arith.cmpi sge, %add3A_427, %ge3A_502 : i32
      %convert_element_type3A_504 = arith.extui %ge3A_503 : i1 to i32
      %cond3A_505 = arith.constant 0 : i32
      %cond3A_506 = arith.cmpi ne, %convert_element_type3A_504, %cond3A_505 : i32
      scf.if %cond3A_506 {
        %dma_wait3A_874 = arith.constant 0 : i32
        %dma_wait3A_875 = tpu.memref_slice %arg7[%dma_wait3A_874] : memref<1024xf32, #tpu.memory_space<vmem>> -> memref<128xf32, #tpu.memory_space<vmem>>
        %dma_wait3A_876 = arith.constant 0 : i32
        %dma_wait3A_877 = tpu.memref_slice %arg4[%dma_wait3A_876] : memref<819200xf32, #tpu.memory_space<hbm>> -> memref<128xf32, #tpu.memory_space<hbm>>
        %dma_wait3A_878 = arith.constant 0 : i32
        %dma_wait3A_879 = tpu.memref_slice %arg4[%dma_wait3A_878] : memref<819200xf32, #tpu.memory_space<hbm>> -> memref<128xf32, #tpu.memory_space<hbm>>
        %dma_wait3A_880 = arith.constant 0 : i32
        %dma_wait3A_881 = tpu.memref_slice %arg7[%dma_wait3A_880] : memref<1024xf32, #tpu.memory_space<vmem>> -> memref<128xf32, #tpu.memory_space<vmem>>
        tpu.wait_dma2 semaphore(%arg9 : memref<!tpu.dma_semaphore, #tpu.memory_space<semaphore_mem>>) src(%dma_wait3A_881 : memref<128xf32, #tpu.memory_space<vmem>>) dst(%dma_wait3A_879 : memref<128xf32, #tpu.memory_space<hbm>>)
        %dma_wait3A_882 = arith.constant 128 : i32
        %dma_wait3A_883 = tpu.memref_slice %arg7[%dma_wait3A_882] : memref<1024xf32, #tpu.memory_space<vmem>> -> memref<128xf32, #tpu.memory_space<vmem>>
        %dma_wait3A_884 = arith.constant 128 : i32
        %dma_wait3A_885 = tpu.memref_slice %arg4[%dma_wait3A_884] : memref<819200xf32, #tpu.memory_space<hbm>> -> memref<128xf32, #tpu.memory_space<hbm>>
        %dma_wait3A_886 = arith.constant 128 : i32
        %dma_wait3A_887 = tpu.memref_slice %arg4[%dma_wait3A_886] : memref<819200xf32, #tpu.memory_space<hbm>> -> memref<128xf32, #tpu.memory_space<hbm>>
        %dma_wait3A_888 = arith.constant 128 : i32
        %dma_wait3A_889 = tpu.memref_slice %arg7[%dma_wait3A_888] : memref<1024xf32, #tpu.memory_space<vmem>> -> memref<128xf32, #tpu.memory_space<vmem>>
        tpu.wait_dma2 semaphore(%arg9 : memref<!tpu.dma_semaphore, #tpu.memory_space<semaphore_mem>>) src(%dma_wait3A_889 : memref<128xf32, #tpu.memory_space<vmem>>) dst(%dma_wait3A_887 : memref<128xf32, #tpu.memory_space<hbm>>)
        %dma_wait3A_890 = arith.constant 256 : i32
        %dma_wait3A_891 = tpu.memref_slice %arg7[%dma_wait3A_890] : memref<1024xf32, #tpu.memory_space<vmem>> -> memref<128xf32, #tpu.memory_space<vmem>>
        %dma_wait3A_892 = arith.constant 256 : i32
        %dma_wait3A_893 = tpu.memref_slice %arg4[%dma_wait3A_892] : memref<819200xf32, #tpu.memory_space<hbm>> -> memref<128xf32, #tpu.memory_space<hbm>>
        %dma_wait3A_894 = arith.constant 256 : i32
        %dma_wait3A_895 = tpu.memref_slice %arg4[%dma_wait3A_894] : memref<819200xf32, #tpu.memory_space<hbm>> -> memref<128xf32, #tpu.memory_space<hbm>>
        %dma_wait3A_896 = arith.constant 256 : i32
        %dma_wait3A_897 = tpu.memref_slice %arg7[%dma_wait3A_896] : memref<1024xf32, #tpu.memory_space<vmem>> -> memref<128xf32, #tpu.memory_space<vmem>>
        tpu.wait_dma2 semaphore(%arg9 : memref<!tpu.dma_semaphore, #tpu.memory_space<semaphore_mem>>) src(%dma_wait3A_897 : memref<128xf32, #tpu.memory_space<vmem>>) dst(%dma_wait3A_895 : memref<128xf32, #tpu.memory_space<hbm>>)
        %dma_wait3A_898 = arith.constant 384 : i32
        %dma_wait3A_899 = tpu.memref_slice %arg7[%dma_wait3A_898] : memref<1024xf32, #tpu.memory_space<vmem>> -> memref<128xf32, #tpu.memory_space<vmem>>
        %dma_wait3A_900 = arith.constant 384 : i32
        %dma_wait3A_901 = tpu.memref_slice %arg4[%dma_wait3A_900] : memref<819200xf32, #tpu.memory_space<hbm>> -> memref<128xf32, #tpu.memory_space<hbm>>
        %dma_wait3A_902 = arith.constant 384 : i32
        %dma_wait3A_903 = tpu.memref_slice %arg4[%dma_wait3A_902] : memref<819200xf32, #tpu.memory_space<hbm>> -> memref<128xf32, #tpu.memory_space<hbm>>
        %dma_wait3A_904 = arith.constant 384 : i32
        %dma_wait3A_905 = tpu.memref_slice %arg7[%dma_wait3A_904] : memref<1024xf32, #tpu.memory_space<vmem>> -> memref<128xf32, #tpu.memory_space<vmem>>
        tpu.wait_dma2 semaphore(%arg9 : memref<!tpu.dma_semaphore, #tpu.memory_space<semaphore_mem>>) src(%dma_wait3A_905 : memref<128xf32, #tpu.memory_space<vmem>>) dst(%dma_wait3A_903 : memref<128xf32, #tpu.memory_space<hbm>>)
        %dma_wait3A_906 = arith.constant 512 : i32
        %dma_wait3A_907 = tpu.memref_slice %arg7[%dma_wait3A_906] : memref<1024xf32, #tpu.memory_space<vmem>> -> memref<128xf32, #tpu.memory_space<vmem>>
        %dma_wait3A_908 = arith.constant 512 : i32
        %dma_wait3A_909 = tpu.memref_slice %arg4[%dma_wait3A_908] : memref<819200xf32, #tpu.memory_space<hbm>> -> memref<128xf32, #tpu.memory_space<hbm>>
        %dma_wait3A_910 = arith.constant 512 : i32
        %dma_wait3A_911 = tpu.memref_slice %arg4[%dma_wait3A_910] : memref<819200xf32, #tpu.memory_space<hbm>> -> memref<128xf32, #tpu.memory_space<hbm>>
        %dma_wait3A_912 = arith.constant 512 : i32
        %dma_wait3A_913 = tpu.memref_slice %arg7[%dma_wait3A_912] : memref<1024xf32, #tpu.memory_space<vmem>> -> memref<128xf32, #tpu.memory_space<vmem>>
        tpu.wait_dma2 semaphore(%arg9 : memref<!tpu.dma_semaphore, #tpu.memory_space<semaphore_mem>>) src(%dma_wait3A_913 : memref<128xf32, #tpu.memory_space<vmem>>) dst(%dma_wait3A_911 : memref<128xf32, #tpu.memory_space<hbm>>)
        %dma_wait3A_914 = arith.constant 640 : i32
        %dma_wait3A_915 = tpu.memref_slice %arg7[%dma_wait3A_914] : memref<1024xf32, #tpu.memory_space<vmem>> -> memref<128xf32, #tpu.memory_space<vmem>>
        %dma_wait3A_916 = arith.constant 640 : i32
        %dma_wait3A_917 = tpu.memref_slice %arg4[%dma_wait3A_916] : memref<819200xf32, #tpu.memory_space<hbm>> -> memref<128xf32, #tpu.memory_space<hbm>>
        %dma_wait3A_918 = arith.constant 640 : i32
        %dma_wait3A_919 = tpu.memref_slice %arg4[%dma_wait3A_918] : memref<819200xf32, #tpu.memory_space<hbm>> -> memref<128xf32, #tpu.memory_space<hbm>>
        %dma_wait3A_920 = arith.constant 640 : i32
        %dma_wait3A_921 = tpu.memref_slice %arg7[%dma_wait3A_920] : memref<1024xf32, #tpu.memory_space<vmem>> -> memref<128xf32, #tpu.memory_space<vmem>>
        tpu.wait_dma2 semaphore(%arg9 : memref<!tpu.dma_semaphore, #tpu.memory_space<semaphore_mem>>) src(%dma_wait3A_921 : memref<128xf32, #tpu.memory_space<vmem>>) dst(%dma_wait3A_919 : memref<128xf32, #tpu.memory_space<hbm>>)
        %dma_wait3A_922 = arith.constant 768 : i32
        %dma_wait3A_923 = tpu.memref_slice %arg7[%dma_wait3A_922] : memref<1024xf32, #tpu.memory_space<vmem>> -> memref<128xf32, #tpu.memory_space<vmem>>
        %dma_wait3A_924 = arith.constant 768 : i32
        %dma_wait3A_925 = tpu.memref_slice %arg4[%dma_wait3A_924] : memref<819200xf32, #tpu.memory_space<hbm>> -> memref<128xf32, #tpu.memory_space<hbm>>
        %dma_wait3A_926 = arith.constant 768 : i32
        %dma_wait3A_927 = tpu.memref_slice %arg4[%dma_wait3A_926] : memref<819200xf32, #tpu.memory_space<hbm>> -> memref<128xf32, #tpu.memory_space<hbm>>
        %dma_wait3A_928 = arith.constant 768 : i32
        %dma_wait3A_929 = tpu.memref_slice %arg7[%dma_wait3A_928] : memref<1024xf32, #tpu.memory_space<vmem>> -> memref<128xf32, #tpu.memory_space<vmem>>
        tpu.wait_dma2 semaphore(%arg9 : memref<!tpu.dma_semaphore, #tpu.memory_space<semaphore_mem>>) src(%dma_wait3A_929 : memref<128xf32, #tpu.memory_space<vmem>>) dst(%dma_wait3A_927 : memref<128xf32, #tpu.memory_space<hbm>>)
        %dma_wait3A_930 = arith.constant 896 : i32
        %dma_wait3A_931 = tpu.memref_slice %arg7[%dma_wait3A_930] : memref<1024xf32, #tpu.memory_space<vmem>> -> memref<128xf32, #tpu.memory_space<vmem>>
        %dma_wait3A_932 = arith.constant 896 : i32
        %dma_wait3A_933 = tpu.memref_slice %arg4[%dma_wait3A_932] : memref<819200xf32, #tpu.memory_space<hbm>> -> memref<128xf32, #tpu.memory_space<hbm>>
        %dma_wait3A_934 = arith.constant 896 : i32
        %dma_wait3A_935 = tpu.memref_slice %arg4[%dma_wait3A_934] : memref<819200xf32, #tpu.memory_space<hbm>> -> memref<128xf32, #tpu.memory_space<hbm>>
        %dma_wait3A_936 = arith.constant 896 : i32
        %dma_wait3A_937 = tpu.memref_slice %arg7[%dma_wait3A_936] : memref<1024xf32, #tpu.memory_space<vmem>> -> memref<128xf32, #tpu.memory_space<vmem>>
        tpu.wait_dma2 semaphore(%arg9 : memref<!tpu.dma_semaphore, #tpu.memory_space<semaphore_mem>>) src(%dma_wait3A_937 : memref<128xf32, #tpu.memory_space<vmem>>) dst(%dma_wait3A_935 : memref<128xf32, #tpu.memory_space<hbm>>)
      } else {
      }
      %parallel_loop3A_507 = arith.constant 0 : i32
      %parallel_loop3A_508 = arith.constant 8 : i32
      %parallel_loop3A_509 = arith.constant 1 : i32
      scf.for %parallel_loop3A_874 = %parallel_loop3A_507 to %parallel_loop3A_508 step %parallel_loop3A_509  : i32 {
        %parallel_loop3A_875 = arith.constant 128 : i32
        %parallel_loop3A_876 = arith.muli %parallel_loop3A_874, %parallel_loop3A_875 : i32
        %parallel_loop3A_877 = arith.constant 2048 : i32
        %parallel_loop3A_878 = arith.addi %parallel_loop3A_877, %parallel_loop3A_876 : i32
        %parallel_loop3A_879 = arith.constant 0 : i32
        %parallel_loop3A_880 = arith.addi %parallel_loop3A_878, %parallel_loop3A_879 : i32
        %parallel_loop3A_881 = arith.index_cast %parallel_loop3A_880 : i32 to index
        %parallel_loop3A_882 = tpu.vector_load %arg6[%parallel_loop3A_881] {strides = array<i32>} : memref<5120xi32, #tpu.memory_space<vmem>>, vector<16xi32>,
        %parallel_loop3A_883 = tpu.vector_load_idx %arg5[%parallel_loop3A_882] : memref<100000xf32, #tpu.memory_space<vmem>>[vector<16xi32>], vector<16xf32>,
        %parallel_loop3A_884 = arith.constant 128 : i32
        %parallel_loop3A_885 = arith.muli %parallel_loop3A_874, %parallel_loop3A_884 : i32
        %parallel_loop3A_886 = arith.constant 0 : i32
        %parallel_loop3A_887 = arith.addi %parallel_loop3A_885, %parallel_loop3A_886 : i32
        %parallel_loop3A_888 = arith.index_cast %parallel_loop3A_887 : i32 to index
        %parallel_loop3A_889 = tpu.vector_load %arg7[%parallel_loop3A_888] {strides = array<i32>} : memref<1024xf32, #tpu.memory_space<vmem>>, vector<16xf32>,
        tpu.vector_store %arg7[%parallel_loop3A_888], %parallel_loop3A_883 {strides = array<i32>} : memref<1024xf32, #tpu.memory_space<vmem>>, vector<16xf32>,
        %parallel_loop3A_890 = arith.constant 128 : i32
        %parallel_loop3A_891 = arith.muli %parallel_loop3A_874, %parallel_loop3A_890 : i32
        %parallel_loop3A_892 = arith.constant 2048 : i32
        %parallel_loop3A_893 = arith.addi %parallel_loop3A_892, %parallel_loop3A_891 : i32
        %parallel_loop3A_894 = arith.constant 16 : i32
        %parallel_loop3A_895 = arith.addi %parallel_loop3A_893, %parallel_loop3A_894 : i32
        %parallel_loop3A_896 = arith.index_cast %parallel_loop3A_895 : i32 to index
        %parallel_loop3A_897 = tpu.vector_load %arg6[%parallel_loop3A_896] {strides = array<i32>} : memref<5120xi32, #tpu.memory_space<vmem>>, vector<16xi32>,
        %parallel_loop3A_898 = tpu.vector_load_idx %arg5[%parallel_loop3A_897] : memref<100000xf32, #tpu.memory_space<vmem>>[vector<16xi32>], vector<16xf32>,
        %parallel_loop3A_899 = arith.constant 128 : i32
        %parallel_loop3A_900 = arith.muli %parallel_loop3A_874, %parallel_loop3A_899 : i32
        %parallel_loop3A_901 = arith.constant 16 : i32
        %parallel_loop3A_902 = arith.addi %parallel_loop3A_900, %parallel_loop3A_901 : i32
        %parallel_loop3A_903 = arith.index_cast %parallel_loop3A_902 : i32 to index
        %parallel_loop3A_904 = tpu.vector_load %arg7[%parallel_loop3A_903] {strides = array<i32>} : memref<1024xf32, #tpu.memory_space<vmem>>, vector<16xf32>,
        tpu.vector_store %arg7[%parallel_loop3A_903], %parallel_loop3A_898 {strides = array<i32>} : memref<1024xf32, #tpu.memory_space<vmem>>, vector<16xf32>,
        %parallel_loop3A_905 = arith.constant 128 : i32
        %parallel_loop3A_906 = arith.muli %parallel_loop3A_874, %parallel_loop3A_905 : i32
        %parallel_loop3A_907 = arith.constant 2048 : i32
        %parallel_loop3A_908 = arith.addi %parallel_loop3A_907, %parallel_loop3A_906 : i32
        %parallel_loop3A_909 = arith.constant 32 : i32
        %parallel_loop3A_910 = arith.addi %parallel_loop3A_908, %parallel_loop3A_909 : i32
        %parallel_loop3A_911 = arith.index_cast %parallel_loop3A_910 : i32 to index
        %parallel_loop3A_912 = tpu.vector_load %arg6[%parallel_loop3A_911] {strides = array<i32>} : memref<5120xi32, #tpu.memory_space<vmem>>, vector<16xi32>,
        %parallel_loop3A_913 = tpu.vector_load_idx %arg5[%parallel_loop3A_912] : memref<100000xf32, #tpu.memory_space<vmem>>[vector<16xi32>], vector<16xf32>,
        %parallel_loop3A_914 = arith.constant 128 : i32
        %parallel_loop3A_915 = arith.muli %parallel_loop3A_874, %parallel_loop3A_914 : i32
        %parallel_loop3A_916 = arith.constant 32 : i32
        %parallel_loop3A_917 = arith.addi %parallel_loop3A_915, %parallel_loop3A_916 : i32
        %parallel_loop3A_918 = arith.index_cast %parallel_loop3A_917 : i32 to index
        %parallel_loop3A_919 = tpu.vector_load %arg7[%parallel_loop3A_918] {strides = array<i32>} : memref<1024xf32, #tpu.memory_space<vmem>>, vector<16xf32>,
        tpu.vector_store %arg7[%parallel_loop3A_918], %parallel_loop3A_913 {strides = array<i32>} : memref<1024xf32, #tpu.memory_space<vmem>>, vector<16xf32>,
        %parallel_loop3A_920 = arith.constant 128 : i32
        %parallel_loop3A_921 = arith.muli %parallel_loop3A_874, %parallel_loop3A_920 : i32
        %parallel_loop3A_922 = arith.constant 2048 : i32
        %parallel_loop3A_923 = arith.addi %parallel_loop3A_922, %parallel_loop3A_921 : i32
        %parallel_loop3A_924 = arith.constant 48 : i32
        %parallel_loop3A_925 = arith.addi %parallel_loop3A_923, %parallel_loop3A_924 : i32
        %parallel_loop3A_926 = arith.index_cast %parallel_loop3A_925 : i32 to index
        %parallel_loop3A_927 = tpu.vector_load %arg6[%parallel_loop3A_926] {strides = array<i32>} : memref<5120xi32, #tpu.memory_space<vmem>>, vector<16xi32>,
        %parallel_loop3A_928 = tpu.vector_load_idx %arg5[%parallel_loop3A_927] : memref<100000xf32, #tpu.memory_space<vmem>>[vector<16xi32>], vector<16xf32>,
        %parallel_loop3A_929 = arith.constant 128 : i32
        %parallel_loop3A_930 = arith.muli %parallel_loop3A_874, %parallel_loop3A_929 : i32
        %parallel_loop3A_931 = arith.constant 48 : i32
        %parallel_loop3A_932 = arith.addi %parallel_loop3A_930, %parallel_loop3A_931 : i32
        %parallel_loop3A_933 = arith.index_cast %parallel_loop3A_932 : i32 to index
        %parallel_loop3A_934 = tpu.vector_load %arg7[%parallel_loop3A_933] {strides = array<i32>} : memref<1024xf32, #tpu.memory_space<vmem>>, vector<16xf32>,
        tpu.vector_store %arg7[%parallel_loop3A_933], %parallel_loop3A_928 {strides = array<i32>} : memref<1024xf32, #tpu.memory_space<vmem>>, vector<16xf32>,
        %parallel_loop3A_935 = arith.constant 128 : i32
        %parallel_loop3A_936 = arith.muli %parallel_loop3A_874, %parallel_loop3A_935 : i32
        %parallel_loop3A_937 = arith.constant 2048 : i32
        %parallel_loop3A_938 = arith.addi %parallel_loop3A_937, %parallel_loop3A_936 : i32
        %parallel_loop3A_939 = arith.constant 64 : i32
        %parallel_loop3A_940 = arith.addi %parallel_loop3A_938, %parallel_loop3A_939 : i32
        %parallel_loop3A_941 = arith.index_cast %parallel_loop3A_940 : i32 to index
        %parallel_loop3A_942 = tpu.vector_load %arg6[%parallel_loop3A_941] {strides = array<i32>} : memref<5120xi32, #tpu.memory_space<vmem>>, vector<16xi32>,
        %parallel_loop3A_943 = tpu.vector_load_idx %arg5[%parallel_loop3A_942] : memref<100000xf32, #tpu.memory_space<vmem>>[vector<16xi32>], vector<16xf32>,
        %parallel_loop3A_944 = arith.constant 128 : i32
        %parallel_loop3A_945 = arith.muli %parallel_loop3A_874, %parallel_loop3A_944 : i32
        %parallel_loop3A_946 = arith.constant 64 : i32
        %parallel_loop3A_947 = arith.addi %parallel_loop3A_945, %parallel_loop3A_946 : i32
        %parallel_loop3A_948 = arith.index_cast %parallel_loop3A_947 : i32 to index
        %parallel_loop3A_949 = tpu.vector_load %arg7[%parallel_loop3A_948] {strides = array<i32>} : memref<1024xf32, #tpu.memory_space<vmem>>, vector<16xf32>,
        tpu.vector_store %arg7[%parallel_loop3A_948], %parallel_loop3A_943 {strides = array<i32>} : memref<1024xf32, #tpu.memory_space<vmem>>, vector<16xf32>,
        %parallel_loop3A_950 = arith.constant 128 : i32
        %parallel_loop3A_951 = arith.muli %parallel_loop3A_874, %parallel_loop3A_950 : i32
        %parallel_loop3A_952 = arith.constant 2048 : i32
        %parallel_loop3A_953 = arith.addi %parallel_loop3A_952, %parallel_loop3A_951 : i32
        %parallel_loop3A_954 = arith.constant 80 : i32
        %parallel_loop3A_955 = arith.addi %parallel_loop3A_953, %parallel_loop3A_954 : i32
        %parallel_loop3A_956 = arith.index_cast %parallel_loop3A_955 : i32 to index
        %parallel_loop3A_957 = tpu.vector_load %arg6[%parallel_loop3A_956] {strides = array<i32>} : memref<5120xi32, #tpu.memory_space<vmem>>, vector<16xi32>,
        %parallel_loop3A_958 = tpu.vector_load_idx %arg5[%parallel_loop3A_957] : memref<100000xf32, #tpu.memory_space<vmem>>[vector<16xi32>], vector<16xf32>,
        %parallel_loop3A_959 = arith.constant 128 : i32
        %parallel_loop3A_960 = arith.muli %parallel_loop3A_874, %parallel_loop3A_959 : i32
        %parallel_loop3A_961 = arith.constant 80 : i32
        %parallel_loop3A_962 = arith.addi %parallel_loop3A_960, %parallel_loop3A_961 : i32
        %parallel_loop3A_963 = arith.index_cast %parallel_loop3A_962 : i32 to index
        %parallel_loop3A_964 = tpu.vector_load %arg7[%parallel_loop3A_963] {strides = array<i32>} : memref<1024xf32, #tpu.memory_space<vmem>>, vector<16xf32>,
        tpu.vector_store %arg7[%parallel_loop3A_963], %parallel_loop3A_958 {strides = array<i32>} : memref<1024xf32, #tpu.memory_space<vmem>>, vector<16xf32>,
        %parallel_loop3A_965 = arith.constant 128 : i32
        %parallel_loop3A_966 = arith.muli %parallel_loop3A_874, %parallel_loop3A_965 : i32
        %parallel_loop3A_967 = arith.constant 2048 : i32
        %parallel_loop3A_968 = arith.addi %parallel_loop3A_967, %parallel_loop3A_966 : i32
        %parallel_loop3A_969 = arith.constant 96 : i32
        %parallel_loop3A_970 = arith.addi %parallel_loop3A_968, %parallel_loop3A_969 : i32
        %parallel_loop3A_971 = arith.index_cast %parallel_loop3A_970 : i32 to index
        %parallel_loop3A_972 = tpu.vector_load %arg6[%parallel_loop3A_971] {strides = array<i32>} : memref<5120xi32, #tpu.memory_space<vmem>>, vector<16xi32>,
        %parallel_loop3A_973 = tpu.vector_load_idx %arg5[%parallel_loop3A_972] : memref<100000xf32, #tpu.memory_space<vmem>>[vector<16xi32>], vector<16xf32>,
        %parallel_loop3A_974 = arith.constant 128 : i32
        %parallel_loop3A_975 = arith.muli %parallel_loop3A_874, %parallel_loop3A_974 : i32
        %parallel_loop3A_976 = arith.constant 96 : i32
        %parallel_loop3A_977 = arith.addi %parallel_loop3A_975, %parallel_loop3A_976 : i32
        %parallel_loop3A_978 = arith.index_cast %parallel_loop3A_977 : i32 to index
        %parallel_loop3A_979 = tpu.vector_load %arg7[%parallel_loop3A_978] {strides = array<i32>} : memref<1024xf32, #tpu.memory_space<vmem>>, vector<16xf32>,
        tpu.vector_store %arg7[%parallel_loop3A_978], %parallel_loop3A_973 {strides = array<i32>} : memref<1024xf32, #tpu.memory_space<vmem>>, vector<16xf32>,
        %parallel_loop3A_980 = arith.constant 128 : i32
        %parallel_loop3A_981 = arith.muli %parallel_loop3A_874, %parallel_loop3A_980 : i32
        %parallel_loop3A_982 = arith.constant 2048 : i32
        %parallel_loop3A_983 = arith.addi %parallel_loop3A_982, %parallel_loop3A_981 : i32
        %parallel_loop3A_984 = arith.constant 112 : i32
        %parallel_loop3A_985 = arith.addi %parallel_loop3A_983, %parallel_loop3A_984 : i32
        %parallel_loop3A_986 = arith.index_cast %parallel_loop3A_985 : i32 to index
        %parallel_loop3A_987 = tpu.vector_load %arg6[%parallel_loop3A_986] {strides = array<i32>} : memref<5120xi32, #tpu.memory_space<vmem>>, vector<16xi32>,
        %parallel_loop3A_988 = tpu.vector_load_idx %arg5[%parallel_loop3A_987] : memref<100000xf32, #tpu.memory_space<vmem>>[vector<16xi32>], vector<16xf32>,
        %parallel_loop3A_989 = arith.constant 128 : i32
        %parallel_loop3A_990 = arith.muli %parallel_loop3A_874, %parallel_loop3A_989 : i32
        %parallel_loop3A_991 = arith.constant 112 : i32
        %parallel_loop3A_992 = arith.addi %parallel_loop3A_990, %parallel_loop3A_991 : i32
        %parallel_loop3A_993 = arith.index_cast %parallel_loop3A_992 : i32 to index
        %parallel_loop3A_994 = tpu.vector_load %arg7[%parallel_loop3A_993] {strides = array<i32>} : memref<1024xf32, #tpu.memory_space<vmem>>, vector<16xf32>,
        tpu.vector_store %arg7[%parallel_loop3A_993], %parallel_loop3A_988 {strides = array<i32>} : memref<1024xf32, #tpu.memory_space<vmem>>, vector<16xf32>,
      } {sc.loop_unroll_factor = 4 : i64, sc.parallel_access}
      %add3A_510 = arith.constant 0 : i32
      %add3A_511 = arith.addi %add3A_501, %add3A_510 : i32
      %dma_start3A_512 = arith.constant 0 : i32
      %dma_start3A_513 = tpu.memref_slice %arg7[%dma_start3A_512] : memref<1024xf32, #tpu.memory_space<vmem>> -> memref<128xf32, #tpu.memory_space<vmem>>
      %dma_start3A_514 = tpu.memref_slice %arg4[%add3A_511] : memref<819200xf32, #tpu.memory_space<hbm>> -> memref<128xf32, #tpu.memory_space<hbm>>
      %dma_start3A_515 = tpu.memref_slice %arg4[%add3A_511] : memref<819200xf32, #tpu.memory_space<hbm>> -> memref<128xf32, #tpu.memory_space<hbm>>
      %dma_start3A_516 = arith.constant 0 : i32
      %dma_start3A_517 = tpu.memref_slice %arg7[%dma_start3A_516] : memref<1024xf32, #tpu.memory_space<vmem>> -> memref<128xf32, #tpu.memory_space<vmem>>
      tpu.enqueue_dma source(%dma_start3A_517 : memref<128xf32, #tpu.memory_space<vmem>>) target(%dma_start3A_515 : memref<128xf32, #tpu.memory_space<hbm>>) target_semaphore(%arg9 : memref<!tpu.dma_semaphore, #tpu.memory_space<semaphore_mem>>)
      %add3A_518 = arith.constant 4096 : i32
      %add3A_519 = arith.addi %add3A_501, %add3A_518 : i32
      %dma_start3A_520 = arith.constant 128 : i32
      %dma_start3A_521 = tpu.memref_slice %arg7[%dma_start3A_520] : memref<1024xf32, #tpu.memory_space<vmem>> -> memref<128xf32, #tpu.memory_space<vmem>>
      %dma_start3A_522 = tpu.memref_slice %arg4[%add3A_519] : memref<819200xf32, #tpu.memory_space<hbm>> -> memref<128xf32, #tpu.memory_space<hbm>>
      %dma_start3A_523 = tpu.memref_slice %arg4[%add3A_519] : memref<819200xf32, #tpu.memory_space<hbm>> -> memref<128xf32, #tpu.memory_space<hbm>>
      %dma_start3A_524 = arith.constant 128 : i32
      %dma_start3A_525 = tpu.memref_slice %arg7[%dma_start3A_524] : memref<1024xf32, #tpu.memory_space<vmem>> -> memref<128xf32, #tpu.memory_space<vmem>>
      tpu.enqueue_dma source(%dma_start3A_525 : memref<128xf32, #tpu.memory_space<vmem>>) target(%dma_start3A_523 : memref<128xf32, #tpu.memory_space<hbm>>) target_semaphore(%arg9 : memref<!tpu.dma_semaphore, #tpu.memory_space<semaphore_mem>>)
      %add3A_526 = arith.constant 8192 : i32
      %add3A_527 = arith.addi %add3A_501, %add3A_526 : i32
      %dma_start3A_528 = arith.constant 256 : i32
      %dma_start3A_529 = tpu.memref_slice %arg7[%dma_start3A_528] : memref<1024xf32, #tpu.memory_space<vmem>> -> memref<128xf32, #tpu.memory_space<vmem>>
      %dma_start3A_530 = tpu.memref_slice %arg4[%add3A_527] : memref<819200xf32, #tpu.memory_space<hbm>> -> memref<128xf32, #tpu.memory_space<hbm>>
      %dma_start3A_531 = tpu.memref_slice %arg4[%add3A_527] : memref<819200xf32, #tpu.memory_space<hbm>> -> memref<128xf32, #tpu.memory_space<hbm>>
      %dma_start3A_532 = arith.constant 256 : i32
      %dma_start3A_533 = tpu.memref_slice %arg7[%dma_start3A_532] : memref<1024xf32, #tpu.memory_space<vmem>> -> memref<128xf32, #tpu.memory_space<vmem>>
      tpu.enqueue_dma source(%dma_start3A_533 : memref<128xf32, #tpu.memory_space<vmem>>) target(%dma_start3A_531 : memref<128xf32, #tpu.memory_space<hbm>>) target_semaphore(%arg9 : memref<!tpu.dma_semaphore, #tpu.memory_space<semaphore_mem>>)
      %add3A_534 = arith.constant 12288 : i32
      %add3A_535 = arith.addi %add3A_501, %add3A_534 : i32
      %dma_start3A_536 = arith.constant 384 : i32
      %dma_start3A_537 = tpu.memref_slice %arg7[%dma_start3A_536] : memref<1024xf32, #tpu.memory_space<vmem>> -> memref<128xf32, #tpu.memory_space<vmem>>
      %dma_start3A_538 = tpu.memref_slice %arg4[%add3A_535] : memref<819200xf32, #tpu.memory_space<hbm>> -> memref<128xf32, #tpu.memory_space<hbm>>
      %dma_start3A_539 = tpu.memref_slice %arg4[%add3A_535] : memref<819200xf32, #tpu.memory_space<hbm>> -> memref<128xf32, #tpu.memory_space<hbm>>
      %dma_start3A_540 = arith.constant 384 : i32
      %dma_start3A_541 = tpu.memref_slice %arg7[%dma_start3A_540] : memref<1024xf32, #tpu.memory_space<vmem>> -> memref<128xf32, #tpu.memory_space<vmem>>
      tpu.enqueue_dma source(%dma_start3A_541 : memref<128xf32, #tpu.memory_space<vmem>>) target(%dma_start3A_539 : memref<128xf32, #tpu.memory_space<hbm>>) target_semaphore(%arg9 : memref<!tpu.dma_semaphore, #tpu.memory_space<semaphore_mem>>)
      %add3A_542 = arith.constant 16384 : i32
      %add3A_543 = arith.addi %add3A_501, %add3A_542 : i32
      %dma_start3A_544 = arith.constant 512 : i32
      %dma_start3A_545 = tpu.memref_slice %arg7[%dma_start3A_544] : memref<1024xf32, #tpu.memory_space<vmem>> -> memref<128xf32, #tpu.memory_space<vmem>>
      %dma_start3A_546 = tpu.memref_slice %arg4[%add3A_543] : memref<819200xf32, #tpu.memory_space<hbm>> -> memref<128xf32, #tpu.memory_space<hbm>>
      %dma_start3A_547 = tpu.memref_slice %arg4[%add3A_543] : memref<819200xf32, #tpu.memory_space<hbm>> -> memref<128xf32, #tpu.memory_space<hbm>>
      %dma_start3A_548 = arith.constant 512 : i32
      %dma_start3A_549 = tpu.memref_slice %arg7[%dma_start3A_548] : memref<1024xf32, #tpu.memory_space<vmem>> -> memref<128xf32, #tpu.memory_space<vmem>>
      tpu.enqueue_dma source(%dma_start3A_549 : memref<128xf32, #tpu.memory_space<vmem>>) target(%dma_start3A_547 : memref<128xf32, #tpu.memory_space<hbm>>) target_semaphore(%arg9 : memref<!tpu.dma_semaphore, #tpu.memory_space<semaphore_mem>>)
      %add3A_550 = arith.constant 20480 : i32
      %add3A_551 = arith.addi %add3A_501, %add3A_550 : i32
      %dma_start3A_552 = arith.constant 640 : i32
      %dma_start3A_553 = tpu.memref_slice %arg7[%dma_start3A_552] : memref<1024xf32, #tpu.memory_space<vmem>> -> memref<128xf32, #tpu.memory_space<vmem>>
      %dma_start3A_554 = tpu.memref_slice %arg4[%add3A_551] : memref<819200xf32, #tpu.memory_space<hbm>> -> memref<128xf32, #tpu.memory_space<hbm>>
      %dma_start3A_555 = tpu.memref_slice %arg4[%add3A_551] : memref<819200xf32, #tpu.memory_space<hbm>> -> memref<128xf32, #tpu.memory_space<hbm>>
      %dma_start3A_556 = arith.constant 640 : i32
      %dma_start3A_557 = tpu.memref_slice %arg7[%dma_start3A_556] : memref<1024xf32, #tpu.memory_space<vmem>> -> memref<128xf32, #tpu.memory_space<vmem>>
      tpu.enqueue_dma source(%dma_start3A_557 : memref<128xf32, #tpu.memory_space<vmem>>) target(%dma_start3A_555 : memref<128xf32, #tpu.memory_space<hbm>>) target_semaphore(%arg9 : memref<!tpu.dma_semaphore, #tpu.memory_space<semaphore_mem>>)
      %add3A_558 = arith.constant 24576 : i32
      %add3A_559 = arith.addi %add3A_501, %add3A_558 : i32
      %dma_start3A_560 = arith.constant 768 : i32
      %dma_start3A_561 = tpu.memref_slice %arg7[%dma_start3A_560] : memref<1024xf32, #tpu.memory_space<vmem>> -> memref<128xf32, #tpu.memory_space<vmem>>
      %dma_start3A_562 = tpu.memref_slice %arg4[%add3A_559] : memref<819200xf32, #tpu.memory_space<hbm>> -> memref<128xf32, #tpu.memory_space<hbm>>
      %dma_start3A_563 = tpu.memref_slice %arg4[%add3A_559] : memref<819200xf32, #tpu.memory_space<hbm>> -> memref<128xf32, #tpu.memory_space<hbm>>
      %dma_start3A_564 = arith.constant 768 : i32
      %dma_start3A_565 = tpu.memref_slice %arg7[%dma_start3A_564] : memref<1024xf32, #tpu.memory_space<vmem>> -> memref<128xf32, #tpu.memory_space<vmem>>
      tpu.enqueue_dma source(%dma_start3A_565 : memref<128xf32, #tpu.memory_space<vmem>>) target(%dma_start3A_563 : memref<128xf32, #tpu.memory_space<hbm>>) target_semaphore(%arg9 : memref<!tpu.dma_semaphore, #tpu.memory_space<semaphore_mem>>)
      %add3A_566 = arith.constant 28672 : i32
      %add3A_567 = arith.addi %add3A_501, %add3A_566 : i32
      %dma_start3A_568 = arith.constant 896 : i32
      %dma_start3A_569 = tpu.memref_slice %arg7[%dma_start3A_568] : memref<1024xf32, #tpu.memory_space<vmem>> -> memref<128xf32, #tpu.memory_space<vmem>>
      %dma_start3A_570 = tpu.memref_slice %arg4[%add3A_567] : memref<819200xf32, #tpu.memory_space<hbm>> -> memref<128xf32, #tpu.memory_space<hbm>>
      %dma_start3A_571 = tpu.memref_slice %arg4[%add3A_567] : memref<819200xf32, #tpu.memory_space<hbm>> -> memref<128xf32, #tpu.memory_space<hbm>>
      %dma_start3A_572 = arith.constant 896 : i32
      %dma_start3A_573 = tpu.memref_slice %arg7[%dma_start3A_572] : memref<1024xf32, #tpu.memory_space<vmem>> -> memref<128xf32, #tpu.memory_space<vmem>>
      tpu.enqueue_dma source(%dma_start3A_573 : memref<128xf32, #tpu.memory_space<vmem>>) target(%dma_start3A_571 : memref<128xf32, #tpu.memory_space<hbm>>) target_semaphore(%arg9 : memref<!tpu.dma_semaphore, #tpu.memory_space<semaphore_mem>>)
      %mul3A_574 = arith.constant 5 : i32
      %mul3A_575 = arith.muli %scan3A_135, %mul3A_574 : i32
      %add3A_576 = arith.constant 3 : i32
      %add3A_577 = arith.addi %mul3A_575, %add3A_576 : i32
      %mul3A_578 = arith.constant 200 : i32
      %mul3A_579 = arith.muli %add3A, %mul3A_578 : i32
      %mul3A_580 = arith.constant 8 : i32
      %mul3A_581 = arith.muli %add3A_577, %mul3A_580 : i32
      %add3A_582 = arith.addi %mul3A_579, %mul3A_581 : i32
      %jit3A_583 = arith.constant 256 : i32
      %div3A_584 = arith.divsi %add3A_582, %jit3A_583 : i32
      %sign3A_585 = arith.constant 0 : i32
      %sign3A_586 = arith.cmpi sgt, %add3A_582, %sign3A_585 : i32
      %sign3A_587 = arith.extui %sign3A_586 : i1 to i32
      %sign3A_588 = arith.constant 0 : i32
      %sign3A_589 = arith.cmpi slt, %add3A_582, %sign3A_588 : i32
      %sign3A_590 = arith.extui %sign3A_589 : i1 to i32
      %sign3A_591 = arith.subi %sign3A_587, %sign3A_590 : i32
      %sign3A_592 = arith.constant 0 : i32
      %sign3A_593 = arith.cmpi sgt, %jit3A_583, %sign3A_592 : i32
      %sign3A_594 = arith.extui %sign3A_593 : i1 to i32
      %sign3A_595 = arith.constant 0 : i32
      %sign3A_596 = arith.cmpi slt, %jit3A_583, %sign3A_595 : i32
      %sign3A_597 = arith.extui %sign3A_596 : i1 to i32
      %sign3A_598 = arith.subi %sign3A_594, %sign3A_597 : i32
      %ne3A_599 = arith.cmpi ne, %sign3A_591, %sign3A_598 : i32
      %rem3A_600 = arith.remsi %add3A_582, %jit3A_583 : i32
      %ne3A_601 = arith.constant 0 : i32
      %ne3A_602 = arith.cmpi ne, %rem3A_600, %ne3A_601 : i32
      %and3A_603 = arith.andi %ne3A_599, %ne3A_602 : i1
      %sub3A_604 = arith.constant 1 : i32
      %sub3A_605 = arith.subi %div3A_584, %sub3A_604 : i32
      %select_n3A_606 = arith.select %and3A_603, %sub3A_605, %div3A_584 : i32
      %jit3A_607 = arith.constant 8 : i32
      %div3A_608 = arith.divsi %add3A_582, %jit3A_607 : i32
      %sign3A_609 = arith.constant 0 : i32
      %sign3A_610 = arith.cmpi sgt, %add3A_582, %sign3A_609 : i32
      %sign3A_611 = arith.extui %sign3A_610 : i1 to i32
      %sign3A_612 = arith.constant 0 : i32
      %sign3A_613 = arith.cmpi slt, %add3A_582, %sign3A_612 : i32
      %sign3A_614 = arith.extui %sign3A_613 : i1 to i32
      %sign3A_615 = arith.subi %sign3A_611, %sign3A_614 : i32
      %sign3A_616 = arith.constant 0 : i32
      %sign3A_617 = arith.cmpi sgt, %jit3A_607, %sign3A_616 : i32
      %sign3A_618 = arith.extui %sign3A_617 : i1 to i32
      %sign3A_619 = arith.constant 0 : i32
      %sign3A_620 = arith.cmpi slt, %jit3A_607, %sign3A_619 : i32
      %sign3A_621 = arith.extui %sign3A_620 : i1 to i32
      %sign3A_622 = arith.subi %sign3A_618, %sign3A_621 : i32
      %ne3A_623 = arith.cmpi ne, %sign3A_615, %sign3A_622 : i32
      %rem3A_624 = arith.remsi %add3A_582, %jit3A_607 : i32
      %ne3A_625 = arith.constant 0 : i32
      %ne3A_626 = arith.cmpi ne, %rem3A_624, %ne3A_625 : i32
      %and3A_627 = arith.andi %ne3A_623, %ne3A_626 : i1
      %sub3A_628 = arith.constant 1 : i32
      %sub3A_629 = arith.subi %div3A_608, %sub3A_628 : i32
      %select_n3A_630 = arith.select %and3A_627, %sub3A_629, %div3A_608 : i32
      %jit3A_631 = arith.constant 32 : i32
      %eq3A_632 = arith.constant 0 : i32
      %eq3A_633 = arith.cmpi eq, %jit3A_631, %eq3A_632 : i32
      %jit3A_634 = arith.constant 1 : i32
      %select_n3A_635 = arith.select %eq3A_633, %jit3A_634, %jit3A_631 : i32
      %rem3A_636 = arith.remsi %select_n3A_630, %select_n3A_635 : i32
      %ne3A_637 = arith.constant 0 : i32
      %ne3A_638 = arith.cmpi ne, %rem3A_636, %ne3A_637 : i32
      %lt3A_639 = arith.constant 0 : i32
      %lt3A_640 = arith.cmpi slt, %rem3A_636, %lt3A_639 : i32
      %lt3A_641 = arith.constant 0 : i32
      %lt3A_642 = arith.cmpi slt, %select_n3A_635, %lt3A_641 : i32
      %ne3A_643 = arith.xori %lt3A_640, %lt3A_642 : i1
      %and3A_644 = arith.andi %ne3A_643, %ne3A_638 : i1
      %add3A_645 = arith.addi %rem3A_636, %select_n3A_635 : i32
      %select_n3A_646 = arith.select %and3A_644, %add3A_645, %rem3A_636 : i32
      %mul3A_647 = arith.constant 32768 : i32
      %mul3A_648 = arith.muli %select_n3A_606, %mul3A_647 : i32
      %mul3A_649 = arith.constant 128 : i32
      %mul3A_650 = arith.muli %select_n3A_646, %mul3A_649 : i32
      %add3A_651 = arith.addi %mul3A_648, %mul3A_650 : i32
      %ge3A_652 = arith.constant 2 : i32
      %ge3A_653 = arith.cmpi sge, %add3A_577, %ge3A_652 : i32
      %convert_element_type3A_654 = arith.extui %ge3A_653 : i1 to i32
      %cond3A_655 = arith.constant 0 : i32
      %cond3A_656 = arith.cmpi ne, %convert_element_type3A_654, %cond3A_655 : i32
      scf.if %cond3A_656 {
        %dma_wait3A_874 = arith.constant 0 : i32
        %dma_wait3A_875 = tpu.memref_slice %arg8[%dma_wait3A_874] : memref<1024xf32, #tpu.memory_space<vmem>> -> memref<128xf32, #tpu.memory_space<vmem>>
        %dma_wait3A_876 = arith.constant 0 : i32
        %dma_wait3A_877 = tpu.memref_slice %arg4[%dma_wait3A_876] : memref<819200xf32, #tpu.memory_space<hbm>> -> memref<128xf32, #tpu.memory_space<hbm>>
        %dma_wait3A_878 = arith.constant 0 : i32
        %dma_wait3A_879 = tpu.memref_slice %arg4[%dma_wait3A_878] : memref<819200xf32, #tpu.memory_space<hbm>> -> memref<128xf32, #tpu.memory_space<hbm>>
        %dma_wait3A_880 = arith.constant 0 : i32
        %dma_wait3A_881 = tpu.memref_slice %arg8[%dma_wait3A_880] : memref<1024xf32, #tpu.memory_space<vmem>> -> memref<128xf32, #tpu.memory_space<vmem>>
        tpu.wait_dma2 semaphore(%arg10 : memref<!tpu.dma_semaphore, #tpu.memory_space<semaphore_mem>>) src(%dma_wait3A_881 : memref<128xf32, #tpu.memory_space<vmem>>) dst(%dma_wait3A_879 : memref<128xf32, #tpu.memory_space<hbm>>)
        %dma_wait3A_882 = arith.constant 128 : i32
        %dma_wait3A_883 = tpu.memref_slice %arg8[%dma_wait3A_882] : memref<1024xf32, #tpu.memory_space<vmem>> -> memref<128xf32, #tpu.memory_space<vmem>>
        %dma_wait3A_884 = arith.constant 128 : i32
        %dma_wait3A_885 = tpu.memref_slice %arg4[%dma_wait3A_884] : memref<819200xf32, #tpu.memory_space<hbm>> -> memref<128xf32, #tpu.memory_space<hbm>>
        %dma_wait3A_886 = arith.constant 128 : i32
        %dma_wait3A_887 = tpu.memref_slice %arg4[%dma_wait3A_886] : memref<819200xf32, #tpu.memory_space<hbm>> -> memref<128xf32, #tpu.memory_space<hbm>>
        %dma_wait3A_888 = arith.constant 128 : i32
        %dma_wait3A_889 = tpu.memref_slice %arg8[%dma_wait3A_888] : memref<1024xf32, #tpu.memory_space<vmem>> -> memref<128xf32, #tpu.memory_space<vmem>>
        tpu.wait_dma2 semaphore(%arg10 : memref<!tpu.dma_semaphore, #tpu.memory_space<semaphore_mem>>) src(%dma_wait3A_889 : memref<128xf32, #tpu.memory_space<vmem>>) dst(%dma_wait3A_887 : memref<128xf32, #tpu.memory_space<hbm>>)
        %dma_wait3A_890 = arith.constant 256 : i32
        %dma_wait3A_891 = tpu.memref_slice %arg8[%dma_wait3A_890] : memref<1024xf32, #tpu.memory_space<vmem>> -> memref<128xf32, #tpu.memory_space<vmem>>
        %dma_wait3A_892 = arith.constant 256 : i32
        %dma_wait3A_893 = tpu.memref_slice %arg4[%dma_wait3A_892] : memref<819200xf32, #tpu.memory_space<hbm>> -> memref<128xf32, #tpu.memory_space<hbm>>
        %dma_wait3A_894 = arith.constant 256 : i32
        %dma_wait3A_895 = tpu.memref_slice %arg4[%dma_wait3A_894] : memref<819200xf32, #tpu.memory_space<hbm>> -> memref<128xf32, #tpu.memory_space<hbm>>
        %dma_wait3A_896 = arith.constant 256 : i32
        %dma_wait3A_897 = tpu.memref_slice %arg8[%dma_wait3A_896] : memref<1024xf32, #tpu.memory_space<vmem>> -> memref<128xf32, #tpu.memory_space<vmem>>
        tpu.wait_dma2 semaphore(%arg10 : memref<!tpu.dma_semaphore, #tpu.memory_space<semaphore_mem>>) src(%dma_wait3A_897 : memref<128xf32, #tpu.memory_space<vmem>>) dst(%dma_wait3A_895 : memref<128xf32, #tpu.memory_space<hbm>>)
        %dma_wait3A_898 = arith.constant 384 : i32
        %dma_wait3A_899 = tpu.memref_slice %arg8[%dma_wait3A_898] : memref<1024xf32, #tpu.memory_space<vmem>> -> memref<128xf32, #tpu.memory_space<vmem>>
        %dma_wait3A_900 = arith.constant 384 : i32
        %dma_wait3A_901 = tpu.memref_slice %arg4[%dma_wait3A_900] : memref<819200xf32, #tpu.memory_space<hbm>> -> memref<128xf32, #tpu.memory_space<hbm>>
        %dma_wait3A_902 = arith.constant 384 : i32
        %dma_wait3A_903 = tpu.memref_slice %arg4[%dma_wait3A_902] : memref<819200xf32, #tpu.memory_space<hbm>> -> memref<128xf32, #tpu.memory_space<hbm>>
        %dma_wait3A_904 = arith.constant 384 : i32
        %dma_wait3A_905 = tpu.memref_slice %arg8[%dma_wait3A_904] : memref<1024xf32, #tpu.memory_space<vmem>> -> memref<128xf32, #tpu.memory_space<vmem>>
        tpu.wait_dma2 semaphore(%arg10 : memref<!tpu.dma_semaphore, #tpu.memory_space<semaphore_mem>>) src(%dma_wait3A_905 : memref<128xf32, #tpu.memory_space<vmem>>) dst(%dma_wait3A_903 : memref<128xf32, #tpu.memory_space<hbm>>)
        %dma_wait3A_906 = arith.constant 512 : i32
        %dma_wait3A_907 = tpu.memref_slice %arg8[%dma_wait3A_906] : memref<1024xf32, #tpu.memory_space<vmem>> -> memref<128xf32, #tpu.memory_space<vmem>>
        %dma_wait3A_908 = arith.constant 512 : i32
        %dma_wait3A_909 = tpu.memref_slice %arg4[%dma_wait3A_908] : memref<819200xf32, #tpu.memory_space<hbm>> -> memref<128xf32, #tpu.memory_space<hbm>>
        %dma_wait3A_910 = arith.constant 512 : i32
        %dma_wait3A_911 = tpu.memref_slice %arg4[%dma_wait3A_910] : memref<819200xf32, #tpu.memory_space<hbm>> -> memref<128xf32, #tpu.memory_space<hbm>>
        %dma_wait3A_912 = arith.constant 512 : i32
        %dma_wait3A_913 = tpu.memref_slice %arg8[%dma_wait3A_912] : memref<1024xf32, #tpu.memory_space<vmem>> -> memref<128xf32, #tpu.memory_space<vmem>>
        tpu.wait_dma2 semaphore(%arg10 : memref<!tpu.dma_semaphore, #tpu.memory_space<semaphore_mem>>) src(%dma_wait3A_913 : memref<128xf32, #tpu.memory_space<vmem>>) dst(%dma_wait3A_911 : memref<128xf32, #tpu.memory_space<hbm>>)
        %dma_wait3A_914 = arith.constant 640 : i32
        %dma_wait3A_915 = tpu.memref_slice %arg8[%dma_wait3A_914] : memref<1024xf32, #tpu.memory_space<vmem>> -> memref<128xf32, #tpu.memory_space<vmem>>
        %dma_wait3A_916 = arith.constant 640 : i32
        %dma_wait3A_917 = tpu.memref_slice %arg4[%dma_wait3A_916] : memref<819200xf32, #tpu.memory_space<hbm>> -> memref<128xf32, #tpu.memory_space<hbm>>
        %dma_wait3A_918 = arith.constant 640 : i32
        %dma_wait3A_919 = tpu.memref_slice %arg4[%dma_wait3A_918] : memref<819200xf32, #tpu.memory_space<hbm>> -> memref<128xf32, #tpu.memory_space<hbm>>
        %dma_wait3A_920 = arith.constant 640 : i32
        %dma_wait3A_921 = tpu.memref_slice %arg8[%dma_wait3A_920] : memref<1024xf32, #tpu.memory_space<vmem>> -> memref<128xf32, #tpu.memory_space<vmem>>
        tpu.wait_dma2 semaphore(%arg10 : memref<!tpu.dma_semaphore, #tpu.memory_space<semaphore_mem>>) src(%dma_wait3A_921 : memref<128xf32, #tpu.memory_space<vmem>>) dst(%dma_wait3A_919 : memref<128xf32, #tpu.memory_space<hbm>>)
        %dma_wait3A_922 = arith.constant 768 : i32
        %dma_wait3A_923 = tpu.memref_slice %arg8[%dma_wait3A_922] : memref<1024xf32, #tpu.memory_space<vmem>> -> memref<128xf32, #tpu.memory_space<vmem>>
        %dma_wait3A_924 = arith.constant 768 : i32
        %dma_wait3A_925 = tpu.memref_slice %arg4[%dma_wait3A_924] : memref<819200xf32, #tpu.memory_space<hbm>> -> memref<128xf32, #tpu.memory_space<hbm>>
        %dma_wait3A_926 = arith.constant 768 : i32
        %dma_wait3A_927 = tpu.memref_slice %arg4[%dma_wait3A_926] : memref<819200xf32, #tpu.memory_space<hbm>> -> memref<128xf32, #tpu.memory_space<hbm>>
        %dma_wait3A_928 = arith.constant 768 : i32
        %dma_wait3A_929 = tpu.memref_slice %arg8[%dma_wait3A_928] : memref<1024xf32, #tpu.memory_space<vmem>> -> memref<128xf32, #tpu.memory_space<vmem>>
        tpu.wait_dma2 semaphore(%arg10 : memref<!tpu.dma_semaphore, #tpu.memory_space<semaphore_mem>>) src(%dma_wait3A_929 : memref<128xf32, #tpu.memory_space<vmem>>) dst(%dma_wait3A_927 : memref<128xf32, #tpu.memory_space<hbm>>)
        %dma_wait3A_930 = arith.constant 896 : i32
        %dma_wait3A_931 = tpu.memref_slice %arg8[%dma_wait3A_930] : memref<1024xf32, #tpu.memory_space<vmem>> -> memref<128xf32, #tpu.memory_space<vmem>>
        %dma_wait3A_932 = arith.constant 896 : i32
        %dma_wait3A_933 = tpu.memref_slice %arg4[%dma_wait3A_932] : memref<819200xf32, #tpu.memory_space<hbm>> -> memref<128xf32, #tpu.memory_space<hbm>>
        %dma_wait3A_934 = arith.constant 896 : i32
        %dma_wait3A_935 = tpu.memref_slice %arg4[%dma_wait3A_934] : memref<819200xf32, #tpu.memory_space<hbm>> -> memref<128xf32, #tpu.memory_space<hbm>>
        %dma_wait3A_936 = arith.constant 896 : i32
        %dma_wait3A_937 = tpu.memref_slice %arg8[%dma_wait3A_936] : memref<1024xf32, #tpu.memory_space<vmem>> -> memref<128xf32, #tpu.memory_space<vmem>>
        tpu.wait_dma2 semaphore(%arg10 : memref<!tpu.dma_semaphore, #tpu.memory_space<semaphore_mem>>) src(%dma_wait3A_937 : memref<128xf32, #tpu.memory_space<vmem>>) dst(%dma_wait3A_935 : memref<128xf32, #tpu.memory_space<hbm>>)
      } else {
      }
      %parallel_loop3A_657 = arith.constant 0 : i32
      %parallel_loop3A_658 = arith.constant 8 : i32
      %parallel_loop3A_659 = arith.constant 1 : i32
      scf.for %parallel_loop3A_874 = %parallel_loop3A_657 to %parallel_loop3A_658 step %parallel_loop3A_659  : i32 {
        %parallel_loop3A_875 = arith.constant 128 : i32
        %parallel_loop3A_876 = arith.muli %parallel_loop3A_874, %parallel_loop3A_875 : i32
        %parallel_loop3A_877 = arith.constant 3072 : i32
        %parallel_loop3A_878 = arith.addi %parallel_loop3A_877, %parallel_loop3A_876 : i32
        %parallel_loop3A_879 = arith.constant 0 : i32
        %parallel_loop3A_880 = arith.addi %parallel_loop3A_878, %parallel_loop3A_879 : i32
        %parallel_loop3A_881 = arith.index_cast %parallel_loop3A_880 : i32 to index
        %parallel_loop3A_882 = tpu.vector_load %arg6[%parallel_loop3A_881] {strides = array<i32>} : memref<5120xi32, #tpu.memory_space<vmem>>, vector<16xi32>,
        %parallel_loop3A_883 = tpu.vector_load_idx %arg5[%parallel_loop3A_882] : memref<100000xf32, #tpu.memory_space<vmem>>[vector<16xi32>], vector<16xf32>,
        %parallel_loop3A_884 = arith.constant 128 : i32
        %parallel_loop3A_885 = arith.muli %parallel_loop3A_874, %parallel_loop3A_884 : i32
        %parallel_loop3A_886 = arith.constant 0 : i32
        %parallel_loop3A_887 = arith.addi %parallel_loop3A_885, %parallel_loop3A_886 : i32
        %parallel_loop3A_888 = arith.index_cast %parallel_loop3A_887 : i32 to index
        %parallel_loop3A_889 = tpu.vector_load %arg8[%parallel_loop3A_888] {strides = array<i32>} : memref<1024xf32, #tpu.memory_space<vmem>>, vector<16xf32>,
        tpu.vector_store %arg8[%parallel_loop3A_888], %parallel_loop3A_883 {strides = array<i32>} : memref<1024xf32, #tpu.memory_space<vmem>>, vector<16xf32>,
        %parallel_loop3A_890 = arith.constant 128 : i32
        %parallel_loop3A_891 = arith.muli %parallel_loop3A_874, %parallel_loop3A_890 : i32
        %parallel_loop3A_892 = arith.constant 3072 : i32
        %parallel_loop3A_893 = arith.addi %parallel_loop3A_892, %parallel_loop3A_891 : i32
        %parallel_loop3A_894 = arith.constant 16 : i32
        %parallel_loop3A_895 = arith.addi %parallel_loop3A_893, %parallel_loop3A_894 : i32
        %parallel_loop3A_896 = arith.index_cast %parallel_loop3A_895 : i32 to index
        %parallel_loop3A_897 = tpu.vector_load %arg6[%parallel_loop3A_896] {strides = array<i32>} : memref<5120xi32, #tpu.memory_space<vmem>>, vector<16xi32>,
        %parallel_loop3A_898 = tpu.vector_load_idx %arg5[%parallel_loop3A_897] : memref<100000xf32, #tpu.memory_space<vmem>>[vector<16xi32>], vector<16xf32>,
        %parallel_loop3A_899 = arith.constant 128 : i32
        %parallel_loop3A_900 = arith.muli %parallel_loop3A_874, %parallel_loop3A_899 : i32
        %parallel_loop3A_901 = arith.constant 16 : i32
        %parallel_loop3A_902 = arith.addi %parallel_loop3A_900, %parallel_loop3A_901 : i32
        %parallel_loop3A_903 = arith.index_cast %parallel_loop3A_902 : i32 to index
        %parallel_loop3A_904 = tpu.vector_load %arg8[%parallel_loop3A_903] {strides = array<i32>} : memref<1024xf32, #tpu.memory_space<vmem>>, vector<16xf32>,
        tpu.vector_store %arg8[%parallel_loop3A_903], %parallel_loop3A_898 {strides = array<i32>} : memref<1024xf32, #tpu.memory_space<vmem>>, vector<16xf32>,
        %parallel_loop3A_905 = arith.constant 128 : i32
        %parallel_loop3A_906 = arith.muli %parallel_loop3A_874, %parallel_loop3A_905 : i32
        %parallel_loop3A_907 = arith.constant 3072 : i32
        %parallel_loop3A_908 = arith.addi %parallel_loop3A_907, %parallel_loop3A_906 : i32
        %parallel_loop3A_909 = arith.constant 32 : i32
        %parallel_loop3A_910 = arith.addi %parallel_loop3A_908, %parallel_loop3A_909 : i32
        %parallel_loop3A_911 = arith.index_cast %parallel_loop3A_910 : i32 to index
        %parallel_loop3A_912 = tpu.vector_load %arg6[%parallel_loop3A_911] {strides = array<i32>} : memref<5120xi32, #tpu.memory_space<vmem>>, vector<16xi32>,
        %parallel_loop3A_913 = tpu.vector_load_idx %arg5[%parallel_loop3A_912] : memref<100000xf32, #tpu.memory_space<vmem>>[vector<16xi32>], vector<16xf32>,
        %parallel_loop3A_914 = arith.constant 128 : i32
        %parallel_loop3A_915 = arith.muli %parallel_loop3A_874, %parallel_loop3A_914 : i32
        %parallel_loop3A_916 = arith.constant 32 : i32
        %parallel_loop3A_917 = arith.addi %parallel_loop3A_915, %parallel_loop3A_916 : i32
        %parallel_loop3A_918 = arith.index_cast %parallel_loop3A_917 : i32 to index
        %parallel_loop3A_919 = tpu.vector_load %arg8[%parallel_loop3A_918] {strides = array<i32>} : memref<1024xf32, #tpu.memory_space<vmem>>, vector<16xf32>,
        tpu.vector_store %arg8[%parallel_loop3A_918], %parallel_loop3A_913 {strides = array<i32>} : memref<1024xf32, #tpu.memory_space<vmem>>, vector<16xf32>,
        %parallel_loop3A_920 = arith.constant 128 : i32
        %parallel_loop3A_921 = arith.muli %parallel_loop3A_874, %parallel_loop3A_920 : i32
        %parallel_loop3A_922 = arith.constant 3072 : i32
        %parallel_loop3A_923 = arith.addi %parallel_loop3A_922, %parallel_loop3A_921 : i32
        %parallel_loop3A_924 = arith.constant 48 : i32
        %parallel_loop3A_925 = arith.addi %parallel_loop3A_923, %parallel_loop3A_924 : i32
        %parallel_loop3A_926 = arith.index_cast %parallel_loop3A_925 : i32 to index
        %parallel_loop3A_927 = tpu.vector_load %arg6[%parallel_loop3A_926] {strides = array<i32>} : memref<5120xi32, #tpu.memory_space<vmem>>, vector<16xi32>,
        %parallel_loop3A_928 = tpu.vector_load_idx %arg5[%parallel_loop3A_927] : memref<100000xf32, #tpu.memory_space<vmem>>[vector<16xi32>], vector<16xf32>,
        %parallel_loop3A_929 = arith.constant 128 : i32
        %parallel_loop3A_930 = arith.muli %parallel_loop3A_874, %parallel_loop3A_929 : i32
        %parallel_loop3A_931 = arith.constant 48 : i32
        %parallel_loop3A_932 = arith.addi %parallel_loop3A_930, %parallel_loop3A_931 : i32
        %parallel_loop3A_933 = arith.index_cast %parallel_loop3A_932 : i32 to index
        %parallel_loop3A_934 = tpu.vector_load %arg8[%parallel_loop3A_933] {strides = array<i32>} : memref<1024xf32, #tpu.memory_space<vmem>>, vector<16xf32>,
        tpu.vector_store %arg8[%parallel_loop3A_933], %parallel_loop3A_928 {strides = array<i32>} : memref<1024xf32, #tpu.memory_space<vmem>>, vector<16xf32>,
        %parallel_loop3A_935 = arith.constant 128 : i32
        %parallel_loop3A_936 = arith.muli %parallel_loop3A_874, %parallel_loop3A_935 : i32
        %parallel_loop3A_937 = arith.constant 3072 : i32
        %parallel_loop3A_938 = arith.addi %parallel_loop3A_937, %parallel_loop3A_936 : i32
        %parallel_loop3A_939 = arith.constant 64 : i32
        %parallel_loop3A_940 = arith.addi %parallel_loop3A_938, %parallel_loop3A_939 : i32
        %parallel_loop3A_941 = arith.index_cast %parallel_loop3A_940 : i32 to index
        %parallel_loop3A_942 = tpu.vector_load %arg6[%parallel_loop3A_941] {strides = array<i32>} : memref<5120xi32, #tpu.memory_space<vmem>>, vector<16xi32>,
        %parallel_loop3A_943 = tpu.vector_load_idx %arg5[%parallel_loop3A_942] : memref<100000xf32, #tpu.memory_space<vmem>>[vector<16xi32>], vector<16xf32>,
        %parallel_loop3A_944 = arith.constant 128 : i32
        %parallel_loop3A_945 = arith.muli %parallel_loop3A_874, %parallel_loop3A_944 : i32
        %parallel_loop3A_946 = arith.constant 64 : i32
        %parallel_loop3A_947 = arith.addi %parallel_loop3A_945, %parallel_loop3A_946 : i32
        %parallel_loop3A_948 = arith.index_cast %parallel_loop3A_947 : i32 to index
        %parallel_loop3A_949 = tpu.vector_load %arg8[%parallel_loop3A_948] {strides = array<i32>} : memref<1024xf32, #tpu.memory_space<vmem>>, vector<16xf32>,
        tpu.vector_store %arg8[%parallel_loop3A_948], %parallel_loop3A_943 {strides = array<i32>} : memref<1024xf32, #tpu.memory_space<vmem>>, vector<16xf32>,
        %parallel_loop3A_950 = arith.constant 128 : i32
        %parallel_loop3A_951 = arith.muli %parallel_loop3A_874, %parallel_loop3A_950 : i32
        %parallel_loop3A_952 = arith.constant 3072 : i32
        %parallel_loop3A_953 = arith.addi %parallel_loop3A_952, %parallel_loop3A_951 : i32
        %parallel_loop3A_954 = arith.constant 80 : i32
        %parallel_loop3A_955 = arith.addi %parallel_loop3A_953, %parallel_loop3A_954 : i32
        %parallel_loop3A_956 = arith.index_cast %parallel_loop3A_955 : i32 to index
        %parallel_loop3A_957 = tpu.vector_load %arg6[%parallel_loop3A_956] {strides = array<i32>} : memref<5120xi32, #tpu.memory_space<vmem>>, vector<16xi32>,
        %parallel_loop3A_958 = tpu.vector_load_idx %arg5[%parallel_loop3A_957] : memref<100000xf32, #tpu.memory_space<vmem>>[vector<16xi32>], vector<16xf32>,
        %parallel_loop3A_959 = arith.constant 128 : i32
        %parallel_loop3A_960 = arith.muli %parallel_loop3A_874, %parallel_loop3A_959 : i32
        %parallel_loop3A_961 = arith.constant 80 : i32
        %parallel_loop3A_962 = arith.addi %parallel_loop3A_960, %parallel_loop3A_961 : i32
        %parallel_loop3A_963 = arith.index_cast %parallel_loop3A_962 : i32 to index
        %parallel_loop3A_964 = tpu.vector_load %arg8[%parallel_loop3A_963] {strides = array<i32>} : memref<1024xf32, #tpu.memory_space<vmem>>, vector<16xf32>,
        tpu.vector_store %arg8[%parallel_loop3A_963], %parallel_loop3A_958 {strides = array<i32>} : memref<1024xf32, #tpu.memory_space<vmem>>, vector<16xf32>,
        %parallel_loop3A_965 = arith.constant 128 : i32
        %parallel_loop3A_966 = arith.muli %parallel_loop3A_874, %parallel_loop3A_965 : i32
        %parallel_loop3A_967 = arith.constant 3072 : i32
        %parallel_loop3A_968 = arith.addi %parallel_loop3A_967, %parallel_loop3A_966 : i32
        %parallel_loop3A_969 = arith.constant 96 : i32
        %parallel_loop3A_970 = arith.addi %parallel_loop3A_968, %parallel_loop3A_969 : i32
        %parallel_loop3A_971 = arith.index_cast %parallel_loop3A_970 : i32 to index
        %parallel_loop3A_972 = tpu.vector_load %arg6[%parallel_loop3A_971] {strides = array<i32>} : memref<5120xi32, #tpu.memory_space<vmem>>, vector<16xi32>,
        %parallel_loop3A_973 = tpu.vector_load_idx %arg5[%parallel_loop3A_972] : memref<100000xf32, #tpu.memory_space<vmem>>[vector<16xi32>], vector<16xf32>,
        %parallel_loop3A_974 = arith.constant 128 : i32
        %parallel_loop3A_975 = arith.muli %parallel_loop3A_874, %parallel_loop3A_974 : i32
        %parallel_loop3A_976 = arith.constant 96 : i32
        %parallel_loop3A_977 = arith.addi %parallel_loop3A_975, %parallel_loop3A_976 : i32
        %parallel_loop3A_978 = arith.index_cast %parallel_loop3A_977 : i32 to index
        %parallel_loop3A_979 = tpu.vector_load %arg8[%parallel_loop3A_978] {strides = array<i32>} : memref<1024xf32, #tpu.memory_space<vmem>>, vector<16xf32>,
        tpu.vector_store %arg8[%parallel_loop3A_978], %parallel_loop3A_973 {strides = array<i32>} : memref<1024xf32, #tpu.memory_space<vmem>>, vector<16xf32>,
        %parallel_loop3A_980 = arith.constant 128 : i32
        %parallel_loop3A_981 = arith.muli %parallel_loop3A_874, %parallel_loop3A_980 : i32
        %parallel_loop3A_982 = arith.constant 3072 : i32
        %parallel_loop3A_983 = arith.addi %parallel_loop3A_982, %parallel_loop3A_981 : i32
        %parallel_loop3A_984 = arith.constant 112 : i32
        %parallel_loop3A_985 = arith.addi %parallel_loop3A_983, %parallel_loop3A_984 : i32
        %parallel_loop3A_986 = arith.index_cast %parallel_loop3A_985 : i32 to index
        %parallel_loop3A_987 = tpu.vector_load %arg6[%parallel_loop3A_986] {strides = array<i32>} : memref<5120xi32, #tpu.memory_space<vmem>>, vector<16xi32>,
        %parallel_loop3A_988 = tpu.vector_load_idx %arg5[%parallel_loop3A_987] : memref<100000xf32, #tpu.memory_space<vmem>>[vector<16xi32>], vector<16xf32>,
        %parallel_loop3A_989 = arith.constant 128 : i32
        %parallel_loop3A_990 = arith.muli %parallel_loop3A_874, %parallel_loop3A_989 : i32
        %parallel_loop3A_991 = arith.constant 112 : i32
        %parallel_loop3A_992 = arith.addi %parallel_loop3A_990, %parallel_loop3A_991 : i32
        %parallel_loop3A_993 = arith.index_cast %parallel_loop3A_992 : i32 to index
        %parallel_loop3A_994 = tpu.vector_load %arg8[%parallel_loop3A_993] {strides = array<i32>} : memref<1024xf32, #tpu.memory_space<vmem>>, vector<16xf32>,
        tpu.vector_store %arg8[%parallel_loop3A_993], %parallel_loop3A_988 {strides = array<i32>} : memref<1024xf32, #tpu.memory_space<vmem>>, vector<16xf32>,
      } {sc.loop_unroll_factor = 4 : i64, sc.parallel_access}
      %add3A_660 = arith.constant 0 : i32
      %add3A_661 = arith.addi %add3A_651, %add3A_660 : i32
      %dma_start3A_662 = arith.constant 0 : i32
      %dma_start3A_663 = tpu.memref_slice %arg8[%dma_start3A_662] : memref<1024xf32, #tpu.memory_space<vmem>> -> memref<128xf32, #tpu.memory_space<vmem>>
      %dma_start3A_664 = tpu.memref_slice %arg4[%add3A_661] : memref<819200xf32, #tpu.memory_space<hbm>> -> memref<128xf32, #tpu.memory_space<hbm>>
      %dma_start3A_665 = tpu.memref_slice %arg4[%add3A_661] : memref<819200xf32, #tpu.memory_space<hbm>> -> memref<128xf32, #tpu.memory_space<hbm>>
      %dma_start3A_666 = arith.constant 0 : i32
      %dma_start3A_667 = tpu.memref_slice %arg8[%dma_start3A_666] : memref<1024xf32, #tpu.memory_space<vmem>> -> memref<128xf32, #tpu.memory_space<vmem>>
      tpu.enqueue_dma source(%dma_start3A_667 : memref<128xf32, #tpu.memory_space<vmem>>) target(%dma_start3A_665 : memref<128xf32, #tpu.memory_space<hbm>>) target_semaphore(%arg10 : memref<!tpu.dma_semaphore, #tpu.memory_space<semaphore_mem>>)
      %add3A_668 = arith.constant 4096 : i32
      %add3A_669 = arith.addi %add3A_651, %add3A_668 : i32
      %dma_start3A_670 = arith.constant 128 : i32
      %dma_start3A_671 = tpu.memref_slice %arg8[%dma_start3A_670] : memref<1024xf32, #tpu.memory_space<vmem>> -> memref<128xf32, #tpu.memory_space<vmem>>
      %dma_start3A_672 = tpu.memref_slice %arg4[%add3A_669] : memref<819200xf32, #tpu.memory_space<hbm>> -> memref<128xf32, #tpu.memory_space<hbm>>
      %dma_start3A_673 = tpu.memref_slice %arg4[%add3A_669] : memref<819200xf32, #tpu.memory_space<hbm>> -> memref<128xf32, #tpu.memory_space<hbm>>
      %dma_start3A_674 = arith.constant 128 : i32
      %dma_start3A_675 = tpu.memref_slice %arg8[%dma_start3A_674] : memref<1024xf32, #tpu.memory_space<vmem>> -> memref<128xf32, #tpu.memory_space<vmem>>
      tpu.enqueue_dma source(%dma_start3A_675 : memref<128xf32, #tpu.memory_space<vmem>>) target(%dma_start3A_673 : memref<128xf32, #tpu.memory_space<hbm>>) target_semaphore(%arg10 : memref<!tpu.dma_semaphore, #tpu.memory_space<semaphore_mem>>)
      %add3A_676 = arith.constant 8192 : i32
      %add3A_677 = arith.addi %add3A_651, %add3A_676 : i32
      %dma_start3A_678 = arith.constant 256 : i32
      %dma_start3A_679 = tpu.memref_slice %arg8[%dma_start3A_678] : memref<1024xf32, #tpu.memory_space<vmem>> -> memref<128xf32, #tpu.memory_space<vmem>>
      %dma_start3A_680 = tpu.memref_slice %arg4[%add3A_677] : memref<819200xf32, #tpu.memory_space<hbm>> -> memref<128xf32, #tpu.memory_space<hbm>>
      %dma_start3A_681 = tpu.memref_slice %arg4[%add3A_677] : memref<819200xf32, #tpu.memory_space<hbm>> -> memref<128xf32, #tpu.memory_space<hbm>>
      %dma_start3A_682 = arith.constant 256 : i32
      %dma_start3A_683 = tpu.memref_slice %arg8[%dma_start3A_682] : memref<1024xf32, #tpu.memory_space<vmem>> -> memref<128xf32, #tpu.memory_space<vmem>>
      tpu.enqueue_dma source(%dma_start3A_683 : memref<128xf32, #tpu.memory_space<vmem>>) target(%dma_start3A_681 : memref<128xf32, #tpu.memory_space<hbm>>) target_semaphore(%arg10 : memref<!tpu.dma_semaphore, #tpu.memory_space<semaphore_mem>>)
      %add3A_684 = arith.constant 12288 : i32
      %add3A_685 = arith.addi %add3A_651, %add3A_684 : i32
      %dma_start3A_686 = arith.constant 384 : i32
      %dma_start3A_687 = tpu.memref_slice %arg8[%dma_start3A_686] : memref<1024xf32, #tpu.memory_space<vmem>> -> memref<128xf32, #tpu.memory_space<vmem>>
      %dma_start3A_688 = tpu.memref_slice %arg4[%add3A_685] : memref<819200xf32, #tpu.memory_space<hbm>> -> memref<128xf32, #tpu.memory_space<hbm>>
      %dma_start3A_689 = tpu.memref_slice %arg4[%add3A_685] : memref<819200xf32, #tpu.memory_space<hbm>> -> memref<128xf32, #tpu.memory_space<hbm>>
      %dma_start3A_690 = arith.constant 384 : i32
      %dma_start3A_691 = tpu.memref_slice %arg8[%dma_start3A_690] : memref<1024xf32, #tpu.memory_space<vmem>> -> memref<128xf32, #tpu.memory_space<vmem>>
      tpu.enqueue_dma source(%dma_start3A_691 : memref<128xf32, #tpu.memory_space<vmem>>) target(%dma_start3A_689 : memref<128xf32, #tpu.memory_space<hbm>>) target_semaphore(%arg10 : memref<!tpu.dma_semaphore, #tpu.memory_space<semaphore_mem>>)
      %add3A_692 = arith.constant 16384 : i32
      %add3A_693 = arith.addi %add3A_651, %add3A_692 : i32
      %dma_start3A_694 = arith.constant 512 : i32
      %dma_start3A_695 = tpu.memref_slice %arg8[%dma_start3A_694] : memref<1024xf32, #tpu.memory_space<vmem>> -> memref<128xf32, #tpu.memory_space<vmem>>
      %dma_start3A_696 = tpu.memref_slice %arg4[%add3A_693] : memref<819200xf32, #tpu.memory_space<hbm>> -> memref<128xf32, #tpu.memory_space<hbm>>
      %dma_start3A_697 = tpu.memref_slice %arg4[%add3A_693] : memref<819200xf32, #tpu.memory_space<hbm>> -> memref<128xf32, #tpu.memory_space<hbm>>
      %dma_start3A_698 = arith.constant 512 : i32
      %dma_start3A_699 = tpu.memref_slice %arg8[%dma_start3A_698] : memref<1024xf32, #tpu.memory_space<vmem>> -> memref<128xf32, #tpu.memory_space<vmem>>
      tpu.enqueue_dma source(%dma_start3A_699 : memref<128xf32, #tpu.memory_space<vmem>>) target(%dma_start3A_697 : memref<128xf32, #tpu.memory_space<hbm>>) target_semaphore(%arg10 : memref<!tpu.dma_semaphore, #tpu.memory_space<semaphore_mem>>)
      %add3A_700 = arith.constant 20480 : i32
      %add3A_701 = arith.addi %add3A_651, %add3A_700 : i32
      %dma_start3A_702 = arith.constant 640 : i32
      %dma_start3A_703 = tpu.memref_slice %arg8[%dma_start3A_702] : memref<1024xf32, #tpu.memory_space<vmem>> -> memref<128xf32, #tpu.memory_space<vmem>>
      %dma_start3A_704 = tpu.memref_slice %arg4[%add3A_701] : memref<819200xf32, #tpu.memory_space<hbm>> -> memref<128xf32, #tpu.memory_space<hbm>>
      %dma_start3A_705 = tpu.memref_slice %arg4[%add3A_701] : memref<819200xf32, #tpu.memory_space<hbm>> -> memref<128xf32, #tpu.memory_space<hbm>>
      %dma_start3A_706 = arith.constant 640 : i32
      %dma_start3A_707 = tpu.memref_slice %arg8[%dma_start3A_706] : memref<1024xf32, #tpu.memory_space<vmem>> -> memref<128xf32, #tpu.memory_space<vmem>>
      tpu.enqueue_dma source(%dma_start3A_707 : memref<128xf32, #tpu.memory_space<vmem>>) target(%dma_start3A_705 : memref<128xf32, #tpu.memory_space<hbm>>) target_semaphore(%arg10 : memref<!tpu.dma_semaphore, #tpu.memory_space<semaphore_mem>>)
      %add3A_708 = arith.constant 24576 : i32
      %add3A_709 = arith.addi %add3A_651, %add3A_708 : i32
      %dma_start3A_710 = arith.constant 768 : i32
      %dma_start3A_711 = tpu.memref_slice %arg8[%dma_start3A_710] : memref<1024xf32, #tpu.memory_space<vmem>> -> memref<128xf32, #tpu.memory_space<vmem>>
      %dma_start3A_712 = tpu.memref_slice %arg4[%add3A_709] : memref<819200xf32, #tpu.memory_space<hbm>> -> memref<128xf32, #tpu.memory_space<hbm>>
      %dma_start3A_713 = tpu.memref_slice %arg4[%add3A_709] : memref<819200xf32, #tpu.memory_space<hbm>> -> memref<128xf32, #tpu.memory_space<hbm>>
      %dma_start3A_714 = arith.constant 768 : i32
      %dma_start3A_715 = tpu.memref_slice %arg8[%dma_start3A_714] : memref<1024xf32, #tpu.memory_space<vmem>> -> memref<128xf32, #tpu.memory_space<vmem>>
      tpu.enqueue_dma source(%dma_start3A_715 : memref<128xf32, #tpu.memory_space<vmem>>) target(%dma_start3A_713 : memref<128xf32, #tpu.memory_space<hbm>>) target_semaphore(%arg10 : memref<!tpu.dma_semaphore, #tpu.memory_space<semaphore_mem>>)
      %add3A_716 = arith.constant 28672 : i32
      %add3A_717 = arith.addi %add3A_651, %add3A_716 : i32
      %dma_start3A_718 = arith.constant 896 : i32
      %dma_start3A_719 = tpu.memref_slice %arg8[%dma_start3A_718] : memref<1024xf32, #tpu.memory_space<vmem>> -> memref<128xf32, #tpu.memory_space<vmem>>
      %dma_start3A_720 = tpu.memref_slice %arg4[%add3A_717] : memref<819200xf32, #tpu.memory_space<hbm>> -> memref<128xf32, #tpu.memory_space<hbm>>
      %dma_start3A_721 = tpu.memref_slice %arg4[%add3A_717] : memref<819200xf32, #tpu.memory_space<hbm>> -> memref<128xf32, #tpu.memory_space<hbm>>
      %dma_start3A_722 = arith.constant 896 : i32
      %dma_start3A_723 = tpu.memref_slice %arg8[%dma_start3A_722] : memref<1024xf32, #tpu.memory_space<vmem>> -> memref<128xf32, #tpu.memory_space<vmem>>
      tpu.enqueue_dma source(%dma_start3A_723 : memref<128xf32, #tpu.memory_space<vmem>>) target(%dma_start3A_721 : memref<128xf32, #tpu.memory_space<hbm>>) target_semaphore(%arg10 : memref<!tpu.dma_semaphore, #tpu.memory_space<semaphore_mem>>)
      %mul3A_724 = arith.constant 5 : i32
      %mul3A_725 = arith.muli %scan3A_135, %mul3A_724 : i32
      %add3A_726 = arith.constant 4 : i32
      %add3A_727 = arith.addi %mul3A_725, %add3A_726 : i32
      %mul3A_728 = arith.constant 200 : i32
      %mul3A_729 = arith.muli %add3A, %mul3A_728 : i32
      %mul3A_730 = arith.constant 8 : i32
      %mul3A_731 = arith.muli %add3A_727, %mul3A_730 : i32
      %add3A_732 = arith.addi %mul3A_729, %mul3A_731 : i32
      %jit3A_733 = arith.constant 256 : i32
      %div3A_734 = arith.divsi %add3A_732, %jit3A_733 : i32
      %sign3A_735 = arith.constant 0 : i32
      %sign3A_736 = arith.cmpi sgt, %add3A_732, %sign3A_735 : i32
      %sign3A_737 = arith.extui %sign3A_736 : i1 to i32
      %sign3A_738 = arith.constant 0 : i32
      %sign3A_739 = arith.cmpi slt, %add3A_732, %sign3A_738 : i32
      %sign3A_740 = arith.extui %sign3A_739 : i1 to i32
      %sign3A_741 = arith.subi %sign3A_737, %sign3A_740 : i32
      %sign3A_742 = arith.constant 0 : i32
      %sign3A_743 = arith.cmpi sgt, %jit3A_733, %sign3A_742 : i32
      %sign3A_744 = arith.extui %sign3A_743 : i1 to i32
      %sign3A_745 = arith.constant 0 : i32
      %sign3A_746 = arith.cmpi slt, %jit3A_733, %sign3A_745 : i32
      %sign3A_747 = arith.extui %sign3A_746 : i1 to i32
      %sign3A_748 = arith.subi %sign3A_744, %sign3A_747 : i32
      %ne3A_749 = arith.cmpi ne, %sign3A_741, %sign3A_748 : i32
      %rem3A_750 = arith.remsi %add3A_732, %jit3A_733 : i32
      %ne3A_751 = arith.constant 0 : i32
      %ne3A_752 = arith.cmpi ne, %rem3A_750, %ne3A_751 : i32
      %and3A_753 = arith.andi %ne3A_749, %ne3A_752 : i1
      %sub3A_754 = arith.constant 1 : i32
      %sub3A_755 = arith.subi %div3A_734, %sub3A_754 : i32
      %select_n3A_756 = arith.select %and3A_753, %sub3A_755, %div3A_734 : i32
      %jit3A_757 = arith.constant 8 : i32
      %div3A_758 = arith.divsi %add3A_732, %jit3A_757 : i32
      %sign3A_759 = arith.constant 0 : i32
      %sign3A_760 = arith.cmpi sgt, %add3A_732, %sign3A_759 : i32
      %sign3A_761 = arith.extui %sign3A_760 : i1 to i32
      %sign3A_762 = arith.constant 0 : i32
      %sign3A_763 = arith.cmpi slt, %add3A_732, %sign3A_762 : i32
      %sign3A_764 = arith.extui %sign3A_763 : i1 to i32
      %sign3A_765 = arith.subi %sign3A_761, %sign3A_764 : i32
      %sign3A_766 = arith.constant 0 : i32
      %sign3A_767 = arith.cmpi sgt, %jit3A_757, %sign3A_766 : i32
      %sign3A_768 = arith.extui %sign3A_767 : i1 to i32
      %sign3A_769 = arith.constant 0 : i32
      %sign3A_770 = arith.cmpi slt, %jit3A_757, %sign3A_769 : i32
      %sign3A_771 = arith.extui %sign3A_770 : i1 to i32
      %sign3A_772 = arith.subi %sign3A_768, %sign3A_771 : i32
      %ne3A_773 = arith.cmpi ne, %sign3A_765, %sign3A_772 : i32
      %rem3A_774 = arith.remsi %add3A_732, %jit3A_757 : i32
      %ne3A_775 = arith.constant 0 : i32
      %ne3A_776 = arith.cmpi ne, %rem3A_774, %ne3A_775 : i32
      %and3A_777 = arith.andi %ne3A_773, %ne3A_776 : i1
      %sub3A_778 = arith.constant 1 : i32
      %sub3A_779 = arith.subi %div3A_758, %sub3A_778 : i32
      %select_n3A_780 = arith.select %and3A_777, %sub3A_779, %div3A_758 : i32
      %jit3A_781 = arith.constant 32 : i32
      %eq3A_782 = arith.constant 0 : i32
      %eq3A_783 = arith.cmpi eq, %jit3A_781, %eq3A_782 : i32
      %jit3A_784 = arith.constant 1 : i32
      %select_n3A_785 = arith.select %eq3A_783, %jit3A_784, %jit3A_781 : i32
      %rem3A_786 = arith.remsi %select_n3A_780, %select_n3A_785 : i32
      %ne3A_787 = arith.constant 0 : i32
      %ne3A_788 = arith.cmpi ne, %rem3A_786, %ne3A_787 : i32
      %lt3A_789 = arith.constant 0 : i32
      %lt3A_790 = arith.cmpi slt, %rem3A_786, %lt3A_789 : i32
      %lt3A_791 = arith.constant 0 : i32
      %lt3A_792 = arith.cmpi slt, %select_n3A_785, %lt3A_791 : i32
      %ne3A_793 = arith.xori %lt3A_790, %lt3A_792 : i1
      %and3A_794 = arith.andi %ne3A_793, %ne3A_788 : i1
      %add3A_795 = arith.addi %rem3A_786, %select_n3A_785 : i32
      %select_n3A_796 = arith.select %and3A_794, %add3A_795, %rem3A_786 : i32
      %mul3A_797 = arith.constant 32768 : i32
      %mul3A_798 = arith.muli %select_n3A_756, %mul3A_797 : i32
      %mul3A_799 = arith.constant 128 : i32
      %mul3A_800 = arith.muli %select_n3A_796, %mul3A_799 : i32
      %add3A_801 = arith.addi %mul3A_798, %mul3A_800 : i32
      %ge3A_802 = arith.constant 2 : i32
      %ge3A_803 = arith.cmpi sge, %add3A_727, %ge3A_802 : i32
      %convert_element_type3A_804 = arith.extui %ge3A_803 : i1 to i32
      %cond3A_805 = arith.constant 0 : i32
      %cond3A_806 = arith.cmpi ne, %convert_element_type3A_804, %cond3A_805 : i32
      scf.if %cond3A_806 {
        %dma_wait3A_874 = arith.constant 0 : i32
        %dma_wait3A_875 = tpu.memref_slice %arg7[%dma_wait3A_874] : memref<1024xf32, #tpu.memory_space<vmem>> -> memref<128xf32, #tpu.memory_space<vmem>>
        %dma_wait3A_876 = arith.constant 0 : i32
        %dma_wait3A_877 = tpu.memref_slice %arg4[%dma_wait3A_876] : memref<819200xf32, #tpu.memory_space<hbm>> -> memref<128xf32, #tpu.memory_space<hbm>>
        %dma_wait3A_878 = arith.constant 0 : i32
        %dma_wait3A_879 = tpu.memref_slice %arg4[%dma_wait3A_878] : memref<819200xf32, #tpu.memory_space<hbm>> -> memref<128xf32, #tpu.memory_space<hbm>>
        %dma_wait3A_880 = arith.constant 0 : i32
        %dma_wait3A_881 = tpu.memref_slice %arg7[%dma_wait3A_880] : memref<1024xf32, #tpu.memory_space<vmem>> -> memref<128xf32, #tpu.memory_space<vmem>>
        tpu.wait_dma2 semaphore(%arg9 : memref<!tpu.dma_semaphore, #tpu.memory_space<semaphore_mem>>) src(%dma_wait3A_881 : memref<128xf32, #tpu.memory_space<vmem>>) dst(%dma_wait3A_879 : memref<128xf32, #tpu.memory_space<hbm>>)
        %dma_wait3A_882 = arith.constant 128 : i32
        %dma_wait3A_883 = tpu.memref_slice %arg7[%dma_wait3A_882] : memref<1024xf32, #tpu.memory_space<vmem>> -> memref<128xf32, #tpu.memory_space<vmem>>
        %dma_wait3A_884 = arith.constant 128 : i32
        %dma_wait3A_885 = tpu.memref_slice %arg4[%dma_wait3A_884] : memref<819200xf32, #tpu.memory_space<hbm>> -> memref<128xf32, #tpu.memory_space<hbm>>
        %dma_wait3A_886 = arith.constant 128 : i32
        %dma_wait3A_887 = tpu.memref_slice %arg4[%dma_wait3A_886] : memref<819200xf32, #tpu.memory_space<hbm>> -> memref<128xf32, #tpu.memory_space<hbm>>
        %dma_wait3A_888 = arith.constant 128 : i32
        %dma_wait3A_889 = tpu.memref_slice %arg7[%dma_wait3A_888] : memref<1024xf32, #tpu.memory_space<vmem>> -> memref<128xf32, #tpu.memory_space<vmem>>
        tpu.wait_dma2 semaphore(%arg9 : memref<!tpu.dma_semaphore, #tpu.memory_space<semaphore_mem>>) src(%dma_wait3A_889 : memref<128xf32, #tpu.memory_space<vmem>>) dst(%dma_wait3A_887 : memref<128xf32, #tpu.memory_space<hbm>>)
        %dma_wait3A_890 = arith.constant 256 : i32
        %dma_wait3A_891 = tpu.memref_slice %arg7[%dma_wait3A_890] : memref<1024xf32, #tpu.memory_space<vmem>> -> memref<128xf32, #tpu.memory_space<vmem>>
        %dma_wait3A_892 = arith.constant 256 : i32
        %dma_wait3A_893 = tpu.memref_slice %arg4[%dma_wait3A_892] : memref<819200xf32, #tpu.memory_space<hbm>> -> memref<128xf32, #tpu.memory_space<hbm>>
        %dma_wait3A_894 = arith.constant 256 : i32
        %dma_wait3A_895 = tpu.memref_slice %arg4[%dma_wait3A_894] : memref<819200xf32, #tpu.memory_space<hbm>> -> memref<128xf32, #tpu.memory_space<hbm>>
        %dma_wait3A_896 = arith.constant 256 : i32
        %dma_wait3A_897 = tpu.memref_slice %arg7[%dma_wait3A_896] : memref<1024xf32, #tpu.memory_space<vmem>> -> memref<128xf32, #tpu.memory_space<vmem>>
        tpu.wait_dma2 semaphore(%arg9 : memref<!tpu.dma_semaphore, #tpu.memory_space<semaphore_mem>>) src(%dma_wait3A_897 : memref<128xf32, #tpu.memory_space<vmem>>) dst(%dma_wait3A_895 : memref<128xf32, #tpu.memory_space<hbm>>)
        %dma_wait3A_898 = arith.constant 384 : i32
        %dma_wait3A_899 = tpu.memref_slice %arg7[%dma_wait3A_898] : memref<1024xf32, #tpu.memory_space<vmem>> -> memref<128xf32, #tpu.memory_space<vmem>>
        %dma_wait3A_900 = arith.constant 384 : i32
        %dma_wait3A_901 = tpu.memref_slice %arg4[%dma_wait3A_900] : memref<819200xf32, #tpu.memory_space<hbm>> -> memref<128xf32, #tpu.memory_space<hbm>>
        %dma_wait3A_902 = arith.constant 384 : i32
        %dma_wait3A_903 = tpu.memref_slice %arg4[%dma_wait3A_902] : memref<819200xf32, #tpu.memory_space<hbm>> -> memref<128xf32, #tpu.memory_space<hbm>>
        %dma_wait3A_904 = arith.constant 384 : i32
        %dma_wait3A_905 = tpu.memref_slice %arg7[%dma_wait3A_904] : memref<1024xf32, #tpu.memory_space<vmem>> -> memref<128xf32, #tpu.memory_space<vmem>>
        tpu.wait_dma2 semaphore(%arg9 : memref<!tpu.dma_semaphore, #tpu.memory_space<semaphore_mem>>) src(%dma_wait3A_905 : memref<128xf32, #tpu.memory_space<vmem>>) dst(%dma_wait3A_903 : memref<128xf32, #tpu.memory_space<hbm>>)
        %dma_wait3A_906 = arith.constant 512 : i32
        %dma_wait3A_907 = tpu.memref_slice %arg7[%dma_wait3A_906] : memref<1024xf32, #tpu.memory_space<vmem>> -> memref<128xf32, #tpu.memory_space<vmem>>
        %dma_wait3A_908 = arith.constant 512 : i32
        %dma_wait3A_909 = tpu.memref_slice %arg4[%dma_wait3A_908] : memref<819200xf32, #tpu.memory_space<hbm>> -> memref<128xf32, #tpu.memory_space<hbm>>
        %dma_wait3A_910 = arith.constant 512 : i32
        %dma_wait3A_911 = tpu.memref_slice %arg4[%dma_wait3A_910] : memref<819200xf32, #tpu.memory_space<hbm>> -> memref<128xf32, #tpu.memory_space<hbm>>
        %dma_wait3A_912 = arith.constant 512 : i32
        %dma_wait3A_913 = tpu.memref_slice %arg7[%dma_wait3A_912] : memref<1024xf32, #tpu.memory_space<vmem>> -> memref<128xf32, #tpu.memory_space<vmem>>
        tpu.wait_dma2 semaphore(%arg9 : memref<!tpu.dma_semaphore, #tpu.memory_space<semaphore_mem>>) src(%dma_wait3A_913 : memref<128xf32, #tpu.memory_space<vmem>>) dst(%dma_wait3A_911 : memref<128xf32, #tpu.memory_space<hbm>>)
        %dma_wait3A_914 = arith.constant 640 : i32
        %dma_wait3A_915 = tpu.memref_slice %arg7[%dma_wait3A_914] : memref<1024xf32, #tpu.memory_space<vmem>> -> memref<128xf32, #tpu.memory_space<vmem>>
        %dma_wait3A_916 = arith.constant 640 : i32
        %dma_wait3A_917 = tpu.memref_slice %arg4[%dma_wait3A_916] : memref<819200xf32, #tpu.memory_space<hbm>> -> memref<128xf32, #tpu.memory_space<hbm>>
        %dma_wait3A_918 = arith.constant 640 : i32
        %dma_wait3A_919 = tpu.memref_slice %arg4[%dma_wait3A_918] : memref<819200xf32, #tpu.memory_space<hbm>> -> memref<128xf32, #tpu.memory_space<hbm>>
        %dma_wait3A_920 = arith.constant 640 : i32
        %dma_wait3A_921 = tpu.memref_slice %arg7[%dma_wait3A_920] : memref<1024xf32, #tpu.memory_space<vmem>> -> memref<128xf32, #tpu.memory_space<vmem>>
        tpu.wait_dma2 semaphore(%arg9 : memref<!tpu.dma_semaphore, #tpu.memory_space<semaphore_mem>>) src(%dma_wait3A_921 : memref<128xf32, #tpu.memory_space<vmem>>) dst(%dma_wait3A_919 : memref<128xf32, #tpu.memory_space<hbm>>)
        %dma_wait3A_922 = arith.constant 768 : i32
        %dma_wait3A_923 = tpu.memref_slice %arg7[%dma_wait3A_922] : memref<1024xf32, #tpu.memory_space<vmem>> -> memref<128xf32, #tpu.memory_space<vmem>>
        %dma_wait3A_924 = arith.constant 768 : i32
        %dma_wait3A_925 = tpu.memref_slice %arg4[%dma_wait3A_924] : memref<819200xf32, #tpu.memory_space<hbm>> -> memref<128xf32, #tpu.memory_space<hbm>>
        %dma_wait3A_926 = arith.constant 768 : i32
        %dma_wait3A_927 = tpu.memref_slice %arg4[%dma_wait3A_926] : memref<819200xf32, #tpu.memory_space<hbm>> -> memref<128xf32, #tpu.memory_space<hbm>>
        %dma_wait3A_928 = arith.constant 768 : i32
        %dma_wait3A_929 = tpu.memref_slice %arg7[%dma_wait3A_928] : memref<1024xf32, #tpu.memory_space<vmem>> -> memref<128xf32, #tpu.memory_space<vmem>>
        tpu.wait_dma2 semaphore(%arg9 : memref<!tpu.dma_semaphore, #tpu.memory_space<semaphore_mem>>) src(%dma_wait3A_929 : memref<128xf32, #tpu.memory_space<vmem>>) dst(%dma_wait3A_927 : memref<128xf32, #tpu.memory_space<hbm>>)
        %dma_wait3A_930 = arith.constant 896 : i32
        %dma_wait3A_931 = tpu.memref_slice %arg7[%dma_wait3A_930] : memref<1024xf32, #tpu.memory_space<vmem>> -> memref<128xf32, #tpu.memory_space<vmem>>
        %dma_wait3A_932 = arith.constant 896 : i32
        %dma_wait3A_933 = tpu.memref_slice %arg4[%dma_wait3A_932] : memref<819200xf32, #tpu.memory_space<hbm>> -> memref<128xf32, #tpu.memory_space<hbm>>
        %dma_wait3A_934 = arith.constant 896 : i32
        %dma_wait3A_935 = tpu.memref_slice %arg4[%dma_wait3A_934] : memref<819200xf32, #tpu.memory_space<hbm>> -> memref<128xf32, #tpu.memory_space<hbm>>
        %dma_wait3A_936 = arith.constant 896 : i32
        %dma_wait3A_937 = tpu.memref_slice %arg7[%dma_wait3A_936] : memref<1024xf32, #tpu.memory_space<vmem>> -> memref<128xf32, #tpu.memory_space<vmem>>
        tpu.wait_dma2 semaphore(%arg9 : memref<!tpu.dma_semaphore, #tpu.memory_space<semaphore_mem>>) src(%dma_wait3A_937 : memref<128xf32, #tpu.memory_space<vmem>>) dst(%dma_wait3A_935 : memref<128xf32, #tpu.memory_space<hbm>>)
      } else {
      }
      %parallel_loop3A_807 = arith.constant 0 : i32
      %parallel_loop3A_808 = arith.constant 8 : i32
      %parallel_loop3A_809 = arith.constant 1 : i32
      scf.for %parallel_loop3A_874 = %parallel_loop3A_807 to %parallel_loop3A_808 step %parallel_loop3A_809  : i32 {
        %parallel_loop3A_875 = arith.constant 128 : i32
        %parallel_loop3A_876 = arith.muli %parallel_loop3A_874, %parallel_loop3A_875 : i32
        %parallel_loop3A_877 = arith.constant 4096 : i32
        %parallel_loop3A_878 = arith.addi %parallel_loop3A_877, %parallel_loop3A_876 : i32
        %parallel_loop3A_879 = arith.constant 0 : i32
        %parallel_loop3A_880 = arith.addi %parallel_loop3A_878, %parallel_loop3A_879 : i32
        %parallel_loop3A_881 = arith.index_cast %parallel_loop3A_880 : i32 to index
        %parallel_loop3A_882 = tpu.vector_load %arg6[%parallel_loop3A_881] {strides = array<i32>} : memref<5120xi32, #tpu.memory_space<vmem>>, vector<16xi32>,
        %parallel_loop3A_883 = tpu.vector_load_idx %arg5[%parallel_loop3A_882] : memref<100000xf32, #tpu.memory_space<vmem>>[vector<16xi32>], vector<16xf32>,
        %parallel_loop3A_884 = arith.constant 128 : i32
        %parallel_loop3A_885 = arith.muli %parallel_loop3A_874, %parallel_loop3A_884 : i32
        %parallel_loop3A_886 = arith.constant 0 : i32
        %parallel_loop3A_887 = arith.addi %parallel_loop3A_885, %parallel_loop3A_886 : i32
        %parallel_loop3A_888 = arith.index_cast %parallel_loop3A_887 : i32 to index
        %parallel_loop3A_889 = tpu.vector_load %arg7[%parallel_loop3A_888] {strides = array<i32>} : memref<1024xf32, #tpu.memory_space<vmem>>, vector<16xf32>,
        tpu.vector_store %arg7[%parallel_loop3A_888], %parallel_loop3A_883 {strides = array<i32>} : memref<1024xf32, #tpu.memory_space<vmem>>, vector<16xf32>,
        %parallel_loop3A_890 = arith.constant 128 : i32
        %parallel_loop3A_891 = arith.muli %parallel_loop3A_874, %parallel_loop3A_890 : i32
        %parallel_loop3A_892 = arith.constant 4096 : i32
        %parallel_loop3A_893 = arith.addi %parallel_loop3A_892, %parallel_loop3A_891 : i32
        %parallel_loop3A_894 = arith.constant 16 : i32
        %parallel_loop3A_895 = arith.addi %parallel_loop3A_893, %parallel_loop3A_894 : i32
        %parallel_loop3A_896 = arith.index_cast %parallel_loop3A_895 : i32 to index
        %parallel_loop3A_897 = tpu.vector_load %arg6[%parallel_loop3A_896] {strides = array<i32>} : memref<5120xi32, #tpu.memory_space<vmem>>, vector<16xi32>,
        %parallel_loop3A_898 = tpu.vector_load_idx %arg5[%parallel_loop3A_897] : memref<100000xf32, #tpu.memory_space<vmem>>[vector<16xi32>], vector<16xf32>,
        %parallel_loop3A_899 = arith.constant 128 : i32
        %parallel_loop3A_900 = arith.muli %parallel_loop3A_874, %parallel_loop3A_899 : i32
        %parallel_loop3A_901 = arith.constant 16 : i32
        %parallel_loop3A_902 = arith.addi %parallel_loop3A_900, %parallel_loop3A_901 : i32
        %parallel_loop3A_903 = arith.index_cast %parallel_loop3A_902 : i32 to index
        %parallel_loop3A_904 = tpu.vector_load %arg7[%parallel_loop3A_903] {strides = array<i32>} : memref<1024xf32, #tpu.memory_space<vmem>>, vector<16xf32>,
        tpu.vector_store %arg7[%parallel_loop3A_903], %parallel_loop3A_898 {strides = array<i32>} : memref<1024xf32, #tpu.memory_space<vmem>>, vector<16xf32>,
        %parallel_loop3A_905 = arith.constant 128 : i32
        %parallel_loop3A_906 = arith.muli %parallel_loop3A_874, %parallel_loop3A_905 : i32
        %parallel_loop3A_907 = arith.constant 4096 : i32
        %parallel_loop3A_908 = arith.addi %parallel_loop3A_907, %parallel_loop3A_906 : i32
        %parallel_loop3A_909 = arith.constant 32 : i32
        %parallel_loop3A_910 = arith.addi %parallel_loop3A_908, %parallel_loop3A_909 : i32
        %parallel_loop3A_911 = arith.index_cast %parallel_loop3A_910 : i32 to index
        %parallel_loop3A_912 = tpu.vector_load %arg6[%parallel_loop3A_911] {strides = array<i32>} : memref<5120xi32, #tpu.memory_space<vmem>>, vector<16xi32>,
        %parallel_loop3A_913 = tpu.vector_load_idx %arg5[%parallel_loop3A_912] : memref<100000xf32, #tpu.memory_space<vmem>>[vector<16xi32>], vector<16xf32>,
        %parallel_loop3A_914 = arith.constant 128 : i32
        %parallel_loop3A_915 = arith.muli %parallel_loop3A_874, %parallel_loop3A_914 : i32
        %parallel_loop3A_916 = arith.constant 32 : i32
        %parallel_loop3A_917 = arith.addi %parallel_loop3A_915, %parallel_loop3A_916 : i32
        %parallel_loop3A_918 = arith.index_cast %parallel_loop3A_917 : i32 to index
        %parallel_loop3A_919 = tpu.vector_load %arg7[%parallel_loop3A_918] {strides = array<i32>} : memref<1024xf32, #tpu.memory_space<vmem>>, vector<16xf32>,
        tpu.vector_store %arg7[%parallel_loop3A_918], %parallel_loop3A_913 {strides = array<i32>} : memref<1024xf32, #tpu.memory_space<vmem>>, vector<16xf32>,
        %parallel_loop3A_920 = arith.constant 128 : i32
        %parallel_loop3A_921 = arith.muli %parallel_loop3A_874, %parallel_loop3A_920 : i32
        %parallel_loop3A_922 = arith.constant 4096 : i32
        %parallel_loop3A_923 = arith.addi %parallel_loop3A_922, %parallel_loop3A_921 : i32
        %parallel_loop3A_924 = arith.constant 48 : i32
        %parallel_loop3A_925 = arith.addi %parallel_loop3A_923, %parallel_loop3A_924 : i32
        %parallel_loop3A_926 = arith.index_cast %parallel_loop3A_925 : i32 to index
        %parallel_loop3A_927 = tpu.vector_load %arg6[%parallel_loop3A_926] {strides = array<i32>} : memref<5120xi32, #tpu.memory_space<vmem>>, vector<16xi32>,
        %parallel_loop3A_928 = tpu.vector_load_idx %arg5[%parallel_loop3A_927] : memref<100000xf32, #tpu.memory_space<vmem>>[vector<16xi32>], vector<16xf32>,
        %parallel_loop3A_929 = arith.constant 128 : i32
        %parallel_loop3A_930 = arith.muli %parallel_loop3A_874, %parallel_loop3A_929 : i32
        %parallel_loop3A_931 = arith.constant 48 : i32
        %parallel_loop3A_932 = arith.addi %parallel_loop3A_930, %parallel_loop3A_931 : i32
        %parallel_loop3A_933 = arith.index_cast %parallel_loop3A_932 : i32 to index
        %parallel_loop3A_934 = tpu.vector_load %arg7[%parallel_loop3A_933] {strides = array<i32>} : memref<1024xf32, #tpu.memory_space<vmem>>, vector<16xf32>,
        tpu.vector_store %arg7[%parallel_loop3A_933], %parallel_loop3A_928 {strides = array<i32>} : memref<1024xf32, #tpu.memory_space<vmem>>, vector<16xf32>,
        %parallel_loop3A_935 = arith.constant 128 : i32
        %parallel_loop3A_936 = arith.muli %parallel_loop3A_874, %parallel_loop3A_935 : i32
        %parallel_loop3A_937 = arith.constant 4096 : i32
        %parallel_loop3A_938 = arith.addi %parallel_loop3A_937, %parallel_loop3A_936 : i32
        %parallel_loop3A_939 = arith.constant 64 : i32
        %parallel_loop3A_940 = arith.addi %parallel_loop3A_938, %parallel_loop3A_939 : i32
        %parallel_loop3A_941 = arith.index_cast %parallel_loop3A_940 : i32 to index
        %parallel_loop3A_942 = tpu.vector_load %arg6[%parallel_loop3A_941] {strides = array<i32>} : memref<5120xi32, #tpu.memory_space<vmem>>, vector<16xi32>,
        %parallel_loop3A_943 = tpu.vector_load_idx %arg5[%parallel_loop3A_942] : memref<100000xf32, #tpu.memory_space<vmem>>[vector<16xi32>], vector<16xf32>,
        %parallel_loop3A_944 = arith.constant 128 : i32
        %parallel_loop3A_945 = arith.muli %parallel_loop3A_874, %parallel_loop3A_944 : i32
        %parallel_loop3A_946 = arith.constant 64 : i32
        %parallel_loop3A_947 = arith.addi %parallel_loop3A_945, %parallel_loop3A_946 : i32
        %parallel_loop3A_948 = arith.index_cast %parallel_loop3A_947 : i32 to index
        %parallel_loop3A_949 = tpu.vector_load %arg7[%parallel_loop3A_948] {strides = array<i32>} : memref<1024xf32, #tpu.memory_space<vmem>>, vector<16xf32>,
        tpu.vector_store %arg7[%parallel_loop3A_948], %parallel_loop3A_943 {strides = array<i32>} : memref<1024xf32, #tpu.memory_space<vmem>>, vector<16xf32>,
        %parallel_loop3A_950 = arith.constant 128 : i32
        %parallel_loop3A_951 = arith.muli %parallel_loop3A_874, %parallel_loop3A_950 : i32
        %parallel_loop3A_952 = arith.constant 4096 : i32
        %parallel_loop3A_953 = arith.addi %parallel_loop3A_952, %parallel_loop3A_951 : i32
        %parallel_loop3A_954 = arith.constant 80 : i32
        %parallel_loop3A_955 = arith.addi %parallel_loop3A_953, %parallel_loop3A_954 : i32
        %parallel_loop3A_956 = arith.index_cast %parallel_loop3A_955 : i32 to index
        %parallel_loop3A_957 = tpu.vector_load %arg6[%parallel_loop3A_956] {strides = array<i32>} : memref<5120xi32, #tpu.memory_space<vmem>>, vector<16xi32>,
        %parallel_loop3A_958 = tpu.vector_load_idx %arg5[%parallel_loop3A_957] : memref<100000xf32, #tpu.memory_space<vmem>>[vector<16xi32>], vector<16xf32>,
        %parallel_loop3A_959 = arith.constant 128 : i32
        %parallel_loop3A_960 = arith.muli %parallel_loop3A_874, %parallel_loop3A_959 : i32
        %parallel_loop3A_961 = arith.constant 80 : i32
        %parallel_loop3A_962 = arith.addi %parallel_loop3A_960, %parallel_loop3A_961 : i32
        %parallel_loop3A_963 = arith.index_cast %parallel_loop3A_962 : i32 to index
        %parallel_loop3A_964 = tpu.vector_load %arg7[%parallel_loop3A_963] {strides = array<i32>} : memref<1024xf32, #tpu.memory_space<vmem>>, vector<16xf32>,
        tpu.vector_store %arg7[%parallel_loop3A_963], %parallel_loop3A_958 {strides = array<i32>} : memref<1024xf32, #tpu.memory_space<vmem>>, vector<16xf32>,
        %parallel_loop3A_965 = arith.constant 128 : i32
        %parallel_loop3A_966 = arith.muli %parallel_loop3A_874, %parallel_loop3A_965 : i32
        %parallel_loop3A_967 = arith.constant 4096 : i32
        %parallel_loop3A_968 = arith.addi %parallel_loop3A_967, %parallel_loop3A_966 : i32
        %parallel_loop3A_969 = arith.constant 96 : i32
        %parallel_loop3A_970 = arith.addi %parallel_loop3A_968, %parallel_loop3A_969 : i32
        %parallel_loop3A_971 = arith.index_cast %parallel_loop3A_970 : i32 to index
        %parallel_loop3A_972 = tpu.vector_load %arg6[%parallel_loop3A_971] {strides = array<i32>} : memref<5120xi32, #tpu.memory_space<vmem>>, vector<16xi32>,
        %parallel_loop3A_973 = tpu.vector_load_idx %arg5[%parallel_loop3A_972] : memref<100000xf32, #tpu.memory_space<vmem>>[vector<16xi32>], vector<16xf32>,
        %parallel_loop3A_974 = arith.constant 128 : i32
        %parallel_loop3A_975 = arith.muli %parallel_loop3A_874, %parallel_loop3A_974 : i32
        %parallel_loop3A_976 = arith.constant 96 : i32
        %parallel_loop3A_977 = arith.addi %parallel_loop3A_975, %parallel_loop3A_976 : i32
        %parallel_loop3A_978 = arith.index_cast %parallel_loop3A_977 : i32 to index
        %parallel_loop3A_979 = tpu.vector_load %arg7[%parallel_loop3A_978] {strides = array<i32>} : memref<1024xf32, #tpu.memory_space<vmem>>, vector<16xf32>,
        tpu.vector_store %arg7[%parallel_loop3A_978], %parallel_loop3A_973 {strides = array<i32>} : memref<1024xf32, #tpu.memory_space<vmem>>, vector<16xf32>,
        %parallel_loop3A_980 = arith.constant 128 : i32
        %parallel_loop3A_981 = arith.muli %parallel_loop3A_874, %parallel_loop3A_980 : i32
        %parallel_loop3A_982 = arith.constant 4096 : i32
        %parallel_loop3A_983 = arith.addi %parallel_loop3A_982, %parallel_loop3A_981 : i32
        %parallel_loop3A_984 = arith.constant 112 : i32
        %parallel_loop3A_985 = arith.addi %parallel_loop3A_983, %parallel_loop3A_984 : i32
        %parallel_loop3A_986 = arith.index_cast %parallel_loop3A_985 : i32 to index
        %parallel_loop3A_987 = tpu.vector_load %arg6[%parallel_loop3A_986] {strides = array<i32>} : memref<5120xi32, #tpu.memory_space<vmem>>, vector<16xi32>,
        %parallel_loop3A_988 = tpu.vector_load_idx %arg5[%parallel_loop3A_987] : memref<100000xf32, #tpu.memory_space<vmem>>[vector<16xi32>], vector<16xf32>,
        %parallel_loop3A_989 = arith.constant 128 : i32
        %parallel_loop3A_990 = arith.muli %parallel_loop3A_874, %parallel_loop3A_989 : i32
        %parallel_loop3A_991 = arith.constant 112 : i32
        %parallel_loop3A_992 = arith.addi %parallel_loop3A_990, %parallel_loop3A_991 : i32
        %parallel_loop3A_993 = arith.index_cast %parallel_loop3A_992 : i32 to index
        %parallel_loop3A_994 = tpu.vector_load %arg7[%parallel_loop3A_993] {strides = array<i32>} : memref<1024xf32, #tpu.memory_space<vmem>>, vector<16xf32>,
        tpu.vector_store %arg7[%parallel_loop3A_993], %parallel_loop3A_988 {strides = array<i32>} : memref<1024xf32, #tpu.memory_space<vmem>>, vector<16xf32>,
      } {sc.loop_unroll_factor = 4 : i64, sc.parallel_access}
      %add3A_810 = arith.constant 0 : i32
      %add3A_811 = arith.addi %add3A_801, %add3A_810 : i32
      %dma_start3A_812 = arith.constant 0 : i32
      %dma_start3A_813 = tpu.memref_slice %arg7[%dma_start3A_812] : memref<1024xf32, #tpu.memory_space<vmem>> -> memref<128xf32, #tpu.memory_space<vmem>>
      %dma_start3A_814 = tpu.memref_slice %arg4[%add3A_811] : memref<819200xf32, #tpu.memory_space<hbm>> -> memref<128xf32, #tpu.memory_space<hbm>>
      %dma_start3A_815 = tpu.memref_slice %arg4[%add3A_811] : memref<819200xf32, #tpu.memory_space<hbm>> -> memref<128xf32, #tpu.memory_space<hbm>>
      %dma_start3A_816 = arith.constant 0 : i32
      %dma_start3A_817 = tpu.memref_slice %arg7[%dma_start3A_816] : memref<1024xf32, #tpu.memory_space<vmem>> -> memref<128xf32, #tpu.memory_space<vmem>>
      tpu.enqueue_dma source(%dma_start3A_817 : memref<128xf32, #tpu.memory_space<vmem>>) target(%dma_start3A_815 : memref<128xf32, #tpu.memory_space<hbm>>) target_semaphore(%arg9 : memref<!tpu.dma_semaphore, #tpu.memory_space<semaphore_mem>>)
      %add3A_818 = arith.constant 4096 : i32
      %add3A_819 = arith.addi %add3A_801, %add3A_818 : i32
      %dma_start3A_820 = arith.constant 128 : i32
      %dma_start3A_821 = tpu.memref_slice %arg7[%dma_start3A_820] : memref<1024xf32, #tpu.memory_space<vmem>> -> memref<128xf32, #tpu.memory_space<vmem>>
      %dma_start3A_822 = tpu.memref_slice %arg4[%add3A_819] : memref<819200xf32, #tpu.memory_space<hbm>> -> memref<128xf32, #tpu.memory_space<hbm>>
      %dma_start3A_823 = tpu.memref_slice %arg4[%add3A_819] : memref<819200xf32, #tpu.memory_space<hbm>> -> memref<128xf32, #tpu.memory_space<hbm>>
      %dma_start3A_824 = arith.constant 128 : i32
      %dma_start3A_825 = tpu.memref_slice %arg7[%dma_start3A_824] : memref<1024xf32, #tpu.memory_space<vmem>> -> memref<128xf32, #tpu.memory_space<vmem>>
      tpu.enqueue_dma source(%dma_start3A_825 : memref<128xf32, #tpu.memory_space<vmem>>) target(%dma_start3A_823 : memref<128xf32, #tpu.memory_space<hbm>>) target_semaphore(%arg9 : memref<!tpu.dma_semaphore, #tpu.memory_space<semaphore_mem>>)
      %add3A_826 = arith.constant 8192 : i32
      %add3A_827 = arith.addi %add3A_801, %add3A_826 : i32
      %dma_start3A_828 = arith.constant 256 : i32
      %dma_start3A_829 = tpu.memref_slice %arg7[%dma_start3A_828] : memref<1024xf32, #tpu.memory_space<vmem>> -> memref<128xf32, #tpu.memory_space<vmem>>
      %dma_start3A_830 = tpu.memref_slice %arg4[%add3A_827] : memref<819200xf32, #tpu.memory_space<hbm>> -> memref<128xf32, #tpu.memory_space<hbm>>
      %dma_start3A_831 = tpu.memref_slice %arg4[%add3A_827] : memref<819200xf32, #tpu.memory_space<hbm>> -> memref<128xf32, #tpu.memory_space<hbm>>
      %dma_start3A_832 = arith.constant 256 : i32
      %dma_start3A_833 = tpu.memref_slice %arg7[%dma_start3A_832] : memref<1024xf32, #tpu.memory_space<vmem>> -> memref<128xf32, #tpu.memory_space<vmem>>
      tpu.enqueue_dma source(%dma_start3A_833 : memref<128xf32, #tpu.memory_space<vmem>>) target(%dma_start3A_831 : memref<128xf32, #tpu.memory_space<hbm>>) target_semaphore(%arg9 : memref<!tpu.dma_semaphore, #tpu.memory_space<semaphore_mem>>)
      %add3A_834 = arith.constant 12288 : i32
      %add3A_835 = arith.addi %add3A_801, %add3A_834 : i32
      %dma_start3A_836 = arith.constant 384 : i32
      %dma_start3A_837 = tpu.memref_slice %arg7[%dma_start3A_836] : memref<1024xf32, #tpu.memory_space<vmem>> -> memref<128xf32, #tpu.memory_space<vmem>>
      %dma_start3A_838 = tpu.memref_slice %arg4[%add3A_835] : memref<819200xf32, #tpu.memory_space<hbm>> -> memref<128xf32, #tpu.memory_space<hbm>>
      %dma_start3A_839 = tpu.memref_slice %arg4[%add3A_835] : memref<819200xf32, #tpu.memory_space<hbm>> -> memref<128xf32, #tpu.memory_space<hbm>>
      %dma_start3A_840 = arith.constant 384 : i32
      %dma_start3A_841 = tpu.memref_slice %arg7[%dma_start3A_840] : memref<1024xf32, #tpu.memory_space<vmem>> -> memref<128xf32, #tpu.memory_space<vmem>>
      tpu.enqueue_dma source(%dma_start3A_841 : memref<128xf32, #tpu.memory_space<vmem>>) target(%dma_start3A_839 : memref<128xf32, #tpu.memory_space<hbm>>) target_semaphore(%arg9 : memref<!tpu.dma_semaphore, #tpu.memory_space<semaphore_mem>>)
      %add3A_842 = arith.constant 16384 : i32
      %add3A_843 = arith.addi %add3A_801, %add3A_842 : i32
      %dma_start3A_844 = arith.constant 512 : i32
      %dma_start3A_845 = tpu.memref_slice %arg7[%dma_start3A_844] : memref<1024xf32, #tpu.memory_space<vmem>> -> memref<128xf32, #tpu.memory_space<vmem>>
      %dma_start3A_846 = tpu.memref_slice %arg4[%add3A_843] : memref<819200xf32, #tpu.memory_space<hbm>> -> memref<128xf32, #tpu.memory_space<hbm>>
      %dma_start3A_847 = tpu.memref_slice %arg4[%add3A_843] : memref<819200xf32, #tpu.memory_space<hbm>> -> memref<128xf32, #tpu.memory_space<hbm>>
      %dma_start3A_848 = arith.constant 512 : i32
      %dma_start3A_849 = tpu.memref_slice %arg7[%dma_start3A_848] : memref<1024xf32, #tpu.memory_space<vmem>> -> memref<128xf32, #tpu.memory_space<vmem>>
      tpu.enqueue_dma source(%dma_start3A_849 : memref<128xf32, #tpu.memory_space<vmem>>) target(%dma_start3A_847 : memref<128xf32, #tpu.memory_space<hbm>>) target_semaphore(%arg9 : memref<!tpu.dma_semaphore, #tpu.memory_space<semaphore_mem>>)
      %add3A_850 = arith.constant 20480 : i32
      %add3A_851 = arith.addi %add3A_801, %add3A_850 : i32
      %dma_start3A_852 = arith.constant 640 : i32
      %dma_start3A_853 = tpu.memref_slice %arg7[%dma_start3A_852] : memref<1024xf32, #tpu.memory_space<vmem>> -> memref<128xf32, #tpu.memory_space<vmem>>
      %dma_start3A_854 = tpu.memref_slice %arg4[%add3A_851] : memref<819200xf32, #tpu.memory_space<hbm>> -> memref<128xf32, #tpu.memory_space<hbm>>
      %dma_start3A_855 = tpu.memref_slice %arg4[%add3A_851] : memref<819200xf32, #tpu.memory_space<hbm>> -> memref<128xf32, #tpu.memory_space<hbm>>
      %dma_start3A_856 = arith.constant 640 : i32
      %dma_start3A_857 = tpu.memref_slice %arg7[%dma_start3A_856] : memref<1024xf32, #tpu.memory_space<vmem>> -> memref<128xf32, #tpu.memory_space<vmem>>
      tpu.enqueue_dma source(%dma_start3A_857 : memref<128xf32, #tpu.memory_space<vmem>>) target(%dma_start3A_855 : memref<128xf32, #tpu.memory_space<hbm>>) target_semaphore(%arg9 : memref<!tpu.dma_semaphore, #tpu.memory_space<semaphore_mem>>)
      %add3A_858 = arith.constant 24576 : i32
      %add3A_859 = arith.addi %add3A_801, %add3A_858 : i32
      %dma_start3A_860 = arith.constant 768 : i32
      %dma_start3A_861 = tpu.memref_slice %arg7[%dma_start3A_860] : memref<1024xf32, #tpu.memory_space<vmem>> -> memref<128xf32, #tpu.memory_space<vmem>>
      %dma_start3A_862 = tpu.memref_slice %arg4[%add3A_859] : memref<819200xf32, #tpu.memory_space<hbm>> -> memref<128xf32, #tpu.memory_space<hbm>>
      %dma_start3A_863 = tpu.memref_slice %arg4[%add3A_859] : memref<819200xf32, #tpu.memory_space<hbm>> -> memref<128xf32, #tpu.memory_space<hbm>>
      %dma_start3A_864 = arith.constant 768 : i32
      %dma_start3A_865 = tpu.memref_slice %arg7[%dma_start3A_864] : memref<1024xf32, #tpu.memory_space<vmem>> -> memref<128xf32, #tpu.memory_space<vmem>>
      tpu.enqueue_dma source(%dma_start3A_865 : memref<128xf32, #tpu.memory_space<vmem>>) target(%dma_start3A_863 : memref<128xf32, #tpu.memory_space<hbm>>) target_semaphore(%arg9 : memref<!tpu.dma_semaphore, #tpu.memory_space<semaphore_mem>>)
      %add3A_866 = arith.constant 28672 : i32
      %add3A_867 = arith.addi %add3A_801, %add3A_866 : i32
      %dma_start3A_868 = arith.constant 896 : i32
      %dma_start3A_869 = tpu.memref_slice %arg7[%dma_start3A_868] : memref<1024xf32, #tpu.memory_space<vmem>> -> memref<128xf32, #tpu.memory_space<vmem>>
      %dma_start3A_870 = tpu.memref_slice %arg4[%add3A_867] : memref<819200xf32, #tpu.memory_space<hbm>> -> memref<128xf32, #tpu.memory_space<hbm>>
      %dma_start3A_871 = tpu.memref_slice %arg4[%add3A_867] : memref<819200xf32, #tpu.memory_space<hbm>> -> memref<128xf32, #tpu.memory_space<hbm>>
      %dma_start3A_872 = arith.constant 896 : i32
      %dma_start3A_873 = tpu.memref_slice %arg7[%dma_start3A_872] : memref<1024xf32, #tpu.memory_space<vmem>> -> memref<128xf32, #tpu.memory_space<vmem>>
      tpu.enqueue_dma source(%dma_start3A_873 : memref<128xf32, #tpu.memory_space<vmem>>) target(%dma_start3A_871 : memref<128xf32, #tpu.memory_space<hbm>>) target_semaphore(%arg9 : memref<!tpu.dma_semaphore, #tpu.memory_space<semaphore_mem>>)
    }
    %scan3A_7 = arith.constant 5 : i32
    %dma_wait3A = arith.constant 0 : i32
    %dma_wait3A_8 = tpu.memref_slice %arg7[%dma_wait3A] : memref<1024xf32, #tpu.memory_space<vmem>> -> memref<128xf32, #tpu.memory_space<vmem>>
    %dma_wait3A_9 = arith.constant 0 : i32
    %dma_wait3A_10 = tpu.memref_slice %arg4[%dma_wait3A_9] : memref<819200xf32, #tpu.memory_space<hbm>> -> memref<128xf32, #tpu.memory_space<hbm>>
    %dma_wait3A_11 = arith.constant 0 : i32
    %dma_wait3A_12 = tpu.memref_slice %arg4[%dma_wait3A_11] : memref<819200xf32, #tpu.memory_space<hbm>> -> memref<128xf32, #tpu.memory_space<hbm>>
    %dma_wait3A_13 = arith.constant 0 : i32
    %dma_wait3A_14 = tpu.memref_slice %arg7[%dma_wait3A_13] : memref<1024xf32, #tpu.memory_space<vmem>> -> memref<128xf32, #tpu.memory_space<vmem>>
    tpu.wait_dma2 semaphore(%arg9 : memref<!tpu.dma_semaphore, #tpu.memory_space<semaphore_mem>>) src(%dma_wait3A_14 : memref<128xf32, #tpu.memory_space<vmem>>) dst(%dma_wait3A_12 : memref<128xf32, #tpu.memory_space<hbm>>)
    %dma_wait3A_15 = arith.constant 128 : i32
    %dma_wait3A_16 = tpu.memref_slice %arg7[%dma_wait3A_15] : memref<1024xf32, #tpu.memory_space<vmem>> -> memref<128xf32, #tpu.memory_space<vmem>>
    %dma_wait3A_17 = arith.constant 128 : i32
    %dma_wait3A_18 = tpu.memref_slice %arg4[%dma_wait3A_17] : memref<819200xf32, #tpu.memory_space<hbm>> -> memref<128xf32, #tpu.memory_space<hbm>>
    %dma_wait3A_19 = arith.constant 128 : i32
    %dma_wait3A_20 = tpu.memref_slice %arg4[%dma_wait3A_19] : memref<819200xf32, #tpu.memory_space<hbm>> -> memref<128xf32, #tpu.memory_space<hbm>>
    %dma_wait3A_21 = arith.constant 128 : i32
    %dma_wait3A_22 = tpu.memref_slice %arg7[%dma_wait3A_21] : memref<1024xf32, #tpu.memory_space<vmem>> -> memref<128xf32, #tpu.memory_space<vmem>>
    tpu.wait_dma2 semaphore(%arg9 : memref<!tpu.dma_semaphore, #tpu.memory_space<semaphore_mem>>) src(%dma_wait3A_22 : memref<128xf32, #tpu.memory_space<vmem>>) dst(%dma_wait3A_20 : memref<128xf32, #tpu.memory_space<hbm>>)
    %dma_wait3A_23 = arith.constant 256 : i32
    %dma_wait3A_24 = tpu.memref_slice %arg7[%dma_wait3A_23] : memref<1024xf32, #tpu.memory_space<vmem>> -> memref<128xf32, #tpu.memory_space<vmem>>
    %dma_wait3A_25 = arith.constant 256 : i32
    %dma_wait3A_26 = tpu.memref_slice %arg4[%dma_wait3A_25] : memref<819200xf32, #tpu.memory_space<hbm>> -> memref<128xf32, #tpu.memory_space<hbm>>
    %dma_wait3A_27 = arith.constant 256 : i32
    %dma_wait3A_28 = tpu.memref_slice %arg4[%dma_wait3A_27] : memref<819200xf32, #tpu.memory_space<hbm>> -> memref<128xf32, #tpu.memory_space<hbm>>
    %dma_wait3A_29 = arith.constant 256 : i32
    %dma_wait3A_30 = tpu.memref_slice %arg7[%dma_wait3A_29] : memref<1024xf32, #tpu.memory_space<vmem>> -> memref<128xf32, #tpu.memory_space<vmem>>
    tpu.wait_dma2 semaphore(%arg9 : memref<!tpu.dma_semaphore, #tpu.memory_space<semaphore_mem>>) src(%dma_wait3A_30 : memref<128xf32, #tpu.memory_space<vmem>>) dst(%dma_wait3A_28 : memref<128xf32, #tpu.memory_space<hbm>>)
    %dma_wait3A_31 = arith.constant 384 : i32
    %dma_wait3A_32 = tpu.memref_slice %arg7[%dma_wait3A_31] : memref<1024xf32, #tpu.memory_space<vmem>> -> memref<128xf32, #tpu.memory_space<vmem>>
    %dma_wait3A_33 = arith.constant 384 : i32
    %dma_wait3A_34 = tpu.memref_slice %arg4[%dma_wait3A_33] : memref<819200xf32, #tpu.memory_space<hbm>> -> memref<128xf32, #tpu.memory_space<hbm>>
    %dma_wait3A_35 = arith.constant 384 : i32
    %dma_wait3A_36 = tpu.memref_slice %arg4[%dma_wait3A_35] : memref<819200xf32, #tpu.memory_space<hbm>> -> memref<128xf32, #tpu.memory_space<hbm>>
    %dma_wait3A_37 = arith.constant 384 : i32
    %dma_wait3A_38 = tpu.memref_slice %arg7[%dma_wait3A_37] : memref<1024xf32, #tpu.memory_space<vmem>> -> memref<128xf32, #tpu.memory_space<vmem>>
    tpu.wait_dma2 semaphore(%arg9 : memref<!tpu.dma_semaphore, #tpu.memory_space<semaphore_mem>>) src(%dma_wait3A_38 : memref<128xf32, #tpu.memory_space<vmem>>) dst(%dma_wait3A_36 : memref<128xf32, #tpu.memory_space<hbm>>)
    %dma_wait3A_39 = arith.constant 512 : i32
    %dma_wait3A_40 = tpu.memref_slice %arg7[%dma_wait3A_39] : memref<1024xf32, #tpu.memory_space<vmem>> -> memref<128xf32, #tpu.memory_space<vmem>>
    %dma_wait3A_41 = arith.constant 512 : i32
    %dma_wait3A_42 = tpu.memref_slice %arg4[%dma_wait3A_41] : memref<819200xf32, #tpu.memory_space<hbm>> -> memref<128xf32, #tpu.memory_space<hbm>>
    %dma_wait3A_43 = arith.constant 512 : i32
    %dma_wait3A_44 = tpu.memref_slice %arg4[%dma_wait3A_43] : memref<819200xf32, #tpu.memory_space<hbm>> -> memref<128xf32, #tpu.memory_space<hbm>>
    %dma_wait3A_45 = arith.constant 512 : i32
    %dma_wait3A_46 = tpu.memref_slice %arg7[%dma_wait3A_45] : memref<1024xf32, #tpu.memory_space<vmem>> -> memref<128xf32, #tpu.memory_space<vmem>>
    tpu.wait_dma2 semaphore(%arg9 : memref<!tpu.dma_semaphore, #tpu.memory_space<semaphore_mem>>) src(%dma_wait3A_46 : memref<128xf32, #tpu.memory_space<vmem>>) dst(%dma_wait3A_44 : memref<128xf32, #tpu.memory_space<hbm>>)
    %dma_wait3A_47 = arith.constant 640 : i32
    %dma_wait3A_48 = tpu.memref_slice %arg7[%dma_wait3A_47] : memref<1024xf32, #tpu.memory_space<vmem>> -> memref<128xf32, #tpu.memory_space<vmem>>
    %dma_wait3A_49 = arith.constant 640 : i32
    %dma_wait3A_50 = tpu.memref_slice %arg4[%dma_wait3A_49] : memref<819200xf32, #tpu.memory_space<hbm>> -> memref<128xf32, #tpu.memory_space<hbm>>
    %dma_wait3A_51 = arith.constant 640 : i32
    %dma_wait3A_52 = tpu.memref_slice %arg4[%dma_wait3A_51] : memref<819200xf32, #tpu.memory_space<hbm>> -> memref<128xf32, #tpu.memory_space<hbm>>
    %dma_wait3A_53 = arith.constant 640 : i32
    %dma_wait3A_54 = tpu.memref_slice %arg7[%dma_wait3A_53] : memref<1024xf32, #tpu.memory_space<vmem>> -> memref<128xf32, #tpu.memory_space<vmem>>
    tpu.wait_dma2 semaphore(%arg9 : memref<!tpu.dma_semaphore, #tpu.memory_space<semaphore_mem>>) src(%dma_wait3A_54 : memref<128xf32, #tpu.memory_space<vmem>>) dst(%dma_wait3A_52 : memref<128xf32, #tpu.memory_space<hbm>>)
    %dma_wait3A_55 = arith.constant 768 : i32
    %dma_wait3A_56 = tpu.memref_slice %arg7[%dma_wait3A_55] : memref<1024xf32, #tpu.memory_space<vmem>> -> memref<128xf32, #tpu.memory_space<vmem>>
    %dma_wait3A_57 = arith.constant 768 : i32
    %dma_wait3A_58 = tpu.memref_slice %arg4[%dma_wait3A_57] : memref<819200xf32, #tpu.memory_space<hbm>> -> memref<128xf32, #tpu.memory_space<hbm>>
    %dma_wait3A_59 = arith.constant 768 : i32
    %dma_wait3A_60 = tpu.memref_slice %arg4[%dma_wait3A_59] : memref<819200xf32, #tpu.memory_space<hbm>> -> memref<128xf32, #tpu.memory_space<hbm>>
    %dma_wait3A_61 = arith.constant 768 : i32
    %dma_wait3A_62 = tpu.memref_slice %arg7[%dma_wait3A_61] : memref<1024xf32, #tpu.memory_space<vmem>> -> memref<128xf32, #tpu.memory_space<vmem>>
    tpu.wait_dma2 semaphore(%arg9 : memref<!tpu.dma_semaphore, #tpu.memory_space<semaphore_mem>>) src(%dma_wait3A_62 : memref<128xf32, #tpu.memory_space<vmem>>) dst(%dma_wait3A_60 : memref<128xf32, #tpu.memory_space<hbm>>)
    %dma_wait3A_63 = arith.constant 896 : i32
    %dma_wait3A_64 = tpu.memref_slice %arg7[%dma_wait3A_63] : memref<1024xf32, #tpu.memory_space<vmem>> -> memref<128xf32, #tpu.memory_space<vmem>>
    %dma_wait3A_65 = arith.constant 896 : i32
    %dma_wait3A_66 = tpu.memref_slice %arg4[%dma_wait3A_65] : memref<819200xf32, #tpu.memory_space<hbm>> -> memref<128xf32, #tpu.memory_space<hbm>>
    %dma_wait3A_67 = arith.constant 896 : i32
    %dma_wait3A_68 = tpu.memref_slice %arg4[%dma_wait3A_67] : memref<819200xf32, #tpu.memory_space<hbm>> -> memref<128xf32, #tpu.memory_space<hbm>>
    %dma_wait3A_69 = arith.constant 896 : i32
    %dma_wait3A_70 = tpu.memref_slice %arg7[%dma_wait3A_69] : memref<1024xf32, #tpu.memory_space<vmem>> -> memref<128xf32, #tpu.memory_space<vmem>>
    tpu.wait_dma2 semaphore(%arg9 : memref<!tpu.dma_semaphore, #tpu.memory_space<semaphore_mem>>) src(%dma_wait3A_70 : memref<128xf32, #tpu.memory_space<vmem>>) dst(%dma_wait3A_68 : memref<128xf32, #tpu.memory_space<hbm>>)
    %dma_wait3A_71 = arith.constant 0 : i32
    %dma_wait3A_72 = tpu.memref_slice %arg8[%dma_wait3A_71] : memref<1024xf32, #tpu.memory_space<vmem>> -> memref<128xf32, #tpu.memory_space<vmem>>
    %dma_wait3A_73 = arith.constant 0 : i32
    %dma_wait3A_74 = tpu.memref_slice %arg4[%dma_wait3A_73] : memref<819200xf32, #tpu.memory_space<hbm>> -> memref<128xf32, #tpu.memory_space<hbm>>
    %dma_wait3A_75 = arith.constant 0 : i32
    %dma_wait3A_76 = tpu.memref_slice %arg4[%dma_wait3A_75] : memref<819200xf32, #tpu.memory_space<hbm>> -> memref<128xf32, #tpu.memory_space<hbm>>
    %dma_wait3A_77 = arith.constant 0 : i32
    %dma_wait3A_78 = tpu.memref_slice %arg8[%dma_wait3A_77] : memref<1024xf32, #tpu.memory_space<vmem>> -> memref<128xf32, #tpu.memory_space<vmem>>
    tpu.wait_dma2 semaphore(%arg10 : memref<!tpu.dma_semaphore, #tpu.memory_space<semaphore_mem>>) src(%dma_wait3A_78 : memref<128xf32, #tpu.memory_space<vmem>>) dst(%dma_wait3A_76 : memref<128xf32, #tpu.memory_space<hbm>>)
    %dma_wait3A_79 = arith.constant 128 : i32
    %dma_wait3A_80 = tpu.memref_slice %arg8[%dma_wait3A_79] : memref<1024xf32, #tpu.memory_space<vmem>> -> memref<128xf32, #tpu.memory_space<vmem>>
    %dma_wait3A_81 = arith.constant 128 : i32
    %dma_wait3A_82 = tpu.memref_slice %arg4[%dma_wait3A_81] : memref<819200xf32, #tpu.memory_space<hbm>> -> memref<128xf32, #tpu.memory_space<hbm>>
    %dma_wait3A_83 = arith.constant 128 : i32
    %dma_wait3A_84 = tpu.memref_slice %arg4[%dma_wait3A_83] : memref<819200xf32, #tpu.memory_space<hbm>> -> memref<128xf32, #tpu.memory_space<hbm>>
    %dma_wait3A_85 = arith.constant 128 : i32
    %dma_wait3A_86 = tpu.memref_slice %arg8[%dma_wait3A_85] : memref<1024xf32, #tpu.memory_space<vmem>> -> memref<128xf32, #tpu.memory_space<vmem>>
    tpu.wait_dma2 semaphore(%arg10 : memref<!tpu.dma_semaphore, #tpu.memory_space<semaphore_mem>>) src(%dma_wait3A_86 : memref<128xf32, #tpu.memory_space<vmem>>) dst(%dma_wait3A_84 : memref<128xf32, #tpu.memory_space<hbm>>)
    %dma_wait3A_87 = arith.constant 256 : i32
    %dma_wait3A_88 = tpu.memref_slice %arg8[%dma_wait3A_87] : memref<1024xf32, #tpu.memory_space<vmem>> -> memref<128xf32, #tpu.memory_space<vmem>>
    %dma_wait3A_89 = arith.constant 256 : i32
    %dma_wait3A_90 = tpu.memref_slice %arg4[%dma_wait3A_89] : memref<819200xf32, #tpu.memory_space<hbm>> -> memref<128xf32, #tpu.memory_space<hbm>>
    %dma_wait3A_91 = arith.constant 256 : i32
    %dma_wait3A_92 = tpu.memref_slice %arg4[%dma_wait3A_91] : memref<819200xf32, #tpu.memory_space<hbm>> -> memref<128xf32, #tpu.memory_space<hbm>>
    %dma_wait3A_93 = arith.constant 256 : i32
    %dma_wait3A_94 = tpu.memref_slice %arg8[%dma_wait3A_93] : memref<1024xf32, #tpu.memory_space<vmem>> -> memref<128xf32, #tpu.memory_space<vmem>>
    tpu.wait_dma2 semaphore(%arg10 : memref<!tpu.dma_semaphore, #tpu.memory_space<semaphore_mem>>) src(%dma_wait3A_94 : memref<128xf32, #tpu.memory_space<vmem>>) dst(%dma_wait3A_92 : memref<128xf32, #tpu.memory_space<hbm>>)
    %dma_wait3A_95 = arith.constant 384 : i32
    %dma_wait3A_96 = tpu.memref_slice %arg8[%dma_wait3A_95] : memref<1024xf32, #tpu.memory_space<vmem>> -> memref<128xf32, #tpu.memory_space<vmem>>
    %dma_wait3A_97 = arith.constant 384 : i32
    %dma_wait3A_98 = tpu.memref_slice %arg4[%dma_wait3A_97] : memref<819200xf32, #tpu.memory_space<hbm>> -> memref<128xf32, #tpu.memory_space<hbm>>
    %dma_wait3A_99 = arith.constant 384 : i32
    %dma_wait3A_100 = tpu.memref_slice %arg4[%dma_wait3A_99] : memref<819200xf32, #tpu.memory_space<hbm>> -> memref<128xf32, #tpu.memory_space<hbm>>
    %dma_wait3A_101 = arith.constant 384 : i32
    %dma_wait3A_102 = tpu.memref_slice %arg8[%dma_wait3A_101] : memref<1024xf32, #tpu.memory_space<vmem>> -> memref<128xf32, #tpu.memory_space<vmem>>
    tpu.wait_dma2 semaphore(%arg10 : memref<!tpu.dma_semaphore, #tpu.memory_space<semaphore_mem>>) src(%dma_wait3A_102 : memref<128xf32, #tpu.memory_space<vmem>>) dst(%dma_wait3A_100 : memref<128xf32, #tpu.memory_space<hbm>>)
    %dma_wait3A_103 = arith.constant 512 : i32
    %dma_wait3A_104 = tpu.memref_slice %arg8[%dma_wait3A_103] : memref<1024xf32, #tpu.memory_space<vmem>> -> memref<128xf32, #tpu.memory_space<vmem>>
    %dma_wait3A_105 = arith.constant 512 : i32
    %dma_wait3A_106 = tpu.memref_slice %arg4[%dma_wait3A_105] : memref<819200xf32, #tpu.memory_space<hbm>> -> memref<128xf32, #tpu.memory_space<hbm>>
    %dma_wait3A_107 = arith.constant 512 : i32
    %dma_wait3A_108 = tpu.memref_slice %arg4[%dma_wait3A_107] : memref<819200xf32, #tpu.memory_space<hbm>> -> memref<128xf32, #tpu.memory_space<hbm>>
    %dma_wait3A_109 = arith.constant 512 : i32
    %dma_wait3A_110 = tpu.memref_slice %arg8[%dma_wait3A_109] : memref<1024xf32, #tpu.memory_space<vmem>> -> memref<128xf32, #tpu.memory_space<vmem>>
    tpu.wait_dma2 semaphore(%arg10 : memref<!tpu.dma_semaphore, #tpu.memory_space<semaphore_mem>>) src(%dma_wait3A_110 : memref<128xf32, #tpu.memory_space<vmem>>) dst(%dma_wait3A_108 : memref<128xf32, #tpu.memory_space<hbm>>)
    %dma_wait3A_111 = arith.constant 640 : i32
    %dma_wait3A_112 = tpu.memref_slice %arg8[%dma_wait3A_111] : memref<1024xf32, #tpu.memory_space<vmem>> -> memref<128xf32, #tpu.memory_space<vmem>>
    %dma_wait3A_113 = arith.constant 640 : i32
    %dma_wait3A_114 = tpu.memref_slice %arg4[%dma_wait3A_113] : memref<819200xf32, #tpu.memory_space<hbm>> -> memref<128xf32, #tpu.memory_space<hbm>>
    %dma_wait3A_115 = arith.constant 640 : i32
    %dma_wait3A_116 = tpu.memref_slice %arg4[%dma_wait3A_115] : memref<819200xf32, #tpu.memory_space<hbm>> -> memref<128xf32, #tpu.memory_space<hbm>>
    %dma_wait3A_117 = arith.constant 640 : i32
    %dma_wait3A_118 = tpu.memref_slice %arg8[%dma_wait3A_117] : memref<1024xf32, #tpu.memory_space<vmem>> -> memref<128xf32, #tpu.memory_space<vmem>>
    tpu.wait_dma2 semaphore(%arg10 : memref<!tpu.dma_semaphore, #tpu.memory_space<semaphore_mem>>) src(%dma_wait3A_118 : memref<128xf32, #tpu.memory_space<vmem>>) dst(%dma_wait3A_116 : memref<128xf32, #tpu.memory_space<hbm>>)
    %dma_wait3A_119 = arith.constant 768 : i32
    %dma_wait3A_120 = tpu.memref_slice %arg8[%dma_wait3A_119] : memref<1024xf32, #tpu.memory_space<vmem>> -> memref<128xf32, #tpu.memory_space<vmem>>
    %dma_wait3A_121 = arith.constant 768 : i32
    %dma_wait3A_122 = tpu.memref_slice %arg4[%dma_wait3A_121] : memref<819200xf32, #tpu.memory_space<hbm>> -> memref<128xf32, #tpu.memory_space<hbm>>
    %dma_wait3A_123 = arith.constant 768 : i32
    %dma_wait3A_124 = tpu.memref_slice %arg4[%dma_wait3A_123] : memref<819200xf32, #tpu.memory_space<hbm>> -> memref<128xf32, #tpu.memory_space<hbm>>
    %dma_wait3A_125 = arith.constant 768 : i32
    %dma_wait3A_126 = tpu.memref_slice %arg8[%dma_wait3A_125] : memref<1024xf32, #tpu.memory_space<vmem>> -> memref<128xf32, #tpu.memory_space<vmem>>
    tpu.wait_dma2 semaphore(%arg10 : memref<!tpu.dma_semaphore, #tpu.memory_space<semaphore_mem>>) src(%dma_wait3A_126 : memref<128xf32, #tpu.memory_space<vmem>>) dst(%dma_wait3A_124 : memref<128xf32, #tpu.memory_space<hbm>>)
    %dma_wait3A_127 = arith.constant 896 : i32
    %dma_wait3A_128 = tpu.memref_slice %arg8[%dma_wait3A_127] : memref<1024xf32, #tpu.memory_space<vmem>> -> memref<128xf32, #tpu.memory_space<vmem>>
    %dma_wait3A_129 = arith.constant 896 : i32
    %dma_wait3A_130 = tpu.memref_slice %arg4[%dma_wait3A_129] : memref<819200xf32, #tpu.memory_space<hbm>> -> memref<128xf32, #tpu.memory_space<hbm>>
    %dma_wait3A_131 = arith.constant 896 : i32
    %dma_wait3A_132 = tpu.memref_slice %arg4[%dma_wait3A_131] : memref<819200xf32, #tpu.memory_space<hbm>> -> memref<128xf32, #tpu.memory_space<hbm>>
    %dma_wait3A_133 = arith.constant 896 : i32
    %dma_wait3A_134 = tpu.memref_slice %arg8[%dma_wait3A_133] : memref<1024xf32, #tpu.memory_space<vmem>> -> memref<128xf32, #tpu.memory_space<vmem>>
    tpu.wait_dma2 semaphore(%arg10 : memref<!tpu.dma_semaphore, #tpu.memory_space<semaphore_mem>>) src(%dma_wait3A_134 : memref<128xf32, #tpu.memory_space<vmem>>) dst(%dma_wait3A_132 : memref<128xf32, #tpu.memory_space<hbm>>)
    return
  }
}

module attributes {stable_mosaic.version = 14 : i64} {
  func.func @_sdiff_body(%arg0: i32, %arg1: memref<200x8192xf32, #tpu.memory_space<vmem>>, %arg2: memref<200x1xf32, #tpu.memory_space<vmem>>, %arg3: memref<1x1xf32, #tpu.memory_space<smem>>, %arg4: memref<8192xf32, #tpu.memory_space<vmem>>) attributes {dimension_semantics = [#tpu.dimension_semantics<arbitrary>], iteration_bounds = array<i64: 13>, scalar_prefetch = 0 : i64, scratch_operands = 0 : i64, tpu.core_type = #tpu.core_type<tc>, window_params = [{transform_indices = @transform_0, window_bounds = array<i64: 200, 8192>}, {pipeline_mode = #tpu.pipeline_mode<synchronous>, transform_indices = @transform_1, window_bounds = array<i64: 200, 1>}, {transform_indices = @transform_2, window_bounds = array<i64: 1, 1>}, {transform_indices = @transform_3, window_bounds = array<i64: 8192>}]} {
    %get3A = arith.constant 0 : index
    %get3A_0 = arith.constant 0 : index
    %get3A_1 = vector.load %arg1[%get3A, %get3A_0] : memref<200x8192xf32, #tpu.memory_space<vmem>>, vector<200x8192xf32>
    %get3A_2 = arith.constant 0 : index
    %get3A_3 = arith.constant 0 : index
    %get3A_4 = vector.load %arg2[%get3A_2, %get3A_3] : memref<200x1xf32, #tpu.memory_space<vmem>>, vector<200x1xf32>
    %mul3A = vector.broadcast %get3A_4 : vector<200x1xf32> to vector<200x8192xf32>
    %mul3A_5 = arith.mulf %get3A_1, %mul3A : vector<200x8192xf32>
    %reduce_sum3A = arith.constant dense<0.000000e+00> : vector<8192xf32>
    %reduce_sum3A_6 = vector.multi_reduction <add>, %mul3A_5, %reduce_sum3A [0] : vector<200x8192xf32> to vector<8192xf32>
    %get3A_7 = arith.constant 0 : index
    %get3A_8 = arith.constant 0 : index
    %get3A_9 = memref.load %arg3[%get3A_7, %get3A_8] : memref<1x1xf32, #tpu.memory_space<smem>>
    %add3A = vector.broadcast %get3A_9 : f32 to vector<8192xf32>
    %add3A_10 = arith.addf %reduce_sum3A_6, %add3A : vector<8192xf32>
    %swap3A = arith.constant 0 : index
    %swap3A_11 = vector.load %arg4[%swap3A] : memref<8192xf32, #tpu.memory_space<vmem>>, vector<8192xf32>
    tpu.vector_store %arg4[%swap3A], %add3A_10 {strides = array<i32>} : memref<8192xf32, #tpu.memory_space<vmem>>, vector<8192xf32>,
    return
  }
  func.func @transform_0(%arg0: i32) -> (i32, i32) {
    %c0_i32 = arith.constant 0 : i32
    %c0_i32_0 = arith.constant 0 : i32
    return %c0_i32, %arg0 : i32, i32
  }
  func.func @transform_1(%arg0: i32) -> (i32, i32) {
    %c0_i32 = arith.constant 0 : i32
    %c0_i32_0 = arith.constant 0 : i32
    %c0_i32_1 = arith.constant 0 : i32
    return %c0_i32, %c0_i32_0 : i32, i32
  }
  func.func @transform_2(%arg0: i32) -> (i32, i32) {
    %c0_i32 = arith.constant 0 : i32
    %c0_i32_0 = arith.constant 0 : i32
    %c0_i32_1 = arith.constant 0 : i32
    return %c0_i32, %c0_i32_0 : i32, i32
  }
  func.func @transform_3(%arg0: i32) -> i32 {
    %c0_i32 = arith.constant 0 : i32
    return %arg0 : i32
  }
}

module attributes {stable_mosaic.version = 14 : i64} {
  func.func @_softplus_body(%arg0: i32, %arg1: memref<800x128xf32, #tpu.memory_space<vmem>>, %arg2: memref<1600x128xf32, #tpu.memory_space<vmem>>) attributes {dimension_semantics = [#tpu.dimension_semantics<arbitrary>], iteration_bounds = array<i64: 8>, scalar_prefetch = 0 : i64, scratch_operands = 0 : i64, tpu.core_type = #tpu.core_type<tc>, window_params = [{transform_indices = @transform_0, window_bounds = array<i64: 800, 128>}, {transform_indices = @transform_1, window_bounds = array<i64: 1600, 128>}]} {
    %get3A = arith.constant 0 : index
    %get3A_0 = arith.constant 0 : index
    %get3A_1 = vector.load %arg1[%get3A, %get3A_0] : memref<800x128xf32, #tpu.memory_space<vmem>>, vector<800x128xf32>
    %max3A = arith.constant 0.000000e+00 : f32
    %max3A_2 = vector.broadcast %max3A : f32 to vector<800x128xf32>
    %max3A_3 = arith.maximumf %get3A_1, %max3A_2 : vector<800x128xf32>
    %abs3A = math.absf %get3A_1 : vector<800x128xf32>
    %neg3A = arith.constant 0.000000e+00 : f32
    %neg3A_4 = vector.broadcast %neg3A : f32 to vector<800x128xf32>
    %neg3A_5 = arith.subf %neg3A_4, %abs3A : vector<800x128xf32>
    %exp3A = math.exp %neg3A_5 : vector<800x128xf32>
    %log1p3A = math.log1p %exp3A : vector<800x128xf32>
    %add3A = arith.addf %max3A_3, %log1p3A : vector<800x128xf32>
    %neg3A_6 = arith.constant 0.000000e+00 : f32
    %neg3A_7 = vector.broadcast %neg3A_6 : f32 to vector<800x128xf32>
    %neg3A_8 = arith.subf %neg3A_7, %add3A : vector<800x128xf32>
    %add3A_9 = arith.addf %neg3A_8, %get3A_1 : vector<800x128xf32>
    %stack3A = vector.shape_cast %add3A_9 : vector<800x128xf32> to vector<800x1x128xf32>
    %stack3A_10 = vector.shape_cast %neg3A_8 : vector<800x128xf32> to vector<800x1x128xf32>
    %stack3A_11 = tpu.concatenate %stack3A, %stack3A_10 in 1 : vector<800x1x128xf32>, vector<800x1x128xf32> -> vector<800x2x128xf32>
    %reshape3A = vector.shape_cast %stack3A_11 : vector<800x2x128xf32> to vector<1600x128xf32>
    %swap3A = arith.constant 0 : index
    %swap3A_12 = arith.constant 0 : index
    %swap3A_13 = vector.load %arg2[%swap3A, %swap3A_12] : memref<1600x128xf32, #tpu.memory_space<vmem>>, vector<1600x128xf32>
    tpu.vector_store %arg2[%swap3A, %swap3A_12], %reshape3A {strides = array<i32>} : memref<1600x128xf32, #tpu.memory_space<vmem>>, vector<1600x128xf32>,
    return
  }
  func.func @transform_0(%arg0: i32) -> (i32, i32) {
    %c0_i32 = arith.constant 0 : i32
    %c0_i32_0 = arith.constant 0 : i32
    return %arg0, %c0_i32 : i32, i32
  }
  func.func @transform_1(%arg0: i32) -> (i32, i32) {
    %c0_i32 = arith.constant 0 : i32
    %c0_i32_0 = arith.constant 0 : i32
    return %arg0, %c0_i32 : i32, i32
  }
}

</mosaic_0001>

<sc_bundles>
// kernel: kernel.5.cloned.1.call-start
scs
__scs_entry_jumppad:
0x0: {  	(pc) =	sbr.rel $0x88, $3  }
0x1: {  	(tag) =	ssettag $0x0;
	lr =	simm.s32 $0x1  }
0x2: {  	[smem:$0x3F9D] =	sst lr;
	_ =	strace $0xD0000000  }
0x3: {  	_ = 	snop  }
0x4: {  	_ = 	snop  }
0x5: {  	_ = 	snop  }
0x6: {  	_ = 	snop  }
0x7: {  	_ = 	snop  }
__scs_overlays_trampoline_lowered:
0x8: {  	[smem:$0x3FAC] =	sst s0  }
0x9: {  	[smem:$0x3FAD] =	sst s1  }
0xa: {  	[smem:$0x3FAE] =	sst s2  }
0xb: {  	[smem:$0x3FAF] =	sst s3  }
0xc: {  	[smem:$0x3FB0] =	sst s4  }
0xd: {  	[smem:$0x3FB1] =	sst s5  }
0xe: {  	[smem:$0x3FB2] =	sst s6  }
0xf: {  	[smem:$0x3FB3] =	sst s7  }
0x10: {  	[smem:$0x3FB4] =	sst s8  }
0x11: {  	[smem:$0x3FB5] =	sst s9;
	s0 =	simm.s32 @!p0 $0x0  }
0x12: {  	s1 =	sld [smem:$0x3F9B];
	s0 =	simm.s32 @p0 $0x1  }
0x13: {  	[smem:$0x3FB6] =	sst s0;
	s0 =	simm.s32 @!p1 $0x0  }
0x14: {  	s2 =	sld [smem:$0x3F9A];
	s0 =	simm.s32 @p1 $0x1  }
0x15: {  	[smem:$0x3FB7] =	sst s0;
	s0 =	simm.s32 @!p2 $0x0  }
0x16: {  	s3 =	sld [smem:$0x3FDB];
	s0 =	simm.s32 @p2 $0x1  }
0x17: {  	s4 =	simm.s32 $0x1BF5;
	[smem:$0x3FB9] =	sst s0  }
0x18: {  	s0 =	sld [smem:$0x3F9C];
	_ =	swait.ge [sflag:s4], $0x0  }
0x19: {  	s7 =	sld [smem:$0x3F9D]  }
0x1a: {  	s8 =	sadd.s32 $0xFFFFE003, lr  }
0x1b: {  	s9 =	sadd.s32 $0xFFFFFEF7, lr;
	s5 =	simm.s32 $0xFFFFFFFF;
	p2 =	slt.u32 s8, $0xFFFFF086  }
0x1c: {  	p1 =	slt.u32 s9, $0xF7A;
	s5 =	simm.s32 @!p2 $0x0  }
0x1d: {  	s5 =	simm.s32 @p1 $0x1;
	p0 =	seq.s32 s7, s2  }
0x1e: {  	s7 =	smul.u32 @!p0 $0xF7A, s2;
	p2 =	seq.s32 @!p0 s5, $0x0  }
0x1f: {  	s9 =	smul.u32 $0xF7A, s1;
	s8 =	simm.s32 @!p0 $0x1BF5;
	p2 =	por !p2, p0  }
0x20: {  	[sflag:s8] =	ssyncset.s32 @!p0 $0xFFFFF086;
	s6 =	sadd.s32 @!p0 s3, s7;
	s7 =	simm.s32 @!p0 $0x108  }
0x21: {  	s3 =	sadd.s32 s3, s9;
	s6 =	sadd.s32 @!p0 $0x88, s6;
	s7 =	simm.s32 @p2 $0x1082  }
0x22: {  	[simem:s7], [sflag:s8] =	dma.local @!p0 [hbm:s6], $0xF7A  }
0x23: {  	s9 =	sor.u32 $0xD0000000, s2;
	s6 =	simm.s32 $0x108;
	_ =	swait.ge @!p0 [sflag:s8], $0x0  }
0x24: {  	s3 =	sadd.s32 $0x88, s3;
	s6 =	simm.s32 @!p1 $0x1082;
	[sflag:s4] =	ssyncset.s32 $0xFFFFF086  }
0x25: {  	[simem:s6], [sflag:s4] =	dma.local [hbm:s3], $0xF7A  }
0x26: {  	[smem:$0x3F9D] =	sst s1;
	(tag) =	ssettag s2;
	_ =	strace s9  }
0x27: {  	s1 =	sld [smem:$0x3FAD]  }
0x28: {  	s2 =	sld [smem:$0x3FAE]  }
0x29: {  	s4 =	sld [smem:$0x3FB0]  }
0x2a: {  	p0 =	seq.s32 s5, $0x0;
	s5 =	sld [smem:$0x3FB1]  }
0x2b: {  	s6 =	sld [smem:$0x3FB2]  }
0x2c: {  	s7 =	sld [smem:$0x3FB3]  }
0x2d: {  	s3 =	simm.s32 $0x108;
	s8 =	sld [smem:$0x3FB4]  }
0x2e: {  	s3 =	simm.s32 @!p0 $0x1082;
	s9 =	sld [smem:$0x3FB5]  }
0x2f: {  	lr =	sadd.s32 s0, s3;
	s0 =	sld [smem:$0x3FAC]  }
0x30: {  	s3 =	sld [smem:$0x3FAF]  }
0x31: {  	[smem:$0x3FB8] =	sst s10  }
0x32: {  	s10 =	sld [smem:$0x3FB6];
	_ =	sdelay $0x3  }
0x33: {  	p0 =	seq.s32 s10, $0x1;
	s10 =	sld [smem:$0x3FB8];
	_ =	sdelay $0x3  }
0x34: {  	[smem:$0x3FB8] =	sst s10  }
0x35: {  	s10 =	sld [smem:$0x3FB7];
	_ =	sdelay $0x3  }
0x36: {  	p1 =	seq.s32 s10, $0x1;
	s10 =	sld [smem:$0x3FB8];
	_ =	sdelay $0x3  }
0x37: {  	[smem:$0x3FB8] =	sst s10  }
0x38: {  	s10 =	sld [smem:$0x3FB9]  }
0x39: {  	_ = 	snop;
	(pc) =	sbr.ind lr, $3  }
0x3a: {  	_ = 	snop  }
0x3b: {  	_ = 	snop  }
0x3c: {  	p2 =	seq.s32 s10, $0x1;
	s10 =	sld [smem:$0x3FB8]  }
0x3d: {  	_ =	shalt  }
0x3e: {  	_ =	shalt  }
0x3f: {  	_ =	shalt  }
0x40: {  	_ =	shalt  }
0x41: {  	_ =	shalt  }
0x42: {  	_ =	shalt  }
0x43: {  	_ =	shalt  }
0x44: {  	_ =	shalt  }
0x45: {  	_ =	shalt  }
0x46: {  	_ =	shalt  }
0x47: {  	_ =	shalt  }
0x48: {  	_ =	shalt  }
0x49: {  	_ =	shalt  }
0x4a: {  	_ =	shalt  }
0x4b: {  	_ =	shalt  }
0x4c: {  	_ =	shalt  }
0x4d: {  	_ =	shalt  }
0x4e: {  	_ =	shalt  }
0x4f: {  	_ =	shalt  }
0x50: {  	_ =	shalt  }
0x51: {  	_ =	shalt  }
0x52: {  	_ =	shalt  }
0x53: {  	_ =	shalt  }
0x54: {  	_ =	shalt  }
0x55: {  	_ =	shalt  }
0x56: {  	_ =	shalt  }
0x57: {  	_ =	shalt  }
0x58: {  	_ =	shalt  }
0x59: {  	_ =	shalt  }
0x5a: {  	_ =	shalt  }
0x5b: {  	_ =	shalt  }
0x5c: {  	_ =	shalt  }
0x5d: {  	_ =	shalt  }
0x5e: {  	_ =	shalt  }
0x5f: {  	_ =	shalt  }
0x60: {  	_ =	shalt  }
0x61: {  	_ =	shalt  }
0x62: {  	_ =	shalt  }
0x63: {  	_ =	shalt  }
0x64: {  	_ =	shalt  }
0x65: {  	_ =	shalt  }
0x66: {  	_ =	shalt  }
0x67: {  	_ =	shalt  }
0x68: {  	_ =	shalt  }
0x69: {  	_ =	shalt  }
0x6a: {  	_ =	shalt  }
0x6b: {  	_ =	shalt  }
0x6c: {  	_ =	shalt  }
0x6d: {  	_ =	shalt  }
0x6e: {  	_ =	shalt  }
0x6f: {  	_ =	shalt  }
0x70: {  	_ =	shalt  }
0x71: {  	_ =	shalt  }
0x72: {  	_ =	shalt  }
0x73: {  	_ =	shalt  }
0x74: {  	_ =	shalt  }
0x75: {  	_ =	shalt  }
0x76: {  	_ =	shalt  }
0x77: {  	_ =	shalt  }
0x78: {  	_ =	shalt  }
0x79: {  	_ =	shalt  }
0x7a: {  	_ =	shalt  }
0x7b: {  	_ =	shalt  }
0x7c: {  	_ =	shalt  }
0x7d: {  	_ =	shalt  }
0x7e: {  	_ =	shalt  }
0x7f: {  	_ =	shalt  }
0x80: {  	_ =	shalt  }
0x81: {  	_ =	shalt  }
0x82: {  	_ =	shalt  }
0x83: {  	_ =	shalt  }
0x84: {  	_ =	shalt  }
0x85: {  	_ =	shalt  }
0x86: {  	_ =	shalt  }
0x87: {  	_ =	shalt  }
.Lfunc_end0:
.L_simem_size_0:
called_computation_lowered:
.L_overlay_start_0:
0x88: {  	s2 =	sld [smem:$0x3FD9]  }
0x89: {  	s3 =	sld [smem:$0x3FFE];
	_ =	sdelay $0x1  }
0x8a: {  	s1 =	srdreg.scid  }
0x8b: {  	s0 =	sand.u32 $0x1, s1  }
0x8c: {  	s17 =	sshll.u32 s0, $0xA;
	s2 =	sadd.s32 s3, s2  }
0x8d: {  	s2 =	sadd.s32 s2, s17  }
0x8e: {  	[smem:$0x3FC4] =	sst s2  }
0x8f: {  	_ = 	snop  }
0x90: {  	s2 =	sld [smem:$0x3FC9]  }
0x91: {  	s18 =	sld [smem:$0x3FD0];
	(tm) =	ssettm $0x1  }
0x92: {  	s4 =	sld [smem:$0x3FFB];
	_ =	sdelay $0x3  }
0x93: {  	_ =	strace s4  }
0x94: {  	s4 =	sld [smem:$0x3FFC];
	_ =	sdelay $0x3  }
0x95: {  	_ =	strace s4  }
0x96: {  	s4 =	sld [smem:$0x3FFD];
	_ =	sdelay $0x3  }
0x97: {  	_ =	strace s4  }
0x98: {  	_ =	strace $0x8FFFFFFF  }
0x99: {  	s19 =	sld [smem:$0x3FDB];
	_ =	sdelay $0x1  }
0x9a: {  	s5 =	simm.s32 $_scs_section_size  }
0x9b: {  	s6 =	simm.s32 $_size__tile_overlayer_lowered;
	s7 =	simm.s32 $_tile_overlayer_lowered  }
0x9c: {  	s22 =	simm.s32 $0x1BFF;
	s21 =	sshll.u32 s7, $0x1;
	s4 =	sadd.s32 s5, s19  }
0x9d: {  	s8 =	simm.s32 $0x0;
	s20 =	sshll.u32 s6, $0x1;
	s6 =	sadd.s32 s21, s4  }
0x9e: {  	[timem:s8], [sflag:s22] =	dma.local [hbm:s6], s20  }
0x9f: {  	_ =	swait.ge [sflag:s22], s20  }
0xa0: {  	s5 =	ssub.s32 $0x0, s20;
	[sflag:s22] =	ssyncset.done $0x0  }
0xa1: {  	[sflag:s22] =	ssyncadd.s32 s5;
	_ =	sdelay $0x1  }
0xa2: {  	s23 =	simm.s32 $0x1B8B  }
0xa3: {  	_ =	swait.ge [sflag:s23], $0x1  }
0xa4: {  	[sflag:s23] =	ssyncset.done $0x0  }
0xa5: {  	s25 =	simm.s32 $0x1B8E;
	s24 =	sld [smem:$0x3FFE];
	[sflag:s23] =	ssyncadd.s32 $0xFFFFFFFF  }
0xa6: {  	s26 =	simm.s32 $execute0_lowered;
	[smem:$0x3FD2] =	sst s25  }
0xa7: {  	s6 =	sshll.u32 s26, $0x1;
	_ =	strace $0x80000046;
	[dreg:$0x1] =	wrdreg $0xFFFFFFFF  }
0xa8: {  	s28 =	simm.s32 $_size_execute0_lowered;
	s4 =	sadd.s32 s4, s6;
	[dreg:$0x0] =	wrdreg $0x0  }
0xa9: {  	s6 =	sshll.u32 s28, $0x1;
	[dreg:$0x2] =	wrdreg s4  }
0xaa: {  	[dreg:$0x3] =	wrdreg s6  }
0xab: {  	[dreg:$0x4] =	wrdreg $0xC0  }
0xac: {  	_ =	task [dreg:s8], $0x5FFFF  }
0xad: {  	[dreg:$0x1] =	wrdreg $0xFFFFFFFF  }
0xae: {  	[dreg:$0x0] =	wrdreg $0x60  }
0xaf: {  	[dreg:$0x2] =	wrdreg s24  }
0xb0: {  	[dreg:$0x3] =	wrdreg s2  }
0xb1: {  	[dreg:$0x4] =	wrdreg s18  }
0xb2: {  	[dreg:$0x5] =	wrdreg $0x9  }
0xb3: {  	_ =	task.clear_ibuf [dreg:s8], $0x6FFFF;
	_ =	strace $0x90000046  }
0xb4: {  	s29 =	simm.s32 $0x9;
	_ =	strace $0x80000048  }
0xb5: {  	_ =	swait.ge [sflag:s29], $0x1  }
0xb6: {  	[sflag:s29] =	ssyncadd.s32 $0xFFFFFFFF  }
0xb7: {  	_ =	strace $0x90000048  }
0xb8: {  	_ =	sfence  }
0xb9: {  	s30 =	sld [smem:$0x0];
	_ =	sdelay $0x2  }
0xba: {  	s31 =	sshll.u32 s1, $0xD;
	s1 =	sshrl.u32 s1, $0x2  }
0xbb: {  	s3 =	sand.u32 $0x4000, s31;
	s1 =	sadd.s32 s1, s30  }
0xbc: {  	s0 =	sor.u32 s3, s0;
	s1 =	sshll.u32 s1, $0x11  }
0xbd: {  	s0 =	sor.u32 s1, s0  }
0xbe: {  	s0 =	sadd.s32 $0x8F2B, s0  }
0xbf: {  	[sflag:s0] =	ssyncadd.remote.s32 $0x1  }
0xc0: {  	_ =	sfence.sel $0xFFFF  }
0xc1: {  	[dreg:$0x0] =	wrdreg $0xFFFFFFFF;
	(pc) =	sbr.abs _section_cstart, $3  }
0xc2: {  	[dreg:$0x1] =	wrdreg $0xFFFFFFFF  }
0xc3: {  	_ =	task.clear_ibuf [dreg:s8], $0x2FFFF;
	_ =	strace $0x9FFFFFFF  }
0xc4: {  	(tm) =	ssettm $0x7FFFFFFF  }
0xc5: {  	_ =	shalt  }
tec
execute0_lowered:
.L_overlay_start_1:
0x0: {  	(tag) =	ssettag $0x1  }
0x1: {  	s0 =	rddreg [dreg:$0x0]  }
0x2: {  	s3 =	rddreg [dreg:$0x2]  }
0x3: {  	s1 =	srdreg.scid;
	s2 =	stileid.u32;
	s4 =	simm.s32 $0x0  }
0x4: {  	s20 =	simm.s32 $0x3;
	s22 =	simm.s32 $0x19B00;
	s28 =	simm.s32 $0x19D80  }
0x5: {  	s29 =	simm.s32 $0x19E00;
	s30 =	simm.s32 $0x19E80;
	s19 =	simm.s32 $0x1A100  }
0x6: {  	s21 =	simm.s32 $0x1A200;
	s7 =	simm.s32 $0x1;
	s15 =	simm.s32 $0x2  }
0x7: {  	s1 =	sand.u32 $0x1, s1;
	s2 =	sshll.u32 s2, $0x1;
	[smem:$0x7FF] =	sst s4  }
0x8: {  	s0 =	sadd.s32 $0xA00, s0;
	s8 =	sadd.s32 $0x200, s3;
	s9 =	sadd.s32 $0x400, s3  }
0x9: {  	s10 =	sadd.s32 $0x600, s3;
	s5 =	ssub.s32 $0x2, s1;
	s1 =	sor.u32 s1, s2  }
0xa: {  	s11 =	sadd.s32 $0x800, s3;
	s12 =	sadd.s32 $0xA00, s3;
	s6 =	smul.u32 $0x6400, s1  }
0xb: {  	_ =	strace $0x80000047;
	[dreg:$0x5] =	wrdreg s0;
	s1 =	smul.u32 $0xC8, s1  }
0xc: {  	s13 =	sadd.s32 $0xC00, s3;
	s14 =	sadd.s32 $0xE00, s3;
	[dreg:$0x4] =	wrdreg s6  }
0xd: {  	s2 =	simm.s32 $0x1A180;
	s25 =	sadd.s32 $0x8, s1;
	[dreg:$0x6] =	wrdreg s1  }
0xe: {  	s23 =	sshrl.u32 s5, $0x1;
	s26 =	sadd.s32 $0x10, s1;
	[dreg:$0x7] =	wrdreg s25  }
0xf: {  	s24 =	ssub.s32 s5, s23;
	s31 =	sadd.s32 $0x18, s1;
	[dreg:$0x8] =	wrdreg s26  }
0x10: {  	s23 =	simm.s32 $0x19B80;
	s1 =	sadd.s32 $0x20, s1;
	[dreg:$0x9] =	wrdreg s31  }
0x11: {  	s5 =	simm.s32 $0x1A280;
	s0 =	smax.u32 s24, $0x1;
	[dreg:$0xa] =	wrdreg s1  }
0x12: {  	s24 =	simm.s32 $0x19C00;
	s6 =	simm.s32 $0x1A080;
	[dreg:$0xb] =	wrdreg s0  }
0x13: {  	s25 =	simm.s32 $0x19C80;
	s26 =	simm.s32 $0x19D00;
	s1 =	simm.s32 $0x0  }
.LBB2_1:
0x14: {  	[dreg:$0xc] =	wrdreg s1  }
0x15: {  	s0 =	rddreg [dreg:$0x5]  }
0x16: {  	[tilespmem:s4], [sflag:$0x3] =	stream.linear.gather [hbm4b:s0+s4], $0x18700, $0x38;
	[tilespmem:$0x1A300] =	vst v63  }
0x17: {  	_ =	swait.ge [sflag:s20], $0x18700  }
0x18: {  	[sflag:s20] =	ssyncset.done $0x0  }
0x19: {  	s16 =	simm.s32 $0x0;
	[sflag:s20] =	ssyncadd.s32 $0xFFFE7900  }
.LBB2_2:
0x1a: {  	s0 =	smul.u32 $0x1400, s16  }
0x1b: {  	s17 =	rddreg [dreg:$0x4]  }
0x1c: {  	s0 =	sadd.s32 s17, s0  }
0x1d: {  	s1 =	rddreg [dreg:$0x1];
	s0 =	sshrl.u32 s0, $0x3  }
0x1e: {  	s18 =	simm.s32 $0x18700;
	s0 =	sadd.s32 s1, s0  }
0x1f: {  	[tilespmem:s18], [sflag:$0x3] =	stream.linear.gather [hbm4b:s0+s4], $0x1400, $0x38;
	[tilespmem:$0x1A300] =	vst v63  }
0x20: {  	_ =	swait.ge [sflag:s20], $0x1400  }
0x21: {  	p0 =	seq.s32 s16, $0x0;
	[sflag:s20] =	ssyncset.done $0x0  }
0x22: {  	s0 =	simm.s32 @!p0 $0x1;
	[sflag:s20] =	ssyncadd.s32 $0xFFFFEC00  }
0x23: {  	_ =	swait.ge @!p0 [sflag:s0], $0x80  }
0x24: {  	[sflag:s0] =	ssyncset.done @!p0 $0x0  }
0x25: {  	[sflag:s0] =	ssyncadd.s32 @!p0 $0xFFFFFF80  }
0x26: {  	_ =	swait.ge @!p0 [sflag:s0], $0x80  }
0x27: {  	[sflag:s0] =	ssyncset.done @!p0 $0x0  }
0x28: {  	[sflag:s0] =	ssyncadd.s32 @!p0 $0xFFFFFF80  }
0x29: {  	_ =	swait.ge @!p0 [sflag:s0], $0x80  }
0x2a: {  	[sflag:s0] =	ssyncset.done @!p0 $0x0  }
0x2b: {  	[sflag:s0] =	ssyncadd.s32 @!p0 $0xFFFFFF80  }
0x2c: {  	_ =	swait.ge @!p0 [sflag:s0], $0x80  }
0x2d: {  	[sflag:s0] =	ssyncset.done @!p0 $0x0  }
0x2e: {  	[sflag:s0] =	ssyncadd.s32 @!p0 $0xFFFFFF80  }
0x2f: {  	_ =	swait.ge @!p0 [sflag:s0], $0x80  }
0x30: {  	[sflag:s0] =	ssyncset.done @!p0 $0x0  }
0x31: {  	[sflag:s0] =	ssyncadd.s32 @!p0 $0xFFFFFF80  }
0x32: {  	_ =	swait.ge @!p0 [sflag:s0], $0x80  }
0x33: {  	[sflag:s0] =	ssyncset.done @!p0 $0x0  }
0x34: {  	[sflag:s0] =	ssyncadd.s32 @!p0 $0xFFFFFF80  }
0x35: {  	s17 =	smul.u32 $0x28, s16;
	_ =	swait.ge @!p0 [sflag:s0], $0x80  }
0x36: {  	s18 =	rddreg [dreg:$0x6];
	[sflag:s0] =	ssyncset.done @!p0 $0x0  }
0x37: {  	p1 =	por $0x1, $0x1;
	s18 =	sadd.s32 s18, s17;
	[sflag:s0] =	ssyncadd.s32 @!p0 $0xFFFFFF80  }
0x38: {  	s31 =	sshll.u32 s18, $0x4;
	s18 =	sshll.u32 s18, $0x1;
	_ =	swait.ge @!p0 [sflag:s0], $0x80  }
0x39: {  	s31 =	sand.u32 $0xFFFF000, s31;
	s18 =	sand.u32 $0x1F0, s18;
	[sflag:s0] =	ssyncset.done @!p0 $0x0  }
0x3a: {  	s18 =	sor.u32 s18, s31;
	[sflag:s0] =	ssyncadd.s32 @!p0 $0xFFFFFF80;
	s31 =	simm.s32 $0x0  }
.LBB2_3:
0x3b: {  	v0 =	vld [tilespmem:s31+$0x18700]  }
0x3c: {  	v1 =	vld [tilespmem:s31+$0x18780]  }
0x3d: {  	v2 =	vld [tilespmem:s31+$0x18800]  }
0x3e: {  	v3 =	vld [tilespmem:s31+$0x18880]  }
0x3f: {  	v36 =	vld [tilespmem:s31+$0x18710]  }
0x40: {  	v37 =	vld [tilespmem:s31+$0x18790]  }
0x41: {  	v38 =	vld [tilespmem:s31+$0x18810]  }
0x42: {  	v39 =	vld [tilespmem:s31+$0x18890]  }
0x43: {  	v40 =	vld [tilespmem:s31+$0x18720]  }
0x44: {  	v41 =	vld [tilespmem:s31+$0x187A0]  }
0x45: {  	v42 =	vld [tilespmem:s31+$0x18820]  }
0x46: {  	v43 =	vld [tilespmem:s31+$0x188A0]  }
0x47: {  	v44 =	vld [tilespmem:s31+$0x18730]  }
0x48: {  	v45 =	vld [tilespmem:s31+$0x187B0]  }
0x49: {  	v46 =	vld [tilespmem:s31+$0x18830]  }
0x4a: {  	v47 =	vld [tilespmem:s31+$0x188B0]  }
0x4b: {  	v48 =	vld [tilespmem:s31+$0x18740]  }
0x4c: {  	v49 =	vld [tilespmem:s31+$0x187C0]  }
0x4d: {  	v50 =	vld [tilespmem:s31+$0x18840]  }
0x4e: {  	v51 =	vld [tilespmem:s31+$0x188C0]  }
0x4f: {  	v0 =	vld.idx.msk [tilespmem:v0+s4+$0x0], $0xffff  }
0x50: {  	v1 =	vld.idx.msk [tilespmem:v1+s4+$0x0], $0xffff  }
0x51: {  	v2 =	vld.idx.msk [tilespmem:v2+s4+$0x0], $0xffff  }
0x52: {  	v3 =	vld.idx.msk [tilespmem:v3+s4+$0x0], $0xffff  }
0x53: {  	v52 =	vld [tilespmem:s31+$0x18750]  }
0x54: {  	v53 =	vld [tilespmem:s31+$0x187D0];
	[tilespmem:s31+$0x19B00] =	vst v0  }
0x55: {  	[tilespmem:s31+$0x19B80] =	vst v1;
	v0 =	vld.idx.msk [tilespmem:v36+s4+$0x0], $0xffff  }
0x56: {  	[tilespmem:s31+$0x19C00] =	vst v2;
	v1 =	vld.idx.msk [tilespmem:v37+s4+$0x0], $0xffff  }
0x57: {  	[tilespmem:s31+$0x19C80] =	vst v3;
	v2 =	vld.idx.msk [tilespmem:v38+s4+$0x0], $0xffff  }
0x58: {  	v3 =	vld.idx.msk [tilespmem:v39+s4+$0x0], $0xffff  }
0x59: {  	v54 =	vld [tilespmem:s31+$0x18850]  }
0x5a: {  	v55 =	vld [tilespmem:s31+$0x188D0];
	[tilespmem:s31+$0x19B10] =	vst v0  }
0x5b: {  	[tilespmem:s31+$0x19B90] =	vst v1;
	v0 =	vld.idx.msk [tilespmem:v40+s4+$0x0], $0xffff  }
0x5c: {  	[tilespmem:s31+$0x19C10] =	vst v2;
	v1 =	vld.idx.msk [tilespmem:v41+s4+$0x0], $0xffff  }
0x5d: {  	[tilespmem:s31+$0x19C90] =	vst v3;
	v2 =	vld.idx.msk [tilespmem:v42+s4+$0x0], $0xffff  }
0x5e: {  	v3 =	vld.idx.msk [tilespmem:v43+s4+$0x0], $0xffff  }
0x5f: {  	v56 =	vld [tilespmem:s31+$0x18760]  }
0x60: {  	v57 =	vld [tilespmem:s31+$0x187E0];
	[tilespmem:s31+$0x19B20] =	vst v0  }
0x61: {  	[tilespmem:s31+$0x19BA0] =	vst v1;
	v0 =	vld.idx.msk [tilespmem:v44+s4+$0x0], $0xffff  }
0x62: {  	[tilespmem:s31+$0x19C20] =	vst v2;
	v1 =	vld.idx.msk [tilespmem:v45+s4+$0x0], $0xffff  }
0x63: {  	[tilespmem:s31+$0x19CA0] =	vst v3;
	v2 =	vld.idx.msk [tilespmem:v46+s4+$0x0], $0xffff  }
0x64: {  	v3 =	vld.idx.msk [tilespmem:v47+s4+$0x0], $0xffff  }
0x65: {  	v58 =	vld [tilespmem:s31+$0x18860]  }
0x66: {  	v59 =	vld [tilespmem:s31+$0x188E0];
	[tilespmem:s31+$0x19B30] =	vst v0  }
0x67: {  	[tilespmem:s31+$0x19BB0] =	vst v1;
	v0 =	vld.idx.msk [tilespmem:v48+s4+$0x0], $0xffff  }
0x68: {  	[tilespmem:s31+$0x19C30] =	vst v2;
	v1 =	vld.idx.msk [tilespmem:v49+s4+$0x0], $0xffff  }
0x69: {  	[tilespmem:s31+$0x19CB0] =	vst v3;
	v2 =	vld.idx.msk [tilespmem:v50+s4+$0x0], $0xffff  }
0x6a: {  	v3 =	vld.idx.msk [tilespmem:v51+s4+$0x0], $0xffff  }
0x6b: {  	v60 =	vld [tilespmem:s31+$0x18770]  }
0x6c: {  	v61 =	vld [tilespmem:s31+$0x187F0];
	[tilespmem:s31+$0x19B40] =	vst v0  }
0x6d: {  	[tilespmem:s31+$0x19BC0] =	vst v1;
	v0 =	vld.idx.msk [tilespmem:v52+s4+$0x0], $0xffff  }
0x6e: {  	[tilespmem:s31+$0x19C40] =	vst v2;
	v1 =	vld.idx.msk [tilespmem:v53+s4+$0x0], $0xffff  }
0x6f: {  	[tilespmem:s31+$0x19CC0] =	vst v3;
	v2 =	vld.idx.msk [tilespmem:v54+s4+$0x0], $0xffff  }
0x70: {  	v3 =	vld.idx.msk [tilespmem:v55+s4+$0x0], $0xffff  }
0x71: {  	v62 =	vld [tilespmem:s31+$0x18870]  }
0x72: {  	v63 =	vld [tilespmem:s31+$0x188F0];
	[tilespmem:s31+$0x19B50] =	vst v0  }
0x73: {  	[tilespmem:s31+$0x19BD0] =	vst v1;
	v0 =	vld.idx.msk [tilespmem:v56+s4+$0x0], $0xffff  }
0x74: {  	[tilespmem:s31+$0x19C50] =	vst v2;
	v1 =	vld.idx.msk [tilespmem:v57+s4+$0x0], $0xffff  }
0x75: {  	[tilespmem:s31+$0x19CD0] =	vst v3;
	v2 =	vld.idx.msk [tilespmem:v58+s4+$0x0], $0xffff  }
0x76: {  	v3 =	vld.idx.msk [tilespmem:v59+s4+$0x0], $0xffff;
	_ =	sdelay $0x1  }
0x77: {  	[tilespmem:s31+$0x19B60] =	vst v0  }
0x78: {  	[tilespmem:s31+$0x19BE0] =	vst v1;
	v0 =	vld.idx.msk [tilespmem:v60+s4+$0x0], $0xffff  }
0x79: {  	[tilespmem:s31+$0x19C60] =	vst v2;
	v1 =	vld.idx.msk [tilespmem:v61+s4+$0x0], $0xffff  }
0x7a: {  	[tilespmem:s31+$0x19CE0] =	vst v3;
	v2 =	vld.idx.msk [tilespmem:v62+s4+$0x0], $0xffff  }
0x7b: {  	p2 =	por p1, p1;
	v3 =	vld.idx.msk [tilespmem:v63+s4+$0x0], $0xffff  }
.Ltmp0:
0x7c: {  	_ = 	snop;
	(pc) =	sbr.rel @p2 .LBB2_3-.Ltmp0, $4  }
0x7d: {  	[tilespmem:s31+$0x19B70] =	vst v0  }
0x7e: {  	[tilespmem:s31+$0x19BF0] =	vst v1  }
0x7f: {  	[tilespmem:s31+$0x19C70] =	vst v2  }
0x80: {  	p1 =	por $0x0, $0x0;
	[tilespmem:s31+$0x19CF0] =	vst v3;
	s31 =	simm.s32 $0x200  }
0x81: {  	s0 =	sadd.s32 s3, s18  }
0x82: {  	[hbm4b:s0+s4] =	stream.linear.scatter [tilespmem:s22], [sflag:$0x1], $0x80, $0x38;
	[tilespmem:$0x1A300] =	vst v63  }
0x83: {  	s31 =	sadd.s32 s18, s8  }
0x84: {  	[hbm4b:s31+s4] =	stream.linear.scatter [tilespmem:s23], [sflag:$0x1], $0x80, $0x38;
	[tilespmem:$0x1A300] =	vst v63  }
0x85: {  	s1 =	sadd.s32 s18, s9  }
0x86: {  	[hbm4b:s1+s4] =	stream.linear.scatter [tilespmem:s24], [sflag:$0x1], $0x80, $0x38;
	[tilespmem:$0x1A300] =	vst v63  }
0x87: {  	s31 =	sadd.s32 s18, s10  }
0x88: {  	[hbm4b:s31+s4] =	stream.linear.scatter [tilespmem:s25], [sflag:$0x1], $0x80, $0x38;
	[tilespmem:$0x1A300] =	vst v63  }
0x89: {  	s1 =	sadd.s32 s18, s11  }
0x8a: {  	[hbm4b:s1+s4] =	stream.linear.scatter [tilespmem:s26], [sflag:$0x1], $0x80, $0x38;
	[tilespmem:$0x1A300] =	vst v63  }
0x8b: {  	s31 =	sadd.s32 s18, s12  }
0x8c: {  	[hbm4b:s31+s4] =	stream.linear.scatter [tilespmem:s28], [sflag:$0x1], $0x80, $0x38;
	[tilespmem:$0x1A300] =	vst v63  }
0x8d: {  	s1 =	sadd.s32 s18, s13  }
0x8e: {  	[hbm4b:s1+s4] =	stream.linear.scatter [tilespmem:s29], [sflag:$0x1], $0x80, $0x38;
	[tilespmem:$0x1A300] =	vst v63  }
0x8f: {  	s0 =	simm.s32 @!p0 $0x2;
	s18 =	sadd.s32 s18, s14  }
0x90: {  	[hbm4b:s18+s4] =	stream.linear.scatter [tilespmem:s30], [sflag:$0x1], $0x80, $0x38;
	[tilespmem:$0x1A300] =	vst v63  }
0x91: {  	_ =	swait.ge @!p0 [sflag:s0], $0x80  }
0x92: {  	[sflag:s0] =	ssyncset.done @!p0 $0x0  }
0x93: {  	[sflag:s0] =	ssyncadd.s32 @!p0 $0xFFFFFF80  }
0x94: {  	_ =	swait.ge @!p0 [sflag:s0], $0x80  }
0x95: {  	[sflag:s0] =	ssyncset.done @!p0 $0x0  }
0x96: {  	[sflag:s0] =	ssyncadd.s32 @!p0 $0xFFFFFF80  }
0x97: {  	_ =	swait.ge @!p0 [sflag:s0], $0x80  }
0x98: {  	[sflag:s0] =	ssyncset.done @!p0 $0x0  }
0x99: {  	[sflag:s0] =	ssyncadd.s32 @!p0 $0xFFFFFF80  }
0x9a: {  	_ =	swait.ge @!p0 [sflag:s0], $0x80  }
0x9b: {  	[sflag:s0] =	ssyncset.done @!p0 $0x0  }
0x9c: {  	[sflag:s0] =	ssyncadd.s32 @!p0 $0xFFFFFF80  }
0x9d: {  	_ =	swait.ge @!p0 [sflag:s0], $0x80  }
0x9e: {  	[sflag:s0] =	ssyncset.done @!p0 $0x0  }
0x9f: {  	[sflag:s0] =	ssyncadd.s32 @!p0 $0xFFFFFF80  }
0xa0: {  	_ =	swait.ge @!p0 [sflag:s0], $0x80  }
0xa1: {  	[sflag:s0] =	ssyncset.done @!p0 $0x0  }
0xa2: {  	[sflag:s0] =	ssyncadd.s32 @!p0 $0xFFFFFF80  }
0xa3: {  	_ =	swait.ge @!p0 [sflag:s0], $0x80  }
0xa4: {  	s31 =	rddreg [dreg:$0x7]  }
0xa5: {  	[sflag:s0] =	ssyncset.done @!p0 $0x0;
	s18 =	sadd.s32 s31, s17  }
0xa6: {  	[sflag:s0] =	ssyncadd.s32 @!p0 $0xFFFFFF80;
	s31 =	sshll.u32 s18, $0x4;
	s18 =	sshll.u32 s18, $0x1  }
0xa7: {  	_ =	swait.ge @!p0 [sflag:s0], $0x80;
	s31 =	sand.u32 $0xFFFF000, s31;
	s18 =	sand.u32 $0x1F0, s18  }
0xa8: {  	[sflag:s0] =	ssyncset.done @!p0 $0x0;
	s18 =	sor.u32 s18, s31  }
0xa9: {  	[sflag:s0] =	ssyncadd.s32 @!p0 $0xFFFFFF80;
	s0 =	simm.s32 $0x0;
	p0 =	por $0x1, $0x1  }
.LBB2_5:
0xaa: {  	s0 =	sshll.u32 s0, $0x7  }
0xab: {  	v0 =	vld [tilespmem:s0+$0x18B00];
	_ =	sdelay $0x3  }
0xac: {  	v1 =	vld [tilespmem:s0+$0x18B80]  }
0xad: {  	v2 =	vld [tilespmem:s0+$0x18C00];
	_ =	sdelay $0x1  }
0xae: {  	v3 =	vld [tilespmem:s0+$0x18C80]  }
0xaf: {  	v0 =	vld.idx.msk [tilespmem:v0+s4+$0x0], $0xffff  }
0xb0: {  	v4 =	vld [tilespmem:s0+$0x18B90]  }
0xb1: {  	v5 =	vld [tilespmem:s0+$0x18C10]  }
0xb2: {  	v6 =	vld [tilespmem:s0+$0x18C90]  }
0xb3: {  	s31 =	sand.u32 $0x3FFFFF80, s0;
	v1 =	vld.idx.msk [tilespmem:v1+s4+$0x0], $0xffff  }
0xb4: {  	v2 =	vld.idx.msk [tilespmem:v2+s4+$0x0], $0xffff;
	[tilespmem:s31+$0x19F00] =	vst v0  }
0xb5: {  	v0 =	vld [tilespmem:s0+$0x18B10]  }
0xb6: {  	v3 =	vld.idx.msk [tilespmem:v3+s4+$0x0], $0xffff;
	_ =	sdelay $0x2  }
0xb7: {  	[tilespmem:s0+$0x19F80] =	vst v1  }
0xb8: {  	[tilespmem:s0+$0x1A000] =	vst v2;
	v1 =	vld.idx.msk [tilespmem:v4+s4+$0x0], $0xffff  }
0xb9: {  	[tilespmem:s0+$0x1A080] =	vst v3;
	v2 =	vld.idx.msk [tilespmem:v5+s4+$0x0], $0xffff  }
0xba: {  	v3 =	vld.idx.msk [tilespmem:v6+s4+$0x0], $0xffff  }
0xbb: {  	v0 =	vld.idx.msk [tilespmem:v0+s4+$0x0], $0xffff;
	_ =	sdelay $0x1  }
0xbc: {  	[tilespmem:s31+$0x19F90] =	vst v1  }
0xbd: {  	[tilespmem:s31+$0x1A010] =	vst v2;
	v1 =	vld [tilespmem:s0+$0x18BA0]  }
0xbe: {  	[tilespmem:s31+$0x1A090] =	vst v3;
	v2 =	vld [tilespmem:s0+$0x18C20]  }
0xbf: {  	v3 =	vld [tilespmem:s0+$0x18CA0];
	[tilespmem:s31+$0x19F10] =	vst v0  }
0xc0: {  	v0 =	vld [tilespmem:s0+$0x18B20];
	_ =	sdelay $0x4  }
0xc1: {  	v1 =	vld.idx.msk [tilespmem:v1+s4+$0x0], $0xffff  }
0xc2: {  	v2 =	vld.idx.msk [tilespmem:v2+s4+$0x0], $0xffff  }
0xc3: {  	v3 =	vld.idx.msk [tilespmem:v3+s4+$0x0], $0xffff  }
0xc4: {  	v0 =	vld.idx.msk [tilespmem:v0+s4+$0x0], $0xffff;
	_ =	sdelay $0x1  }
0xc5: {  	[tilespmem:s31+$0x19FA0] =	vst v1  }
0xc6: {  	[tilespmem:s31+$0x1A020] =	vst v2;
	v1 =	vld [tilespmem:s0+$0x18BB0]  }
0xc7: {  	[tilespmem:s31+$0x1A0A0] =	vst v3;
	v2 =	vld [tilespmem:s0+$0x18C30]  }
0xc8: {  	v3 =	vld [tilespmem:s0+$0x18CB0];
	[tilespmem:s31+$0x19F20] =	vst v0  }
0xc9: {  	v0 =	vld [tilespmem:s0+$0x18B30];
	_ =	sdelay $0x4  }
0xca: {  	v1 =	vld.idx.msk [tilespmem:v1+s4+$0x0], $0xffff  }
0xcb: {  	v2 =	vld.idx.msk [tilespmem:v2+s4+$0x0], $0xffff  }
0xcc: {  	v3 =	vld.idx.msk [tilespmem:v3+s4+$0x0], $0xffff  }
0xcd: {  	v0 =	vld.idx.msk [tilespmem:v0+s4+$0x0], $0xffff;
	_ =	sdelay $0x1  }
0xce: {  	[tilespmem:s31+$0x19FB0] =	vst v1  }
0xcf: {  	[tilespmem:s31+$0x1A030] =	vst v2;
	v1 =	vld [tilespmem:s0+$0x18BC0]  }
0xd0: {  	[tilespmem:s31+$0x1A0B0] =	vst v3;
	v2 =	vld [tilespmem:s0+$0x18C40]  }
0xd1: {  	v3 =	vld [tilespmem:s0+$0x18CC0];
	[tilespmem:s31+$0x19F30] =	vst v0  }
0xd2: {  	v0 =	vld [tilespmem:s0+$0x18B40];
	_ =	sdelay $0x4  }
0xd3: {  	v1 =	vld.idx.msk [tilespmem:v1+s4+$0x0], $0xffff  }
0xd4: {  	v2 =	vld.idx.msk [tilespmem:v2+s4+$0x0], $0xffff  }
0xd5: {  	v3 =	vld.idx.msk [tilespmem:v3+s4+$0x0], $0xffff  }
0xd6: {  	v0 =	vld.idx.msk [tilespmem:v0+s4+$0x0], $0xffff;
	_ =	sdelay $0x1  }
0xd7: {  	[tilespmem:s31+$0x19FC0] =	vst v1  }
0xd8: {  	[tilespmem:s31+$0x1A040] =	vst v2;
	v1 =	vld [tilespmem:s0+$0x18BD0]  }
0xd9: {  	[tilespmem:s31+$0x1A0C0] =	vst v3;
	v2 =	vld [tilespmem:s0+$0x18C50]  }
0xda: {  	v3 =	vld [tilespmem:s0+$0x18CD0];
	[tilespmem:s31+$0x19F40] =	vst v0  }
0xdb: {  	v0 =	vld [tilespmem:s0+$0x18B50];
	_ =	sdelay $0x4  }
0xdc: {  	v1 =	vld.idx.msk [tilespmem:v1+s4+$0x0], $0xffff  }
0xdd: {  	v2 =	vld.idx.msk [tilespmem:v2+s4+$0x0], $0xffff  }
0xde: {  	v3 =	vld.idx.msk [tilespmem:v3+s4+$0x0], $0xffff  }
0xdf: {  	v0 =	vld.idx.msk [tilespmem:v0+s4+$0x0], $0xffff;
	_ =	sdelay $0x1  }
0xe0: {  	[tilespmem:s31+$0x19FD0] =	vst v1  }
0xe1: {  	[tilespmem:s31+$0x1A050] =	vst v2;
	v1 =	vld [tilespmem:s0+$0x18BE0]  }
0xe2: {  	[tilespmem:s31+$0x1A0D0] =	vst v3;
	v2 =	vld [tilespmem:s0+$0x18C60]  }
0xe3: {  	v3 =	vld [tilespmem:s0+$0x18CE0];
	[tilespmem:s31+$0x19F50] =	vst v0  }
0xe4: {  	v0 =	vld [tilespmem:s0+$0x18B60];
	_ =	sdelay $0x4  }
0xe5: {  	v1 =	vld.idx.msk [tilespmem:v1+s4+$0x0], $0xffff  }
0xe6: {  	v2 =	vld.idx.msk [tilespmem:v2+s4+$0x0], $0xffff  }
0xe7: {  	v3 =	vld.idx.msk [tilespmem:v3+s4+$0x0], $0xffff  }
0xe8: {  	v0 =	vld.idx.msk [tilespmem:v0+s4+$0x0], $0xffff;
	_ =	sdelay $0x1  }
0xe9: {  	[tilespmem:s31+$0x19FE0] =	vst v1  }
0xea: {  	[tilespmem:s31+$0x1A060] =	vst v2;
	v1 =	vld [tilespmem:s0+$0x18BF0]  }
0xeb: {  	[tilespmem:s31+$0x1A0E0] =	vst v3;
	v2 =	vld [tilespmem:s0+$0x18C70]  }
0xec: {  	v3 =	vld [tilespmem:s0+$0x18CF0];
	[tilespmem:s31+$0x19F60] =	vst v0  }
0xed: {  	v0 =	vld [tilespmem:s0+$0x18B70];
	_ =	sdelay $0x4  }
0xee: {  	v1 =	vld.idx.msk [tilespmem:v1+s4+$0x0], $0xffff  }
0xef: {  	v2 =	vld.idx.msk [tilespmem:v2+s4+$0x0], $0xffff  }
0xf0: {  	v3 =	vld.idx.msk [tilespmem:v3+s4+$0x0], $0xffff  }
0xf1: {  	p1 =	por p0, p0;
	v0 =	vld.idx.msk [tilespmem:v0+s4+$0x0], $0xffff  }
.Ltmp1:
0xf2: {  	_ = 	snop;
	(pc) =	sbr.rel @p1 .LBB2_5-.Ltmp1, $4  }
0xf3: {  	[tilespmem:s31+$0x19FF0] =	vst v1  }
0xf4: {  	[tilespmem:s31+$0x1A070] =	vst v2  }
0xf5: {  	[tilespmem:s31+$0x1A0F0] =	vst v3  }
0xf6: {  	p0 =	por $0x0, $0x0;
	s0 =	simm.s32 $0x4;
	[tilespmem:s31+$0x19F70] =	vst v0  }
0xf7: {  	s31 =	sadd.s32 s3, s18;
	s0 =	simm.s32 $0x0;
	s1 =	simm.s32 $0x19F00  }
0xf8: {  	[hbm4b:s31+s0] =	stream.linear.scatter [tilespmem:s1], [sflag:$0x2], $0x80, $0x38;
	[tilespmem:$0x1A300] =	vst v63  }
0xf9: {  	s31 =	sadd.s32 s18, s8;
	s1 =	simm.s32 $0x19F80  }
0xfa: {  	[hbm4b:s31+s0] =	stream.linear.scatter [tilespmem:s1], [sflag:$0x2], $0x80, $0x38;
	[tilespmem:$0x1A300] =	vst v63  }
0xfb: {  	s31 =	sadd.s32 s18, s9;
	s1 =	simm.s32 $0x1A000  }
0xfc: {  	[hbm4b:s31+s0] =	stream.linear.scatter [tilespmem:s1], [sflag:$0x2], $0x80, $0x38;
	[tilespmem:$0x1A300] =	vst v63  }
0xfd: {  	s1 =	sadd.s32 s18, s10  }
0xfe: {  	[hbm4b:s1+s0] =	stream.linear.scatter [tilespmem:s6], [sflag:$0x2], $0x80, $0x38;
	[tilespmem:$0x1A300] =	vst v63  }
0xff: {  	s1 =	sadd.s32 s18, s11  }
0x100: {  	[hbm4b:s1+s0] =	stream.linear.scatter [tilespmem:s19], [sflag:$0x2], $0x80, $0x38;
	[tilespmem:$0x1A300] =	vst v63  }
0x101: {  	s1 =	sadd.s32 s18, s12  }
0x102: {  	[hbm4b:s1+s0] =	stream.linear.scatter [tilespmem:s2], [sflag:$0x2], $0x80, $0x38;
	[tilespmem:$0x1A300] =	vst v63  }
0x103: {  	s1 =	sadd.s32 s18, s13  }
0x104: {  	[hbm4b:s1+s0] =	stream.linear.scatter [tilespmem:s21], [sflag:$0x2], $0x80, $0x38;
	[tilespmem:$0x1A300] =	vst v63  }
0x105: {  	s31 =	sadd.s32 s18, s14  }
0x106: {  	[hbm4b:s31+s0] =	stream.linear.scatter [tilespmem:s5], [sflag:$0x2], $0x80, $0x38;
	[tilespmem:$0x1A300] =	vst v63  }
0x107: {  	_ =	swait.ge [sflag:s7], $0x80  }
0x108: {  	[sflag:s7] =	ssyncset.done $0x0  }
0x109: {  	[sflag:s7] =	ssyncadd.s32 $0xFFFFFF80  }
0x10a: {  	_ =	swait.ge [sflag:s7], $0x80  }
0x10b: {  	[sflag:s7] =	ssyncset.done $0x0  }
0x10c: {  	[sflag:s7] =	ssyncadd.s32 $0xFFFFFF80  }
0x10d: {  	_ =	swait.ge [sflag:s7], $0x80  }
0x10e: {  	[sflag:s7] =	ssyncset.done $0x0  }
0x10f: {  	[sflag:s7] =	ssyncadd.s32 $0xFFFFFF80  }
0x110: {  	_ =	swait.ge [sflag:s7], $0x80  }
0x111: {  	[sflag:s7] =	ssyncset.done $0x0  }
0x112: {  	[sflag:s7] =	ssyncadd.s32 $0xFFFFFF80  }
0x113: {  	_ =	swait.ge [sflag:s7], $0x80  }
0x114: {  	[sflag:s7] =	ssyncset.done $0x0  }
0x115: {  	[sflag:s7] =	ssyncadd.s32 $0xFFFFFF80  }
0x116: {  	_ =	swait.ge [sflag:s7], $0x80  }
0x117: {  	[sflag:s7] =	ssyncset.done $0x0  }
0x118: {  	[sflag:s7] =	ssyncadd.s32 $0xFFFFFF80  }
0x119: {  	_ =	swait.ge [sflag:s7], $0x80  }
0x11a: {  	[sflag:s7] =	ssyncset.done $0x0  }
0x11b: {  	[sflag:s7] =	ssyncadd.s32 $0xFFFFFF80  }
0x11c: {  	_ =	swait.ge [sflag:s7], $0x80  }
0x11d: {  	[sflag:s7] =	ssyncset.done $0x0  }
0x11e: {  	p0 =	por $0x1, $0x1;
	[sflag:s7] =	ssyncadd.s32 $0xFFFFFF80  }
.LBB2_7:
0x11f: {  	s0 =	sshll.u32 s0, $0x7  }
0x120: {  	v0 =	vld [tilespmem:s0+$0x18F00];
	_ =	sdelay $0x3  }
0x121: {  	v1 =	vld [tilespmem:s0+$0x18F80]  }
0x122: {  	v2 =	vld [tilespmem:s0+$0x19000];
	_ =	sdelay $0x1  }
0x123: {  	v3 =	vld [tilespmem:s0+$0x19080]  }
0x124: {  	v0 =	vld.idx.msk [tilespmem:v0+s4+$0x0], $0xffff  }
0x125: {  	v4 =	vld [tilespmem:s0+$0x18F90]  }
0x126: {  	v5 =	vld [tilespmem:s0+$0x19010]  }
0x127: {  	v6 =	vld [tilespmem:s0+$0x19090]  }
0x128: {  	s18 =	sand.u32 $0x3FFFFF80, s0;
	v1 =	vld.idx.msk [tilespmem:v1+s4+$0x0], $0xffff  }
0x129: {  	v2 =	vld.idx.msk [tilespmem:v2+s4+$0x0], $0xffff;
	[tilespmem:s18+$0x19B00] =	vst v0  }
0x12a: {  	v0 =	vld [tilespmem:s0+$0x18F10]  }
0x12b: {  	v3 =	vld.idx.msk [tilespmem:v3+s4+$0x0], $0xffff;
	_ =	sdelay $0x2  }
0x12c: {  	[tilespmem:s0+$0x19B80] =	vst v1  }
0x12d: {  	[tilespmem:s0+$0x19C00] =	vst v2;
	v1 =	vld.idx.msk [tilespmem:v4+s4+$0x0], $0xffff  }
0x12e: {  	[tilespmem:s0+$0x19C80] =	vst v3;
	v2 =	vld.idx.msk [tilespmem:v5+s4+$0x0], $0xffff  }
0x12f: {  	v3 =	vld.idx.msk [tilespmem:v6+s4+$0x0], $0xffff  }
0x130: {  	v0 =	vld.idx.msk [tilespmem:v0+s4+$0x0], $0xffff;
	_ =	sdelay $0x1  }
0x131: {  	[tilespmem:s18+$0x19B90] =	vst v1  }
0x132: {  	[tilespmem:s18+$0x19C10] =	vst v2;
	v1 =	vld [tilespmem:s0+$0x18FA0]  }
0x133: {  	[tilespmem:s18+$0x19C90] =	vst v3;
	v2 =	vld [tilespmem:s0+$0x19020]  }
0x134: {  	v3 =	vld [tilespmem:s0+$0x190A0];
	[tilespmem:s18+$0x19B10] =	vst v0  }
0x135: {  	v0 =	vld [tilespmem:s0+$0x18F20];
	_ =	sdelay $0x4  }
0x136: {  	v1 =	vld.idx.msk [tilespmem:v1+s4+$0x0], $0xffff  }
0x137: {  	v2 =	vld.idx.msk [tilespmem:v2+s4+$0x0], $0xffff  }
0x138: {  	v3 =	vld.idx.msk [tilespmem:v3+s4+$0x0], $0xffff  }
0x139: {  	v0 =	vld.idx.msk [tilespmem:v0+s4+$0x0], $0xffff;
	_ =	sdelay $0x1  }
0x13a: {  	[tilespmem:s18+$0x19BA0] =	vst v1  }
0x13b: {  	[tilespmem:s18+$0x19C20] =	vst v2;
	v1 =	vld [tilespmem:s0+$0x18FB0]  }
0x13c: {  	[tilespmem:s18+$0x19CA0] =	vst v3;
	v2 =	vld [tilespmem:s0+$0x19030]  }
0x13d: {  	v3 =	vld [tilespmem:s0+$0x190B0];
	[tilespmem:s18+$0x19B20] =	vst v0  }
0x13e: {  	v0 =	vld [tilespmem:s0+$0x18F30];
	_ =	sdelay $0x4  }
0x13f: {  	v1 =	vld.idx.msk [tilespmem:v1+s4+$0x0], $0xffff  }
0x140: {  	v2 =	vld.idx.msk [tilespmem:v2+s4+$0x0], $0xffff  }
0x141: {  	v3 =	vld.idx.msk [tilespmem:v3+s4+$0x0], $0xffff  }
0x142: {  	v0 =	vld.idx.msk [tilespmem:v0+s4+$0x0], $0xffff;
	_ =	sdelay $0x1  }
0x143: {  	[tilespmem:s18+$0x19BB0] =	vst v1  }
0x144: {  	[tilespmem:s18+$0x19C30] =	vst v2;
	v1 =	vld [tilespmem:s0+$0x18FC0]  }
0x145: {  	[tilespmem:s18+$0x19CB0] =	vst v3;
	v2 =	vld [tilespmem:s0+$0x19040]  }
0x146: {  	v3 =	vld [tilespmem:s0+$0x190C0];
	[tilespmem:s18+$0x19B30] =	vst v0  }
0x147: {  	v0 =	vld [tilespmem:s0+$0x18F40];
	_ =	sdelay $0x4  }
0x148: {  	v1 =	vld.idx.msk [tilespmem:v1+s4+$0x0], $0xffff  }
0x149: {  	v2 =	vld.idx.msk [tilespmem:v2+s4+$0x0], $0xffff  }
0x14a: {  	v3 =	vld.idx.msk [tilespmem:v3+s4+$0x0], $0xffff  }
0x14b: {  	v0 =	vld.idx.msk [tilespmem:v0+s4+$0x0], $0xffff;
	_ =	sdelay $0x1  }
0x14c: {  	[tilespmem:s18+$0x19BC0] =	vst v1  }
0x14d: {  	[tilespmem:s18+$0x19C40] =	vst v2;
	v1 =	vld [tilespmem:s0+$0x18FD0]  }
0x14e: {  	[tilespmem:s18+$0x19CC0] =	vst v3;
	v2 =	vld [tilespmem:s0+$0x19050]  }
0x14f: {  	v3 =	vld [tilespmem:s0+$0x190D0];
	[tilespmem:s18+$0x19B40] =	vst v0  }
0x150: {  	v0 =	vld [tilespmem:s0+$0x18F50];
	_ =	sdelay $0x4  }
0x151: {  	v1 =	vld.idx.msk [tilespmem:v1+s4+$0x0], $0xffff  }
0x152: {  	v2 =	vld.idx.msk [tilespmem:v2+s4+$0x0], $0xffff  }
0x153: {  	v3 =	vld.idx.msk [tilespmem:v3+s4+$0x0], $0xffff  }
0x154: {  	v0 =	vld.idx.msk [tilespmem:v0+s4+$0x0], $0xffff;
	_ =	sdelay $0x1  }
0x155: {  	[tilespmem:s18+$0x19BD0] =	vst v1  }
0x156: {  	[tilespmem:s18+$0x19C50] =	vst v2;
	v1 =	vld [tilespmem:s0+$0x18FE0]  }
0x157: {  	[tilespmem:s18+$0x19CD0] =	vst v3;
	v2 =	vld [tilespmem:s0+$0x19060]  }
0x158: {  	v3 =	vld [tilespmem:s0+$0x190E0];
	[tilespmem:s18+$0x19B50] =	vst v0  }
0x159: {  	v0 =	vld [tilespmem:s0+$0x18F60];
	_ =	sdelay $0x4  }
0x15a: {  	v1 =	vld.idx.msk [tilespmem:v1+s4+$0x0], $0xffff  }
0x15b: {  	v2 =	vld.idx.msk [tilespmem:v2+s4+$0x0], $0xffff  }
0x15c: {  	v3 =	vld.idx.msk [tilespmem:v3+s4+$0x0], $0xffff  }
0x15d: {  	v0 =	vld.idx.msk [tilespmem:v0+s4+$0x0], $0xffff;
	_ =	sdelay $0x1  }
0x15e: {  	[tilespmem:s18+$0x19BE0] =	vst v1  }
0x15f: {  	[tilespmem:s18+$0x19C60] =	vst v2;
	v1 =	vld [tilespmem:s0+$0x18FF0]  }
0x160: {  	[tilespmem:s18+$0x19CE0] =	vst v3;
	v2 =	vld [tilespmem:s0+$0x19070]  }
0x161: {  	v3 =	vld [tilespmem:s0+$0x190F0];
	[tilespmem:s18+$0x19B60] =	vst v0  }
0x162: {  	v0 =	vld [tilespmem:s0+$0x18F70];
	_ =	sdelay $0x4  }
0x163: {  	v1 =	vld.idx.msk [tilespmem:v1+s4+$0x0], $0xffff  }
0x164: {  	v2 =	vld.idx.msk [tilespmem:v2+s4+$0x0], $0xffff  }
0x165: {  	v3 =	vld.idx.msk [tilespmem:v3+s4+$0x0], $0xffff  }
0x166: {  	p1 =	por p0, p0;
	v0 =	vld.idx.msk [tilespmem:v0+s4+$0x0], $0xffff  }
.Ltmp2:
0x167: {  	_ = 	snop;
	(pc) =	sbr.rel @p1 .LBB2_7-.Ltmp2, $4  }
0x168: {  	[tilespmem:s18+$0x19BF0] =	vst v1  }
0x169: {  	[tilespmem:s18+$0x19C70] =	vst v2  }
0x16a: {  	[tilespmem:s18+$0x19CF0] =	vst v3  }
0x16b: {  	p0 =	por $0x0, $0x0;
	s0 =	simm.s32 $0x4;
	[tilespmem:s18+$0x19B70] =	vst v0  }
0x16c: {  	s0 =	rddreg [dreg:$0x8]  }
0x16d: {  	s0 =	sadd.s32 s0, s17  }
0x16e: {  	s18 =	sshll.u32 s0, $0x4;
	s0 =	sshll.u32 s0, $0x1  }
0x16f: {  	s18 =	sand.u32 $0xFFFF000, s18;
	s0 =	sand.u32 $0x1F0, s0  }
0x170: {  	s18 =	sor.u32 s0, s18  }
0x171: {  	s0 =	simm.s32 $0x0;
	s31 =	sadd.s32 s3, s18  }
0x172: {  	[hbm4b:s31+s0] =	stream.linear.scatter [tilespmem:s22], [sflag:$0x1], $0x80, $0x38;
	[tilespmem:$0x1A300] =	vst v63  }
0x173: {  	s1 =	sadd.s32 s18, s8  }
0x174: {  	[hbm4b:s1+s0] =	stream.linear.scatter [tilespmem:s23], [sflag:$0x1], $0x80, $0x38;
	[tilespmem:$0x1A300] =	vst v63  }
0x175: {  	s1 =	sadd.s32 s18, s9  }
0x176: {  	[hbm4b:s1+s0] =	stream.linear.scatter [tilespmem:s24], [sflag:$0x1], $0x80, $0x38;
	[tilespmem:$0x1A300] =	vst v63  }
0x177: {  	s1 =	sadd.s32 s18, s10  }
0x178: {  	[hbm4b:s1+s0] =	stream.linear.scatter [tilespmem:s25], [sflag:$0x1], $0x80, $0x38;
	[tilespmem:$0x1A300] =	vst v63  }
0x179: {  	s1 =	sadd.s32 s18, s11  }
0x17a: {  	[hbm4b:s1+s0] =	stream.linear.scatter [tilespmem:s26], [sflag:$0x1], $0x80, $0x38;
	[tilespmem:$0x1A300] =	vst v63  }
0x17b: {  	s1 =	sadd.s32 s18, s12  }
0x17c: {  	[hbm4b:s1+s0] =	stream.linear.scatter [tilespmem:s28], [sflag:$0x1], $0x80, $0x38;
	[tilespmem:$0x1A300] =	vst v63  }
0x17d: {  	s1 =	sadd.s32 s18, s13  }
0x17e: {  	[hbm4b:s1+s0] =	stream.linear.scatter [tilespmem:s29], [sflag:$0x1], $0x80, $0x38;
	[tilespmem:$0x1A300] =	vst v63  }
0x17f: {  	s18 =	sadd.s32 s18, s14  }
0x180: {  	[hbm4b:s18+s0] =	stream.linear.scatter [tilespmem:s30], [sflag:$0x1], $0x80, $0x38;
	[tilespmem:$0x1A300] =	vst v63  }
0x181: {  	_ =	swait.ge [sflag:s15], $0x80  }
0x182: {  	[sflag:s15] =	ssyncset.done $0x0  }
0x183: {  	[sflag:s15] =	ssyncadd.s32 $0xFFFFFF80  }
0x184: {  	_ =	swait.ge [sflag:s15], $0x80  }
0x185: {  	[sflag:s15] =	ssyncset.done $0x0  }
0x186: {  	[sflag:s15] =	ssyncadd.s32 $0xFFFFFF80  }
0x187: {  	_ =	swait.ge [sflag:s15], $0x80  }
0x188: {  	[sflag:s15] =	ssyncset.done $0x0  }
0x189: {  	[sflag:s15] =	ssyncadd.s32 $0xFFFFFF80  }
0x18a: {  	_ =	swait.ge [sflag:s15], $0x80  }
0x18b: {  	[sflag:s15] =	ssyncset.done $0x0  }
0x18c: {  	[sflag:s15] =	ssyncadd.s32 $0xFFFFFF80  }
0x18d: {  	_ =	swait.ge [sflag:s15], $0x80  }
0x18e: {  	[sflag:s15] =	ssyncset.done $0x0  }
0x18f: {  	[sflag:s15] =	ssyncadd.s32 $0xFFFFFF80  }
0x190: {  	_ =	swait.ge [sflag:s15], $0x80  }
0x191: {  	[sflag:s15] =	ssyncset.done $0x0  }
0x192: {  	[sflag:s15] =	ssyncadd.s32 $0xFFFFFF80  }
0x193: {  	_ =	swait.ge [sflag:s15], $0x80  }
0x194: {  	[sflag:s15] =	ssyncset.done $0x0  }
0x195: {  	[sflag:s15] =	ssyncadd.s32 $0xFFFFFF80  }
0x196: {  	_ =	swait.ge [sflag:s15], $0x80  }
0x197: {  	[sflag:s15] =	ssyncset.done $0x0  }
0x198: {  	p0 =	por $0x1, $0x1;
	[sflag:s15] =	ssyncadd.s32 $0xFFFFFF80  }
.LBB2_9:
0x199: {  	s0 =	sshll.u32 s0, $0x7  }
0x19a: {  	v0 =	vld [tilespmem:s0+$0x19300];
	_ =	sdelay $0x3  }
0x19b: {  	v1 =	vld [tilespmem:s0+$0x19380]  }
0x19c: {  	v2 =	vld [tilespmem:s0+$0x19400];
	_ =	sdelay $0x1  }
0x19d: {  	v3 =	vld [tilespmem:s0+$0x19480]  }
0x19e: {  	v0 =	vld.idx.msk [tilespmem:v0+s4+$0x0], $0xffff  }
0x19f: {  	v4 =	vld [tilespmem:s0+$0x19390]  }
0x1a0: {  	v5 =	vld [tilespmem:s0+$0x19410]  }
0x1a1: {  	v6 =	vld [tilespmem:s0+$0x19490]  }
0x1a2: {  	s18 =	sand.u32 $0x3FFFFF80, s0;
	v1 =	vld.idx.msk [tilespmem:v1+s4+$0x0], $0xffff  }
0x1a3: {  	v2 =	vld.idx.msk [tilespmem:v2+s4+$0x0], $0xffff;
	[tilespmem:s18+$0x19F00] =	vst v0  }
0x1a4: {  	v0 =	vld [tilespmem:s0+$0x19310]  }
0x1a5: {  	v3 =	vld.idx.msk [tilespmem:v3+s4+$0x0], $0xffff;
	_ =	sdelay $0x2  }
0x1a6: {  	[tilespmem:s0+$0x19F80] =	vst v1  }
0x1a7: {  	[tilespmem:s0+$0x1A000] =	vst v2;
	v1 =	vld.idx.msk [tilespmem:v4+s4+$0x0], $0xffff  }
0x1a8: {  	[tilespmem:s0+$0x1A080] =	vst v3;
	v2 =	vld.idx.msk [tilespmem:v5+s4+$0x0], $0xffff  }
0x1a9: {  	v3 =	vld.idx.msk [tilespmem:v6+s4+$0x0], $0xffff  }
0x1aa: {  	v0 =	vld.idx.msk [tilespmem:v0+s4+$0x0], $0xffff;
	_ =	sdelay $0x1  }
0x1ab: {  	[tilespmem:s18+$0x19F90] =	vst v1  }
0x1ac: {  	[tilespmem:s18+$0x1A010] =	vst v2;
	v1 =	vld [tilespmem:s0+$0x193A0]  }
0x1ad: {  	[tilespmem:s18+$0x1A090] =	vst v3;
	v2 =	vld [tilespmem:s0+$0x19420]  }
0x1ae: {  	v3 =	vld [tilespmem:s0+$0x194A0];
	[tilespmem:s18+$0x19F10] =	vst v0  }
0x1af: {  	v0 =	vld [tilespmem:s0+$0x19320];
	_ =	sdelay $0x4  }
0x1b0: {  	v1 =	vld.idx.msk [tilespmem:v1+s4+$0x0], $0xffff  }
0x1b1: {  	v2 =	vld.idx.msk [tilespmem:v2+s4+$0x0], $0xffff  }
0x1b2: {  	v3 =	vld.idx.msk [tilespmem:v3+s4+$0x0], $0xffff  }
0x1b3: {  	v0 =	vld.idx.msk [tilespmem:v0+s4+$0x0], $0xffff;
	_ =	sdelay $0x1  }
0x1b4: {  	[tilespmem:s18+$0x19FA0] =	vst v1  }
0x1b5: {  	[tilespmem:s18+$0x1A020] =	vst v2;
	v1 =	vld [tilespmem:s0+$0x193B0]  }
0x1b6: {  	[tilespmem:s18+$0x1A0A0] =	vst v3;
	v2 =	vld [tilespmem:s0+$0x19430]  }
0x1b7: {  	v3 =	vld [tilespmem:s0+$0x194B0];
	[tilespmem:s18+$0x19F20] =	vst v0  }
0x1b8: {  	v0 =	vld [tilespmem:s0+$0x19330];
	_ =	sdelay $0x4  }
0x1b9: {  	v1 =	vld.idx.msk [tilespmem:v1+s4+$0x0], $0xffff  }
0x1ba: {  	v2 =	vld.idx.msk [tilespmem:v2+s4+$0x0], $0xffff  }
0x1bb: {  	v3 =	vld.idx.msk [tilespmem:v3+s4+$0x0], $0xffff  }
0x1bc: {  	v0 =	vld.idx.msk [tilespmem:v0+s4+$0x0], $0xffff;
	_ =	sdelay $0x1  }
0x1bd: {  	[tilespmem:s18+$0x19FB0] =	vst v1  }
0x1be: {  	[tilespmem:s18+$0x1A030] =	vst v2;
	v1 =	vld [tilespmem:s0+$0x193C0]  }
0x1bf: {  	[tilespmem:s18+$0x1A0B0] =	vst v3;
	v2 =	vld [tilespmem:s0+$0x19440]  }
0x1c0: {  	v3 =	vld [tilespmem:s0+$0x194C0];
	[tilespmem:s18+$0x19F30] =	vst v0  }
0x1c1: {  	v0 =	vld [tilespmem:s0+$0x19340];
	_ =	sdelay $0x4  }
0x1c2: {  	v1 =	vld.idx.msk [tilespmem:v1+s4+$0x0], $0xffff  }
0x1c3: {  	v2 =	vld.idx.msk [tilespmem:v2+s4+$0x0], $0xffff  }
0x1c4: {  	v3 =	vld.idx.msk [tilespmem:v3+s4+$0x0], $0xffff  }
0x1c5: {  	v0 =	vld.idx.msk [tilespmem:v0+s4+$0x0], $0xffff;
	_ =	sdelay $0x1  }
0x1c6: {  	[tilespmem:s18+$0x19FC0] =	vst v1  }
0x1c7: {  	[tilespmem:s18+$0x1A040] =	vst v2;
	v1 =	vld [tilespmem:s0+$0x193D0]  }
0x1c8: {  	[tilespmem:s18+$0x1A0C0] =	vst v3;
	v2 =	vld [tilespmem:s0+$0x19450]  }
0x1c9: {  	v3 =	vld [tilespmem:s0+$0x194D0];
	[tilespmem:s18+$0x19F40] =	vst v0  }
0x1ca: {  	v0 =	vld [tilespmem:s0+$0x19350];
	_ =	sdelay $0x4  }
0x1cb: {  	v1 =	vld.idx.msk [tilespmem:v1+s4+$0x0], $0xffff  }
0x1cc: {  	v2 =	vld.idx.msk [tilespmem:v2+s4+$0x0], $0xffff  }
0x1cd: {  	v3 =	vld.idx.msk [tilespmem:v3+s4+$0x0], $0xffff  }
0x1ce: {  	v0 =	vld.idx.msk [tilespmem:v0+s4+$0x0], $0xffff;
	_ =	sdelay $0x1  }
0x1cf: {  	[tilespmem:s18+$0x19FD0] =	vst v1  }
0x1d0: {  	[tilespmem:s18+$0x1A050] =	vst v2;
	v1 =	vld [tilespmem:s0+$0x193E0]  }
0x1d1: {  	[tilespmem:s18+$0x1A0D0] =	vst v3;
	v2 =	vld [tilespmem:s0+$0x19460]  }
0x1d2: {  	v3 =	vld [tilespmem:s0+$0x194E0];
	[tilespmem:s18+$0x19F50] =	vst v0  }
0x1d3: {  	v0 =	vld [tilespmem:s0+$0x19360];
	_ =	sdelay $0x4  }
0x1d4: {  	v1 =	vld.idx.msk [tilespmem:v1+s4+$0x0], $0xffff  }
0x1d5: {  	v2 =	vld.idx.msk [tilespmem:v2+s4+$0x0], $0xffff  }
0x1d6: {  	v3 =	vld.idx.msk [tilespmem:v3+s4+$0x0], $0xffff  }
0x1d7: {  	v0 =	vld.idx.msk [tilespmem:v0+s4+$0x0], $0xffff;
	_ =	sdelay $0x1  }
0x1d8: {  	[tilespmem:s18+$0x19FE0] =	vst v1  }
0x1d9: {  	[tilespmem:s18+$0x1A060] =	vst v2;
	v1 =	vld [tilespmem:s0+$0x193F0]  }
0x1da: {  	[tilespmem:s18+$0x1A0E0] =	vst v3;
	v2 =	vld [tilespmem:s0+$0x19470]  }
0x1db: {  	v3 =	vld [tilespmem:s0+$0x194F0];
	[tilespmem:s18+$0x19F60] =	vst v0  }
0x1dc: {  	v0 =	vld [tilespmem:s0+$0x19370];
	_ =	sdelay $0x4  }
0x1dd: {  	v1 =	vld.idx.msk [tilespmem:v1+s4+$0x0], $0xffff  }
0x1de: {  	v2 =	vld.idx.msk [tilespmem:v2+s4+$0x0], $0xffff  }
0x1df: {  	v3 =	vld.idx.msk [tilespmem:v3+s4+$0x0], $0xffff  }
0x1e0: {  	p1 =	por p0, p0;
	v0 =	vld.idx.msk [tilespmem:v0+s4+$0x0], $0xffff  }
.Ltmp3:
0x1e1: {  	_ = 	snop;
	(pc) =	sbr.rel @p1 .LBB2_9-.Ltmp3, $4  }
0x1e2: {  	[tilespmem:s18+$0x19FF0] =	vst v1  }
0x1e3: {  	[tilespmem:s18+$0x1A070] =	vst v2  }
0x1e4: {  	[tilespmem:s18+$0x1A0F0] =	vst v3  }
0x1e5: {  	p0 =	por $0x0, $0x0;
	s0 =	simm.s32 $0x4;
	[tilespmem:s18+$0x19F70] =	vst v0  }
0x1e6: {  	s0 =	rddreg [dreg:$0x9]  }
0x1e7: {  	s0 =	sadd.s32 s0, s17  }
0x1e8: {  	s18 =	sshll.u32 s0, $0x4;
	s0 =	sshll.u32 s0, $0x1  }
0x1e9: {  	s18 =	sand.u32 $0xFFFF000, s18;
	s0 =	sand.u32 $0x1F0, s0  }
0x1ea: {  	s18 =	sor.u32 s0, s18  }
0x1eb: {  	s1 =	simm.s32 $0x19F00;
	s0 =	simm.s32 $0x0;
	s31 =	sadd.s32 s3, s18  }
0x1ec: {  	[hbm4b:s31+s0] =	stream.linear.scatter [tilespmem:s1], [sflag:$0x2], $0x80, $0x38;
	[tilespmem:$0x1A300] =	vst v63  }
0x1ed: {  	s31 =	sadd.s32 s18, s8;
	s1 =	simm.s32 $0x19F80  }
0x1ee: {  	[hbm4b:s31+s0] =	stream.linear.scatter [tilespmem:s1], [sflag:$0x2], $0x80, $0x38;
	[tilespmem:$0x1A300] =	vst v63  }
0x1ef: {  	s31 =	sadd.s32 s18, s9;
	s1 =	simm.s32 $0x1A000  }
0x1f0: {  	[hbm4b:s31+s0] =	stream.linear.scatter [tilespmem:s1], [sflag:$0x2], $0x80, $0x38;
	[tilespmem:$0x1A300] =	vst v63  }
0x1f1: {  	s1 =	sadd.s32 s18, s10  }
0x1f2: {  	[hbm4b:s1+s0] =	stream.linear.scatter [tilespmem:s6], [sflag:$0x2], $0x80, $0x38;
	[tilespmem:$0x1A300] =	vst v63  }
0x1f3: {  	s1 =	sadd.s32 s18, s11  }
0x1f4: {  	[hbm4b:s1+s0] =	stream.linear.scatter [tilespmem:s19], [sflag:$0x2], $0x80, $0x38;
	[tilespmem:$0x1A300] =	vst v63  }
0x1f5: {  	s1 =	sadd.s32 s18, s12  }
0x1f6: {  	[hbm4b:s1+s0] =	stream.linear.scatter [tilespmem:s2], [sflag:$0x2], $0x80, $0x38;
	[tilespmem:$0x1A300] =	vst v63  }
0x1f7: {  	s1 =	sadd.s32 s18, s13  }
0x1f8: {  	[hbm4b:s1+s0] =	stream.linear.scatter [tilespmem:s21], [sflag:$0x2], $0x80, $0x38;
	[tilespmem:$0x1A300] =	vst v63  }
0x1f9: {  	s18 =	sadd.s32 s18, s14  }
0x1fa: {  	[hbm4b:s18+s0] =	stream.linear.scatter [tilespmem:s5], [sflag:$0x2], $0x80, $0x38;
	[tilespmem:$0x1A300] =	vst v63  }
0x1fb: {  	_ =	swait.ge [sflag:s7], $0x80  }
0x1fc: {  	[sflag:s7] =	ssyncset.done $0x0  }
0x1fd: {  	[sflag:s7] =	ssyncadd.s32 $0xFFFFFF80  }
0x1fe: {  	_ =	swait.ge [sflag:s7], $0x80  }
0x1ff: {  	[sflag:s7] =	ssyncset.done $0x0  }
0x200: {  	[sflag:s7] =	ssyncadd.s32 $0xFFFFFF80  }
0x201: {  	_ =	swait.ge [sflag:s7], $0x80  }
0x202: {  	[sflag:s7] =	ssyncset.done $0x0  }
0x203: {  	[sflag:s7] =	ssyncadd.s32 $0xFFFFFF80  }
0x204: {  	_ =	swait.ge [sflag:s7], $0x80  }
0x205: {  	[sflag:s7] =	ssyncset.done $0x0  }
0x206: {  	[sflag:s7] =	ssyncadd.s32 $0xFFFFFF80  }
0x207: {  	_ =	swait.ge [sflag:s7], $0x80  }
0x208: {  	[sflag:s7] =	ssyncset.done $0x0  }
0x209: {  	[sflag:s7] =	ssyncadd.s32 $0xFFFFFF80  }
0x20a: {  	_ =	swait.ge [sflag:s7], $0x80  }
0x20b: {  	[sflag:s7] =	ssyncset.done $0x0  }
0x20c: {  	[sflag:s7] =	ssyncadd.s32 $0xFFFFFF80  }
0x20d: {  	_ =	swait.ge [sflag:s7], $0x80  }
0x20e: {  	[sflag:s7] =	ssyncset.done $0x0  }
0x20f: {  	[sflag:s7] =	ssyncadd.s32 $0xFFFFFF80  }
0x210: {  	_ =	swait.ge [sflag:s7], $0x80  }
0x211: {  	[sflag:s7] =	ssyncset.done $0x0  }
0x212: {  	p0 =	por $0x1, $0x1;
	[sflag:s7] =	ssyncadd.s32 $0xFFFFFF80  }
.LBB2_11:
0x213: {  	s0 =	sshll.u32 s0, $0x7  }
0x214: {  	v0 =	vld [tilespmem:s0+$0x19700];
	_ =	sdelay $0x3  }
0x215: {  	v1 =	vld [tilespmem:s0+$0x19780]  }
0x216: {  	v2 =	vld [tilespmem:s0+$0x19800];
	_ =	sdelay $0x1  }
0x217: {  	v3 =	vld [tilespmem:s0+$0x19880]  }
0x218: {  	v0 =	vld.idx.msk [tilespmem:v0+s4+$0x0], $0xffff  }
0x219: {  	v4 =	vld [tilespmem:s0+$0x19790]  }
0x21a: {  	v5 =	vld [tilespmem:s0+$0x19810]  }
0x21b: {  	v6 =	vld [tilespmem:s0+$0x19890]  }
0x21c: {  	s18 =	sand.u32 $0x3FFFFF80, s0;
	v1 =	vld.idx.msk [tilespmem:v1+s4+$0x0], $0xffff  }
0x21d: {  	v2 =	vld.idx.msk [tilespmem:v2+s4+$0x0], $0xffff;
	[tilespmem:s18+$0x19B00] =	vst v0  }
0x21e: {  	v0 =	vld [tilespmem:s0+$0x19710]  }
0x21f: {  	v3 =	vld.idx.msk [tilespmem:v3+s4+$0x0], $0xffff;
	_ =	sdelay $0x2  }
0x220: {  	[tilespmem:s0+$0x19B80] =	vst v1  }
0x221: {  	[tilespmem:s0+$0x19C00] =	vst v2;
	v1 =	vld.idx.msk [tilespmem:v4+s4+$0x0], $0xffff  }
0x222: {  	[tilespmem:s0+$0x19C80] =	vst v3;
	v2 =	vld.idx.msk [tilespmem:v5+s4+$0x0], $0xffff  }
0x223: {  	v3 =	vld.idx.msk [tilespmem:v6+s4+$0x0], $0xffff  }
0x224: {  	v0 =	vld.idx.msk [tilespmem:v0+s4+$0x0], $0xffff;
	_ =	sdelay $0x1  }
0x225: {  	[tilespmem:s18+$0x19B90] =	vst v1  }
0x226: {  	[tilespmem:s18+$0x19C10] =	vst v2;
	v1 =	vld [tilespmem:s0+$0x197A0]  }
0x227: {  	[tilespmem:s18+$0x19C90] =	vst v3;
	v2 =	vld [tilespmem:s0+$0x19820]  }
0x228: {  	v3 =	vld [tilespmem:s0+$0x198A0];
	[tilespmem:s18+$0x19B10] =	vst v0  }
0x229: {  	v0 =	vld [tilespmem:s0+$0x19720];
	_ =	sdelay $0x4  }
0x22a: {  	v1 =	vld.idx.msk [tilespmem:v1+s4+$0x0], $0xffff  }
0x22b: {  	v2 =	vld.idx.msk [tilespmem:v2+s4+$0x0], $0xffff  }
0x22c: {  	v3 =	vld.idx.msk [tilespmem:v3+s4+$0x0], $0xffff  }
0x22d: {  	v0 =	vld.idx.msk [tilespmem:v0+s4+$0x0], $0xffff;
	_ =	sdelay $0x1  }
0x22e: {  	[tilespmem:s18+$0x19BA0] =	vst v1  }
0x22f: {  	[tilespmem:s18+$0x19C20] =	vst v2;
	v1 =	vld [tilespmem:s0+$0x197B0]  }
0x230: {  	[tilespmem:s18+$0x19CA0] =	vst v3;
	v2 =	vld [tilespmem:s0+$0x19830]  }
0x231: {  	v3 =	vld [tilespmem:s0+$0x198B0];
	[tilespmem:s18+$0x19B20] =	vst v0  }
0x232: {  	v0 =	vld [tilespmem:s0+$0x19730];
	_ =	sdelay $0x4  }
0x233: {  	v1 =	vld.idx.msk [tilespmem:v1+s4+$0x0], $0xffff  }
0x234: {  	v2 =	vld.idx.msk [tilespmem:v2+s4+$0x0], $0xffff  }
0x235: {  	v3 =	vld.idx.msk [tilespmem:v3+s4+$0x0], $0xffff  }
0x236: {  	v0 =	vld.idx.msk [tilespmem:v0+s4+$0x0], $0xffff;
	_ =	sdelay $0x1  }
0x237: {  	[tilespmem:s18+$0x19BB0] =	vst v1  }
0x238: {  	[tilespmem:s18+$0x19C30] =	vst v2;
	v1 =	vld [tilespmem:s0+$0x197C0]  }
0x239: {  	[tilespmem:s18+$0x19CB0] =	vst v3;
	v2 =	vld [tilespmem:s0+$0x19840]  }
0x23a: {  	v3 =	vld [tilespmem:s0+$0x198C0];
	[tilespmem:s18+$0x19B30] =	vst v0  }
0x23b: {  	v0 =	vld [tilespmem:s0+$0x19740];
	_ =	sdelay $0x4  }
0x23c: {  	v1 =	vld.idx.msk [tilespmem:v1+s4+$0x0], $0xffff  }
0x23d: {  	v2 =	vld.idx.msk [tilespmem:v2+s4+$0x0], $0xffff  }
0x23e: {  	v3 =	vld.idx.msk [tilespmem:v3+s4+$0x0], $0xffff  }
0x23f: {  	v0 =	vld.idx.msk [tilespmem:v0+s4+$0x0], $0xffff;
	_ =	sdelay $0x1  }
0x240: {  	[tilespmem:s18+$0x19BC0] =	vst v1  }
0x241: {  	[tilespmem:s18+$0x19C40] =	vst v2;
	v1 =	vld [tilespmem:s0+$0x197D0]  }
0x242: {  	[tilespmem:s18+$0x19CC0] =	vst v3;
	v2 =	vld [tilespmem:s0+$0x19850]  }
0x243: {  	v3 =	vld [tilespmem:s0+$0x198D0];
	[tilespmem:s18+$0x19B40] =	vst v0  }
0x244: {  	v0 =	vld [tilespmem:s0+$0x19750];
	_ =	sdelay $0x4  }
0x245: {  	v1 =	vld.idx.msk [tilespmem:v1+s4+$0x0], $0xffff  }
0x246: {  	v2 =	vld.idx.msk [tilespmem:v2+s4+$0x0], $0xffff  }
0x247: {  	v3 =	vld.idx.msk [tilespmem:v3+s4+$0x0], $0xffff  }
0x248: {  	v0 =	vld.idx.msk [tilespmem:v0+s4+$0x0], $0xffff;
	_ =	sdelay $0x1  }
0x249: {  	[tilespmem:s18+$0x19BD0] =	vst v1  }
0x24a: {  	[tilespmem:s18+$0x19C50] =	vst v2;
	v1 =	vld [tilespmem:s0+$0x197E0]  }
0x24b: {  	[tilespmem:s18+$0x19CD0] =	vst v3;
	v2 =	vld [tilespmem:s0+$0x19860]  }
0x24c: {  	v3 =	vld [tilespmem:s0+$0x198E0];
	[tilespmem:s18+$0x19B50] =	vst v0  }
0x24d: {  	v0 =	vld [tilespmem:s0+$0x19760];
	_ =	sdelay $0x4  }
0x24e: {  	v1 =	vld.idx.msk [tilespmem:v1+s4+$0x0], $0xffff  }
0x24f: {  	v2 =	vld.idx.msk [tilespmem:v2+s4+$0x0], $0xffff  }
0x250: {  	v3 =	vld.idx.msk [tilespmem:v3+s4+$0x0], $0xffff  }
0x251: {  	v0 =	vld.idx.msk [tilespmem:v0+s4+$0x0], $0xffff;
	_ =	sdelay $0x1  }
0x252: {  	[tilespmem:s18+$0x19BE0] =	vst v1  }
0x253: {  	[tilespmem:s18+$0x19C60] =	vst v2;
	v1 =	vld [tilespmem:s0+$0x197F0]  }
0x254: {  	[tilespmem:s18+$0x19CE0] =	vst v3;
	v2 =	vld [tilespmem:s0+$0x19870]  }
0x255: {  	v3 =	vld [tilespmem:s0+$0x198F0];
	[tilespmem:s18+$0x19B60] =	vst v0  }
0x256: {  	v0 =	vld [tilespmem:s0+$0x19770];
	_ =	sdelay $0x4  }
0x257: {  	v1 =	vld.idx.msk [tilespmem:v1+s4+$0x0], $0xffff  }
0x258: {  	v2 =	vld.idx.msk [tilespmem:v2+s4+$0x0], $0xffff  }
0x259: {  	v3 =	vld.idx.msk [tilespmem:v3+s4+$0x0], $0xffff  }
0x25a: {  	p1 =	por p0, p0;
	v0 =	vld.idx.msk [tilespmem:v0+s4+$0x0], $0xffff  }
.Ltmp4:
0x25b: {  	_ = 	snop;
	(pc) =	sbr.rel @p1 .LBB2_11-.Ltmp4, $4  }
0x25c: {  	[tilespmem:s18+$0x19BF0] =	vst v1  }
0x25d: {  	[tilespmem:s18+$0x19C70] =	vst v2  }
0x25e: {  	[tilespmem:s18+$0x19CF0] =	vst v3  }
0x25f: {  	p0 =	por $0x0, $0x0;
	s0 =	simm.s32 $0x4;
	[tilespmem:s18+$0x19B70] =	vst v0  }
0x260: {  	s0 =	rddreg [dreg:$0xa]  }
0x261: {  	s0 =	sadd.s32 s0, s17  }
0x262: {  	s17 =	sshll.u32 s0, $0x4;
	s0 =	sshll.u32 s0, $0x1  }
0x263: {  	s17 =	sand.u32 $0xFFFF000, s17;
	s0 =	sand.u32 $0x1F0, s0  }
0x264: {  	s0 =	sor.u32 s0, s17  }
0x265: {  	s17 =	sadd.s32 s3, s0  }
0x266: {  	[hbm4b:s17+s4] =	stream.linear.scatter [tilespmem:s22], [sflag:$0x1], $0x80, $0x38;
	[tilespmem:$0x1A300] =	vst v63  }
0x267: {  	s1 =	sadd.s32 s0, s8  }
0x268: {  	[hbm4b:s1+s4] =	stream.linear.scatter [tilespmem:s23], [sflag:$0x1], $0x80, $0x38;
	[tilespmem:$0x1A300] =	vst v63  }
0x269: {  	s18 =	sadd.s32 s0, s9  }
0x26a: {  	[hbm4b:s18+s4] =	stream.linear.scatter [tilespmem:s24], [sflag:$0x1], $0x80, $0x38;
	[tilespmem:$0x1A300] =	vst v63  }
0x26b: {  	s31 =	sadd.s32 s0, s10  }
0x26c: {  	[hbm4b:s31+s4] =	stream.linear.scatter [tilespmem:s25], [sflag:$0x1], $0x80, $0x38;
	[tilespmem:$0x1A300] =	vst v63  }
0x26d: {  	s16 =	sadd.s32 $0x1, s16;
	s1 =	sadd.s32 s0, s11  }
0x26e: {  	[hbm4b:s1+s4] =	stream.linear.scatter [tilespmem:s26], [sflag:$0x1], $0x80, $0x38;
	[tilespmem:$0x1A300] =	vst v63  }
0x26f: {  	p0 =	sne.s32 s16, $0x5;
	s18 =	sadd.s32 s0, s12  }
0x270: {  	[hbm4b:s18+s4] =	stream.linear.scatter [tilespmem:s28], [sflag:$0x1], $0x80, $0x38;
	[tilespmem:$0x1A300] =	vst v63  }
.Ltmp5:
0x271: {  	_ = 	snop;
	(pc) =	sbr.rel @p0 .LBB2_2-.Ltmp5, $4  }
0x272: {  	s31 =	sadd.s32 s0, s13  }
0x273: {  	[hbm4b:s31+s4] =	stream.linear.scatter [tilespmem:s29], [sflag:$0x1], $0x80, $0x38;
	[tilespmem:$0x1A300] =	vst v63  }
0x274: {  	s0 =	sadd.s32 s0, s14  }
0x275: {  	[hbm4b:s0+s4] =	stream.linear.scatter [tilespmem:s30], [sflag:$0x1], $0x80, $0x38;
	[tilespmem:$0x1A300] =	vst v63  }
0x276: {  	_ =	swait.ge [sflag:s7], $0x80  }
0x277: {  	[sflag:s7] =	ssyncset.done $0x0  }
0x278: {  	[sflag:s7] =	ssyncadd.s32 $0xFFFFFF80  }
0x279: {  	_ =	swait.ge [sflag:s7], $0x80  }
0x27a: {  	[sflag:s7] =	ssyncset.done $0x0  }
0x27b: {  	[sflag:s7] =	ssyncadd.s32 $0xFFFFFF80  }
0x27c: {  	_ =	swait.ge [sflag:s7], $0x80  }
0x27d: {  	[sflag:s7] =	ssyncset.done $0x0  }
0x27e: {  	[sflag:s7] =	ssyncadd.s32 $0xFFFFFF80  }
0x27f: {  	_ =	swait.ge [sflag:s7], $0x80  }
0x280: {  	[sflag:s7] =	ssyncset.done $0x0  }
0x281: {  	[sflag:s7] =	ssyncadd.s32 $0xFFFFFF80  }
0x282: {  	_ =	swait.ge [sflag:s7], $0x80  }
0x283: {  	[sflag:s7] =	ssyncset.done $0x0  }
0x284: {  	[sflag:s7] =	ssyncadd.s32 $0xFFFFFF80  }
0x285: {  	_ =	swait.ge [sflag:s7], $0x80  }
0x286: {  	[sflag:s7] =	ssyncset.done $0x0  }
0x287: {  	[sflag:s7] =	ssyncadd.s32 $0xFFFFFF80  }
0x288: {  	_ =	swait.ge [sflag:s7], $0x80  }
0x289: {  	[sflag:s7] =	ssyncset.done $0x0  }
0x28a: {  	[sflag:s7] =	ssyncadd.s32 $0xFFFFFF80  }
0x28b: {  	_ =	swait.ge [sflag:s7], $0x80  }
0x28c: {  	[sflag:s7] =	ssyncset.done $0x0  }
0x28d: {  	[sflag:s7] =	ssyncadd.s32 $0xFFFFFF80  }
0x28e: {  	_ =	swait.ge [sflag:s15], $0x80  }
0x28f: {  	[sflag:s15] =	ssyncset.done $0x0  }
0x290: {  	[sflag:s15] =	ssyncadd.s32 $0xFFFFFF80  }
0x291: {  	_ =	swait.ge [sflag:s15], $0x80  }
0x292: {  	[sflag:s15] =	ssyncset.done $0x0  }
0x293: {  	[sflag:s15] =	ssyncadd.s32 $0xFFFFFF80  }
0x294: {  	_ =	swait.ge [sflag:s15], $0x80  }
0x295: {  	[sflag:s15] =	ssyncset.done $0x0  }
0x296: {  	[sflag:s15] =	ssyncadd.s32 $0xFFFFFF80  }
0x297: {  	_ =	swait.ge [sflag:s15], $0x80  }
0x298: {  	[sflag:s15] =	ssyncset.done $0x0  }
0x299: {  	[sflag:s15] =	ssyncadd.s32 $0xFFFFFF80  }
0x29a: {  	_ =	swait.ge [sflag:s15], $0x80  }
0x29b: {  	[sflag:s15] =	ssyncset.done $0x0  }
0x29c: {  	[sflag:s15] =	ssyncadd.s32 $0xFFFFFF80  }
0x29d: {  	_ =	swait.ge [sflag:s15], $0x80  }
0x29e: {  	[sflag:s15] =	ssyncset.done $0x0  }
0x29f: {  	[sflag:s15] =	ssyncadd.s32 $0xFFFFFF80  }
0x2a0: {  	_ =	swait.ge [sflag:s15], $0x80  }
0x2a1: {  	[sflag:s15] =	ssyncset.done $0x0  }
0x2a2: {  	[sflag:s15] =	ssyncadd.s32 $0xFFFFFF80  }
0x2a3: {  	_ =	swait.ge [sflag:s15], $0x80  }
0x2a4: {  	s1 =	rddreg [dreg:$0xc]  }
0x2a5: {  	s0 =	rddreg [dreg:$0xb];
	s1 =	sadd.s32 $0x1, s1  }
0x2a6: {  	p0 =	sne.s32 s1, s0  }
.Ltmp6:
0x2a7: {  	_ = 	snop;
	(pc) =	sbr.rel @p0 .LBB2_1-.Ltmp6, $3  }
0x2a8: {  	_ =	sdelay $0x1  }
0x2a9: {  	[sflag:s15] =	ssyncset.done $0x0  }
0x2aa: {  	[sflag:s15] =	ssyncadd.s32 $0xFFFFFF80  }
0x2ab: {  	_ =	sfence.sel $0x180000  }
0x2ac: {  	[bflag:$0x0] =	sbarrier.arrive $0xFFFF  }
0x2ad: {  	_ =	strace $0x90000047  }
0x2ae: {  	s0 =	stileid.u32;
	[bflag:$0x2] =	sbarrier.arrive $0xFFFF  }
0x2af: {  	p0 =	sne.s32 s0, $0x0;
	s0 =	rddreg [dreg:$0x3]  }
0x2b0: {  	s0 =	sadd.s32 @!p0 $0x100000, s0  }
0x2b1: {  	[sflag:s0] =	ssyncadd.tile.s32 @!p0 $0x1;
	_ =	shalt  }
.Lfunc_end2:
_tile_overlayer_lowered:
.L_overlay_start_2:
0x2b2: {  	(tag) =	ssettag $0x2  }
0x2b3: {  	s0 =	rddreg [dreg:$0x0];
	s2 =	stileid.u32  }
0x2b4: {  	s1 =	rddreg [dreg:$0x1];
	p0 =	sne.s32 s2, $0x0  }
0x2b5: {  	s3 =	rddreg [dreg:$0x2];
	[bflag:$0x3] =	sbarrier.arrive $0xFFFF;
	s2 =	simm.s32 @!p0 $0x1C03  }
0x2b6: {  	[timem:s3], [sflag:s2] =	dma.local @!p0 [hbm:s0], s1  }
0x2b7: {  	s0 =	simm.s32 @!p0 $0x3  }
0x2b8: {  	_ =	swait.ge @!p0 [sflag:s0], s1  }
0x2b9: {  	s1 =	ssub.s32 @!p0 $0x0, s1;
	[sflag:s0] =	ssyncset.done @!p0 $0x0  }
0x2ba: {  	[sflag:s0] =	ssyncadd.s32 @!p0 s1  }
0x2bb: {  	[bflag:$0x3] =	sbarrier.arrive $0xFFFF  }
0x2bc: {  	_ =	shalt  }

</sc_bundles>
